<compile_context>
chip_gen: v7x
topology: tpu7x:2x2x1
jax: 0.10.2.dev20260603
libtpu: 0.0.44.dev20260713+nightly
codegen_flags: <defaults>
</compile_context>

<pallas_src>
import jax
import jax.numpy as jnp
from jax import lax
from jax.experimental import pallas as pl
from jax.experimental.pallas import tpu as pltpu
from jax.experimental.pallas import tpu_sc as plsc

N = 10000
E = 320000
D = 128
NC = 2
NS = 16
NP = 10240
RPT = NP // NS
CH = 64
NCHUNK = 320
EPT = NCHUNK * CH
EPAD = NS * EPT
PERM_ROWS = NP // (NS * CH)
BB = 32
NB = NCHUNK // BB
R = 4


def _sc_body(xpad, perm4, row4, col4, zeros, xp, a0, a1,
             acc, rows, cols, bufs, gsems, ssems, isems):
    cid = lax.axis_index("c")
    sid = lax.axis_index("s")

    pltpu.sync_copy(zeros, acc.at[pl.ds(sid * RPT, RPT)])

    @pl.when(cid == 1)
    def _():
        pidx = rows[0]
        pltpu.sync_copy(perm4.at[sid], pidx.at[pl.ds(0, PERM_ROWS)])

        def sgather(j, s):
            pltpu.async_copy(xpad.at[pidx.at[j]], bufs[s], gsems[s])

        def swrite(j, s):
            return pltpu.make_async_copy(
                bufs[s], xp.at[pl.ds(sid * RPT + j * CH, CH)], ssems[s])

        sgather(0, 0)
        sgather(1, 1)
        for j in range(PERM_ROWS):
            s = j % 2
            pltpu.make_async_copy(
                xpad.at[pidx.at[j]], bufs[s], gsems[s]).wait()
            swrite(j, s).start()
            swrite(j, s).wait()
            if j + 2 < PERM_ROWS:
                sgather(j + 2, s)

    plsc.subcore_barrier()

    def phase_b(tbl, dst):
        def gstart(j, s, col_b):
            pltpu.async_copy(tbl.at[col_b.at[j]], bufs[s], gsems[s])

        def gwait(j, s, col_b):
            pltpu.make_async_copy(tbl.at[col_b.at[j]], bufs[s],
                                  gsems[s]).wait()

        def sstart(j, s, row_b):
            pltpu.async_copy(bufs[s], acc.at[row_b.at[j]], ssems[s],
                             add=True)

        def swait(j, s, row_b):
            pltpu.make_async_copy(bufs[s], acc.at[row_b.at[j]],
                                  ssems[s]).wait()

        def batch_core(bi, my_row, my_col, nx_row, nx_col):
            @pl.when(bi > 0)
            def _():
                pltpu.make_async_copy(row4.at[sid * NB + bi], my_row,
                                      isems[0]).wait()
                pltpu.make_async_copy(col4.at[sid * NB + bi], my_col,
                                      isems[1]).wait()

            @pl.when(bi + 1 < NB)
            def _():
                pltpu.async_copy(row4.at[sid * NB + bi + 1], nx_row,
                                 isems[0])
                pltpu.async_copy(col4.at[sid * NB + bi + 1], nx_col,
                                 isems[1])

            gstart(0, 0, my_col)
            gstart(1, 1, my_col)
            gstart(2, 2, my_col)

            def body(k, carry):
                for s in range(R):
                    j = R * k + s

                    @pl.when(j >= 1)
                    def _():
                        swait(j - 1, (s - 1) % R, my_row)

                    @pl.when(j + 3 < BB)
                    def _():
                        gstart(j + 3, (s + 3) % R, my_col)

                    gwait(j, s, my_col)
                    sstart(j, s, my_row)
                return carry

            lax.fori_loop(0, BB // R, body, 0)
            swait(BB - 1, (BB - 1) % R, my_row)

        pltpu.sync_copy(row4.at[sid * NB], rows[0])
        pltpu.sync_copy(col4.at[sid * NB], cols[0])

        def pair(i2, carry):
            batch_core(2 * i2, rows[0], cols[0], rows[1], cols[1])
            batch_core(2 * i2 + 1, rows[1], cols[1], rows[0], cols[0])
            return carry

        lax.fori_loop(0, NB // 2, pair, 0)

        plsc.subcore_barrier()
        sl = pl.ds(sid * RPT, RPT)
        pltpu.sync_copy(acc.at[sl], dst.at[sl])

    @pl.when(cid == 0)
    def _():
        phase_b(xpad, a0)

    @pl.when(cid == 1)
    def _():
        phase_b(xp, a1)


_sc_call = pl.kernel(
    _sc_body,
    out_type=[
        jax.ShapeDtypeStruct((NP, D), jnp.float32),
        jax.ShapeDtypeStruct((NP, D), jnp.float32),
        jax.ShapeDtypeStruct((NP, D), jnp.float32),
    ],
    mesh=plsc.VectorSubcoreMesh(
        core_axis_name="c", subcore_axis_name="s",
        num_cores=NC, num_subcores=NS),
    scratch_types=[
        pltpu.VMEM_SHARED((NP, D), jnp.float32),
        tuple(pltpu.VMEM((BB, CH), jnp.int32) for _ in range(2)),
        tuple(pltpu.VMEM((BB, CH), jnp.int32) for _ in range(2)),
        tuple(pltpu.VMEM((CH, D), jnp.float32) for _ in range(R)),
        tuple(pltpu.SemaphoreType.DMA for _ in range(R)),
        tuple(pltpu.SemaphoreType.DMA for _ in range(R)),
        tuple(pltpu.SemaphoreType.DMA for _ in range(2)),
    ],
)


BLK = 2000


def _p1_body(a_ref, w_ref, b_ref, pw_ref, out_ref):
    i = pl.program_id(0)
    z = jnp.dot(a_ref[...].astype(jnp.float32), w_ref[...],
                preferred_element_type=jnp.float32)
    z = z + b_ref[...]
    z = jnp.where(z > 0, z, pw_ref[...] * z)
    part = jnp.sum(z, axis=0, keepdims=True)

    @pl.when(i == 0)
    def _():
        out_ref[...] = jnp.zeros_like(out_ref)

    out_ref[...] += part


def _p2_body(a0_ref, a1_ref, w_ref, b_ref, pw_ref, wb_ref, cs_ref, bb_ref,
             out_ref):
    i = pl.program_id(0)
    g = 1.0 / (1.0 + jnp.exp(-cs_ref[...] * (1.0 / N)))

    def score(a_ref):
        z = jnp.dot(a_ref[...].astype(jnp.float32), w_ref[...],
                    preferred_element_type=jnp.float32)
        z = z + b_ref[...]
        z = jnp.where(z > 0, z, pw_ref[...] * z)
        y = jnp.dot(z, wb_ref[...], preferred_element_type=jnp.float32)
        return jnp.sum(y * g, axis=1, keepdims=True) + bb_ref[0, 0]

    s0 = score(a0_ref)
    s1 = score(a1_ref)
    l0 = jnp.maximum(s0, 0.0) - s0 + jnp.log(1.0 + jnp.exp(-jnp.abs(s0)))
    l1 = jnp.maximum(s1, 0.0) + jnp.log(1.0 + jnp.exp(-jnp.abs(s1)))
    part = (jnp.sum(l0, keepdims=True) + jnp.sum(l1, keepdims=True)) * (
        1.0 / (2 * N))

    @pl.when(i == 0)
    def _():
        out_ref[...] = jnp.zeros_like(out_ref)

    out_ref[...] += jnp.reshape(part, (1, 1))


def kernel(x, edges, perm, W_enc, b_enc, prelu_w, W_bil, b_bil):
    x_pad = jnp.pad(x.astype(jnp.float32), ((0, NP - N), (0, 0)))
    row = edges[:, 0].astype(jnp.int32)
    col = edges[:, 1].astype(jnp.int32)
    pad = jnp.full((EPAD - E,), N, jnp.int32)
    row4 = jnp.concatenate([row, pad]).reshape(NS * NB, BB, CH)
    col4 = jnp.concatenate([col, pad]).reshape(NS * NB, BB, CH)
    perm4 = jnp.concatenate(
        [perm.astype(jnp.int32), jnp.zeros((NP - N,), jnp.int32)]
    ).reshape(NS, PERM_ROWS, CH)
    zeros = jnp.zeros((RPT, D), jnp.float32)

    _, a0, a1 = _sc_call(x_pad, perm4, row4, col4, zeros)
    a0 = a0[:N]
    a1 = a1[:N]

    b2 = b_enc.astype(jnp.float32).reshape(1, D)
    pw2 = prelu_w.astype(jnp.float32).reshape(1, D)
    bb2 = jnp.asarray(b_bil, jnp.float32).reshape(1, 1)

    grid = (N // BLK,)
    colsum = pl.pallas_call(
        _p1_body,
        grid=grid,
        in_specs=[
            pl.BlockSpec((BLK, D), lambda i: (i, 0)),
            pl.BlockSpec((D, D), lambda i: (0, 0)),
            pl.BlockSpec((1, D), lambda i: (0, 0)),
            pl.BlockSpec((1, D), lambda i: (0, 0)),
        ],
        out_specs=pl.BlockSpec((1, D), lambda i: (0, 0)),
        out_shape=jax.ShapeDtypeStruct((1, D), jnp.float32),
    )(a0, W_enc, b2, pw2)

    loss = pl.pallas_call(
        _p2_body,
        grid=grid,
        in_specs=[
            pl.BlockSpec((BLK, D), lambda i: (i, 0)),
            pl.BlockSpec((BLK, D), lambda i: (i, 0)),
            pl.BlockSpec((D, D), lambda i: (0, 0)),
            pl.BlockSpec((1, D), lambda i: (0, 0)),
            pl.BlockSpec((1, D), lambda i: (0, 0)),
            pl.BlockSpec((D, D), lambda i: (0, 0)),
            pl.BlockSpec((1, D), lambda i: (0, 0)),
            pl.BlockSpec((1, 1), lambda i: (0, 0)),
        ],
        out_specs=pl.BlockSpec((1, 1), lambda i: (0, 0)),
        out_shape=jax.ShapeDtypeStruct((1, 1), jnp.float32),
    )(a0, a1, W_enc, b2, pw2, W_bil, colsum, bb2)

    return jnp.reshape(loss, ())

# --- scband reference (transcript-rebuilt; emitter-appended) ---
"""Pipeline reference for scband-pretrain-dgi-24369644437903 (READ-ONLY COPY).

The authoritative reference and input builder live on the scoring server;
editing this copy changes nothing except your own understanding.
"""

import jax, jax.numpy as jnp
import numpy as np

N = 10000
E = 320000
D = 128

def setup_inputs(seed: int = 0) -> dict:
    key = jax.random.key(seed)
    ks = jax.random.split(key, 6)
    x = jax.random.normal(ks[0], (N, D), dtype=jnp.float32)
    edges = jax.random.randint(ks[1], (E, 2), 0, N, dtype=jnp.int32)
    perm = jax.random.permutation(ks[2], N)
    W_enc = jax.random.normal(ks[3], (D, D), dtype=jnp.float32) * (1.0 / np.sqrt(D))
    b_enc = jnp.zeros((D,), dtype=jnp.float32)
    prelu_w = jnp.full((D,), 0.25, dtype=jnp.float32)
    lim = float(np.sqrt(6.0 / (D + D)))
    W_bil = jax.random.uniform(ks[4], (D, D), minval=-lim, maxval=lim, dtype=jnp.float32)
    b_bil = jnp.zeros((), dtype=jnp.float32)
    return {"x": x, "edges": edges, "perm": perm, "W_enc": W_enc, "b_enc": b_enc,
            "prelu_w": prelu_w, "W_bil": W_bil, "b_bil": b_bil}

def reference(x, edges, perm, W_enc, b_enc, prelu_w, W_bil, b_bil):
    # A = SparseTensor.from_edge_index(edges.t(), ones(E), [N, N]); row=edges[:,0], col=edges[:,1]
    row = edges[:, 0]
    col = edges[:, 1]
    def encoder(feat):
        # one-layer GCN: aggregate neighbors via sparse A @ feat, then linear
        agg = jnp.zeros((feat.shape[0], feat.shape[1]), feat.dtype).at[row].add(feat[col])
        return agg @ W_enc + b_enc
    def prelu(v):
        return jnp.where(v > 0, v, prelu_w * v)
    z = prelu(encoder(x))
    g = jax.nn.sigmoid(jnp.mean(z, axis=0))  # summary vector (same for all rows after expand)
    gW = W_bil @ g  # bilinear: s_i = z_i^T W g + b
    s = z @ gW + b_bil
    xn = x[perm]  # corrupted (shuffled) features
    zn = prelu(encoder(xn))
    sn = zn @ gW + b_bil
    logits = jnp.concatenate([s, sn], axis=0)
    labels = jnp.concatenate([jnp.ones_like(s), jnp.zeros_like(sn)], axis=0)
    # BCEWithLogitsLoss (mean reduction), numerically stable form
    loss = jnp.mean(jnp.maximum(logits, 0.0) - logits * labels + jnp.log1p(jnp.exp(-jnp.abs(logits))))
    return loss

if __name__ == "__main__":
    import jax
    _d = setup_inputs()
    print(jax.jit(kernel)(*tuple(_d.values())))

</pallas_src>

<mosaic_0001>
#map = affine_map<(d0, d1) -> (0, 0)>
#map1 = affine_map<(d0, d1) -> (0, 0, 0)>
module attributes {stable_mosaic.version = 14 : i64} {
  func.func @_sc_body(%arg0: i32, %arg1: i32, %arg2: memref<10240x128xf32, #tpu.memory_space<hbm>>, %arg3: memref<16x10x64xi32, #tpu.memory_space<hbm>>, %arg4: memref<160x32x64xi32, #tpu.memory_space<hbm>>, %arg5: memref<160x32x64xi32, #tpu.memory_space<hbm>>, %arg6: memref<640x128xf32, #tpu.memory_space<hbm>>, %arg7: memref<10240x128xf32, #tpu.memory_space<hbm>>, %arg8: memref<10240x128xf32, #tpu.memory_space<hbm>>, %arg9: memref<10240x128xf32, #tpu.memory_space<hbm>>, %arg10: memref<10240x128xf32, #tpu.memory_space<vmem_shared>>, %arg11: memref<32x64xi32, #tpu.memory_space<vmem>>, %arg12: memref<32x64xi32, #tpu.memory_space<vmem>>, %arg13: memref<32x64xi32, #tpu.memory_space<vmem>>, %arg14: memref<32x64xi32, #tpu.memory_space<vmem>>, %arg15: memref<64x128xf32, #tpu.memory_space<vmem>>, %arg16: memref<64x128xf32, #tpu.memory_space<vmem>>, %arg17: memref<64x128xf32, #tpu.memory_space<vmem>>, %arg18: memref<64x128xf32, #tpu.memory_space<vmem>>, %arg19: memref<!tpu.dma_semaphore, #tpu.memory_space<semaphore_mem>>, %arg20: memref<!tpu.dma_semaphore, #tpu.memory_space<semaphore_mem>>, %arg21: memref<!tpu.dma_semaphore, #tpu.memory_space<semaphore_mem>>, %arg22: memref<!tpu.dma_semaphore, #tpu.memory_space<semaphore_mem>>, %arg23: memref<!tpu.dma_semaphore, #tpu.memory_space<semaphore_mem>>, %arg24: memref<!tpu.dma_semaphore, #tpu.memory_space<semaphore_mem>>, %arg25: memref<!tpu.dma_semaphore, #tpu.memory_space<semaphore_mem>>, %arg26: memref<!tpu.dma_semaphore, #tpu.memory_space<semaphore_mem>>, %arg27: memref<!tpu.dma_semaphore, #tpu.memory_space<semaphore_mem>>, %arg28: memref<!tpu.dma_semaphore, #tpu.memory_space<semaphore_mem>>) attributes {dimension_semantics = [#tpu.dimension_semantics<core_parallel>, #tpu.dimension_semantics<subcore_parallel>], iteration_bounds = array<i64: 2, 16>, scalar_prefetch = 0 : i64, scratch_operands = 19 : i64, tpu.core_type = #tpu.core_type<sc_vector_subcore>, window_params = [{transform_indices = #map}, {transform_indices = #map1}, {transform_indices = #map1}, {transform_indices = #map1}, {transform_indices = #map}, {transform_indices = #map}, {transform_indices = #map}, {transform_indices = #map}]} {
    %mul3A = arith.constant 640 : i32
    %mul3A_0 = arith.muli %arg1, %mul3A : i32
    "tpu.region"() ({
      %run_scoped3A = tpu.sem_alloc : memref<!tpu.dma_semaphore, #tpu.memory_space<semaphore_mem>>
      %dma_start3A = arith.constant 0 : i32
      %dma_start3A_13 = tpu.memref_slice %arg10[%mul3A_0, %dma_start3A] : memref<10240x128xf32, #tpu.memory_space<vmem_shared>> -> memref<640x128xf32, #tpu.memory_space<vmem_shared>>
      tpu.enqueue_dma source(%arg6 : memref<640x128xf32, #tpu.memory_space<hbm>>) target(%dma_start3A_13 : memref<640x128xf32, #tpu.memory_space<vmem_shared>>) target_semaphore(%run_scoped3A : memref<!tpu.dma_semaphore, #tpu.memory_space<semaphore_mem>>)
      %dma_wait3A = arith.constant 0 : i32
      %dma_wait3A_14 = tpu.memref_slice %arg10[%mul3A_0, %dma_wait3A] : memref<10240x128xf32, #tpu.memory_space<vmem_shared>> -> memref<640x128xf32, #tpu.memory_space<vmem_shared>>
      tpu.wait_dma2 semaphore(%run_scoped3A : memref<!tpu.dma_semaphore, #tpu.memory_space<semaphore_mem>>) src(%arg6 : memref<640x128xf32, #tpu.memory_space<hbm>>) dst(%dma_wait3A_14 : memref<640x128xf32, #tpu.memory_space<vmem_shared>>)
      tpu.yield
    }) : () -> ()
    %eq3A = arith.constant 1 : i32
    %eq3A_1 = arith.cmpi eq, %arg0, %eq3A : i32
    %convert_element_type3A = arith.extui %eq3A_1 : i1 to i32
    %cond3A = arith.constant 0 : i32
    %cond3A_2 = arith.cmpi ne, %convert_element_type3A, %cond3A : i32
    scf.if %cond3A_2 {
      "tpu.region"() ({
        %run_scoped3A = tpu.sem_alloc : memref<!tpu.dma_semaphore, #tpu.memory_space<semaphore_mem>>
        %dma_start3A_310 = arith.constant 0 : i32
        %dma_start3A_311 = arith.constant 0 : i32
        %dma_start3A_312 = tpu.memref_slice %arg11[%dma_start3A_310, %dma_start3A_311] : memref<32x64xi32, #tpu.memory_space<vmem>> -> memref<10x64xi32, #tpu.memory_space<vmem>>
        %dma_start3A_313 = arith.constant 0 : i32
        %dma_start3A_314 = arith.constant 0 : i32
        %dma_start3A_315 = tpu.memref_slice %arg3[%arg1, %dma_start3A_313, %dma_start3A_314] : memref<16x10x64xi32, #tpu.memory_space<hbm>> -> memref<1x10x64xi32, #tpu.memory_space<hbm>>
        %dma_start3A_316 = tpu.memref_squeeze %dma_start3A_315 : memref<1x10x64xi32, #tpu.memory_space<hbm>> -> memref<10x64xi32, #tpu.memory_space<hbm>>
        %dma_start3A_317 = arith.constant 0 : i32
        %dma_start3A_318 = arith.constant 0 : i32
        %dma_start3A_319 = tpu.memref_slice %arg11[%dma_start3A_317, %dma_start3A_318] : memref<32x64xi32, #tpu.memory_space<vmem>> -> memref<10x64xi32, #tpu.memory_space<vmem>>
        %dma_start3A_320 = arith.constant 0 : i32
        %dma_start3A_321 = arith.constant 0 : i32
        %dma_start3A_322 = tpu.memref_slice %arg3[%arg1, %dma_start3A_320, %dma_start3A_321] : memref<16x10x64xi32, #tpu.memory_space<hbm>> -> memref<1x10x64xi32, #tpu.memory_space<hbm>>
        %dma_start3A_323 = tpu.memref_squeeze %dma_start3A_322 : memref<1x10x64xi32, #tpu.memory_space<hbm>> -> memref<10x64xi32, #tpu.memory_space<hbm>>
        tpu.enqueue_dma source(%dma_start3A_323 : memref<10x64xi32, #tpu.memory_space<hbm>>) target(%dma_start3A_319 : memref<10x64xi32, #tpu.memory_space<vmem>>) target_semaphore(%run_scoped3A : memref<!tpu.dma_semaphore, #tpu.memory_space<semaphore_mem>>)
        %dma_wait3A_324 = arith.constant 0 : i32
        %dma_wait3A_325 = arith.constant 0 : i32
        %dma_wait3A_326 = tpu.memref_slice %arg11[%dma_wait3A_324, %dma_wait3A_325] : memref<32x64xi32, #tpu.memory_space<vmem>> -> memref<10x64xi32, #tpu.memory_space<vmem>>
        %dma_wait3A_327 = arith.constant 0 : i32
        %dma_wait3A_328 = arith.constant 0 : i32
        %dma_wait3A_329 = tpu.memref_slice %arg3[%arg1, %dma_wait3A_327, %dma_wait3A_328] : memref<16x10x64xi32, #tpu.memory_space<hbm>> -> memref<1x10x64xi32, #tpu.memory_space<hbm>>
        %dma_wait3A_330 = tpu.memref_squeeze %dma_wait3A_329 : memref<1x10x64xi32, #tpu.memory_space<hbm>> -> memref<10x64xi32, #tpu.memory_space<hbm>>
        %dma_wait3A_331 = arith.constant 0 : i32
        %dma_wait3A_332 = arith.constant 0 : i32
        %dma_wait3A_333 = tpu.memref_slice %arg11[%dma_wait3A_331, %dma_wait3A_332] : memref<32x64xi32, #tpu.memory_space<vmem>> -> memref<10x64xi32, #tpu.memory_space<vmem>>
        %dma_wait3A_334 = arith.constant 0 : i32
        %dma_wait3A_335 = arith.constant 0 : i32
        %dma_wait3A_336 = tpu.memref_slice %arg3[%arg1, %dma_wait3A_334, %dma_wait3A_335] : memref<16x10x64xi32, #tpu.memory_space<hbm>> -> memref<1x10x64xi32, #tpu.memory_space<hbm>>
        %dma_wait3A_337 = tpu.memref_squeeze %dma_wait3A_336 : memref<1x10x64xi32, #tpu.memory_space<hbm>> -> memref<10x64xi32, #tpu.memory_space<hbm>>
        tpu.wait_dma2 semaphore(%run_scoped3A : memref<!tpu.dma_semaphore, #tpu.memory_space<semaphore_mem>>) src(%dma_wait3A_337 : memref<10x64xi32, #tpu.memory_space<hbm>>) dst(%dma_wait3A_333 : memref<10x64xi32, #tpu.memory_space<vmem>>)
        tpu.yield
      }) : () -> ()
      %dma_start3A = arith.constant 0 : i32
      %dma_start3A_13 = arith.constant 0 : i32
      %dma_start3A_14 = tpu.memref_slice %arg11[%dma_start3A, %dma_start3A_13] : memref<32x64xi32, #tpu.memory_space<vmem>> -> memref<1x64xi32, #tpu.memory_space<vmem>>
      %dma_start3A_15 = tpu.memref_squeeze %dma_start3A_14 : memref<1x64xi32, #tpu.memory_space<vmem>> -> memref<64xi32, #tpu.memory_space<vmem>>
      %dma_start3A_16 = arith.constant 0 : i32
      %dma_start3A_17 = arith.constant 0 : i32
      %dma_start3A_18 = tpu.memref_slice %arg2[%dma_start3A_16, %dma_start3A_17] : memref<10240x128xf32, #tpu.memory_space<hbm>> -> memref<10240x128xf32, #tpu.memory_space<hbm>>
      tpu.enqueue_indirect_dma source(%dma_start3A_18 : memref<10240x128xf32, #tpu.memory_space<hbm>>) target(%arg15 : memref<64x128xf32, #tpu.memory_space<vmem>>) offsets(%dma_start3A_15 : memref<64xi32, #tpu.memory_space<vmem>>) semaphore(%arg19 : memref<!tpu.dma_semaphore, #tpu.memory_space<semaphore_mem>>)
      %dma_start3A_19 = arith.constant 1 : i32
      %dma_start3A_20 = arith.constant 0 : i32
      %dma_start3A_21 = tpu.memref_slice %arg11[%dma_start3A_19, %dma_start3A_20] : memref<32x64xi32, #tpu.memory_space<vmem>> -> memref<1x64xi32, #tpu.memory_space<vmem>>
      %dma_start3A_22 = tpu.memref_squeeze %dma_start3A_21 : memref<1x64xi32, #tpu.memory_space<vmem>> -> memref<64xi32, #tpu.memory_space<vmem>>
      %dma_start3A_23 = arith.constant 0 : i32
      %dma_start3A_24 = arith.constant 0 : i32
      %dma_start3A_25 = tpu.memref_slice %arg2[%dma_start3A_23, %dma_start3A_24] : memref<10240x128xf32, #tpu.memory_space<hbm>> -> memref<10240x128xf32, #tpu.memory_space<hbm>>
      tpu.enqueue_indirect_dma source(%dma_start3A_25 : memref<10240x128xf32, #tpu.memory_space<hbm>>) target(%arg16 : memref<64x128xf32, #tpu.memory_space<vmem>>) offsets(%dma_start3A_22 : memref<64xi32, #tpu.memory_space<vmem>>) semaphore(%arg20 : memref<!tpu.dma_semaphore, #tpu.memory_space<semaphore_mem>>)
      %dma_wait3A = arith.constant 0 : i32
      %dma_wait3A_26 = arith.constant 0 : i32
      %dma_wait3A_27 = tpu.memref_slice %arg11[%dma_wait3A, %dma_wait3A_26] : memref<32x64xi32, #tpu.memory_space<vmem>> -> memref<1x64xi32, #tpu.memory_space<vmem>>
      %dma_wait3A_28 = tpu.memref_squeeze %dma_wait3A_27 : memref<1x64xi32, #tpu.memory_space<vmem>> -> memref<64xi32, #tpu.memory_space<vmem>>
      %dma_wait3A_29 = arith.constant 0 : i32
      %dma_wait3A_30 = arith.constant 0 : i32
      %dma_wait3A_31 = tpu.memref_slice %arg2[%dma_wait3A_29, %dma_wait3A_30] : memref<10240x128xf32, #tpu.memory_space<hbm>> -> memref<10240x128xf32, #tpu.memory_space<hbm>>
      tpu.wait_indirect_dma semaphore(%arg19 : memref<!tpu.dma_semaphore, #tpu.memory_space<semaphore_mem>>) src(%dma_wait3A_31 : memref<10240x128xf32, #tpu.memory_space<hbm>>) dst(%arg15 : memref<64x128xf32, #tpu.memory_space<vmem>>)
      %mul3A_32 = arith.constant 640 : i32
      %mul3A_33 = arith.muli %arg1, %mul3A_32 : i32
      %add3A = arith.constant 0 : i32
      %add3A_34 = arith.addi %mul3A_33, %add3A : i32
      %dma_start3A_35 = arith.constant 0 : i32
      %dma_start3A_36 = tpu.memref_slice %arg7[%add3A_34, %dma_start3A_35] : memref<10240x128xf32, #tpu.memory_space<hbm>> -> memref<64x128xf32, #tpu.memory_space<hbm>>
      %dma_start3A_37 = arith.constant 0 : i32
      %dma_start3A_38 = tpu.memref_slice %arg7[%add3A_34, %dma_start3A_37] : memref<10240x128xf32, #tpu.memory_space<hbm>> -> memref<64x128xf32, #tpu.memory_space<hbm>>
      tpu.enqueue_dma source(%arg15 : memref<64x128xf32, #tpu.memory_space<vmem>>) target(%dma_start3A_38 : memref<64x128xf32, #tpu.memory_space<hbm>>) target_semaphore(%arg23 : memref<!tpu.dma_semaphore, #tpu.memory_space<semaphore_mem>>)
      %mul3A_39 = arith.constant 640 : i32
      %mul3A_40 = arith.muli %arg1, %mul3A_39 : i32
      %add3A_41 = arith.constant 0 : i32
      %add3A_42 = arith.addi %mul3A_40, %add3A_41 : i32
      %dma_wait3A_43 = arith.constant 0 : i32
      %dma_wait3A_44 = tpu.memref_slice %arg7[%add3A_42, %dma_wait3A_43] : memref<10240x128xf32, #tpu.memory_space<hbm>> -> memref<64x128xf32, #tpu.memory_space<hbm>>
      %dma_wait3A_45 = arith.constant 0 : i32
      %dma_wait3A_46 = tpu.memref_slice %arg7[%add3A_42, %dma_wait3A_45] : memref<10240x128xf32, #tpu.memory_space<hbm>> -> memref<64x128xf32, #tpu.memory_space<hbm>>
      tpu.wait_dma2 semaphore(%arg23 : memref<!tpu.dma_semaphore, #tpu.memory_space<semaphore_mem>>) src(%arg15 : memref<64x128xf32, #tpu.memory_space<vmem>>) dst(%dma_wait3A_46 : memref<64x128xf32, #tpu.memory_space<hbm>>)
      %dma_start3A_47 = arith.constant 2 : i32
      %dma_start3A_48 = arith.constant 0 : i32
      %dma_start3A_49 = tpu.memref_slice %arg11[%dma_start3A_47, %dma_start3A_48] : memref<32x64xi32, #tpu.memory_space<vmem>> -> memref<1x64xi32, #tpu.memory_space<vmem>>
      %dma_start3A_50 = tpu.memref_squeeze %dma_start3A_49 : memref<1x64xi32, #tpu.memory_space<vmem>> -> memref<64xi32, #tpu.memory_space<vmem>>
      %dma_start3A_51 = arith.constant 0 : i32
      %dma_start3A_52 = arith.constant 0 : i32
      %dma_start3A_53 = tpu.memref_slice %arg2[%dma_start3A_51, %dma_start3A_52] : memref<10240x128xf32, #tpu.memory_space<hbm>> -> memref<10240x128xf32, #tpu.memory_space<hbm>>
      tpu.enqueue_indirect_dma source(%dma_start3A_53 : memref<10240x128xf32, #tpu.memory_space<hbm>>) target(%arg15 : memref<64x128xf32, #tpu.memory_space<vmem>>) offsets(%dma_start3A_50 : memref<64xi32, #tpu.memory_space<vmem>>) semaphore(%arg19 : memref<!tpu.dma_semaphore, #tpu.memory_space<semaphore_mem>>)
      %dma_wait3A_54 = arith.constant 1 : i32
      %dma_wait3A_55 = arith.constant 0 : i32
      %dma_wait3A_56 = tpu.memref_slice %arg11[%dma_wait3A_54, %dma_wait3A_55] : memref<32x64xi32, #tpu.memory_space<vmem>> -> memref<1x64xi32, #tpu.memory_space<vmem>>
      %dma_wait3A_57 = tpu.memref_squeeze %dma_wait3A_56 : memref<1x64xi32, #tpu.memory_space<vmem>> -> memref<64xi32, #tpu.memory_space<vmem>>
      %dma_wait3A_58 = arith.constant 0 : i32
      %dma_wait3A_59 = arith.constant 0 : i32
      %dma_wait3A_60 = tpu.memref_slice %arg2[%dma_wait3A_58, %dma_wait3A_59] : memref<10240x128xf32, #tpu.memory_space<hbm>> -> memref<10240x128xf32, #tpu.memory_space<hbm>>
      tpu.wait_indirect_dma semaphore(%arg20 : memref<!tpu.dma_semaphore, #tpu.memory_space<semaphore_mem>>) src(%dma_wait3A_60 : memref<10240x128xf32, #tpu.memory_space<hbm>>) dst(%arg16 : memref<64x128xf32, #tpu.memory_space<vmem>>)
      %mul3A_61 = arith.constant 640 : i32
      %mul3A_62 = arith.muli %arg1, %mul3A_61 : i32
      %add3A_63 = arith.constant 64 : i32
      %add3A_64 = arith.addi %mul3A_62, %add3A_63 : i32
      %dma_start3A_65 = arith.constant 0 : i32
      %dma_start3A_66 = tpu.memref_slice %arg7[%add3A_64, %dma_start3A_65] : memref<10240x128xf32, #tpu.memory_space<hbm>> -> memref<64x128xf32, #tpu.memory_space<hbm>>
      %dma_start3A_67 = arith.constant 0 : i32
      %dma_start3A_68 = tpu.memref_slice %arg7[%add3A_64, %dma_start3A_67] : memref<10240x128xf32, #tpu.memory_space<hbm>> -> memref<64x128xf32, #tpu.memory_space<hbm>>
      tpu.enqueue_dma source(%arg16 : memref<64x128xf32, #tpu.memory_space<vmem>>) target(%dma_start3A_68 : memref<64x128xf32, #tpu.memory_space<hbm>>) target_semaphore(%arg24 : memref<!tpu.dma_semaphore, #tpu.memory_space<semaphore_mem>>)
      %mul3A_69 = arith.constant 640 : i32
      %mul3A_70 = arith.muli %arg1, %mul3A_69 : i32
      %add3A_71 = arith.constant 64 : i32
      %add3A_72 = arith.addi %mul3A_70, %add3A_71 : i32
      %dma_wait3A_73 = arith.constant 0 : i32
      %dma_wait3A_74 = tpu.memref_slice %arg7[%add3A_72, %dma_wait3A_73] : memref<10240x128xf32, #tpu.memory_space<hbm>> -> memref<64x128xf32, #tpu.memory_space<hbm>>
      %dma_wait3A_75 = arith.constant 0 : i32
      %dma_wait3A_76 = tpu.memref_slice %arg7[%add3A_72, %dma_wait3A_75] : memref<10240x128xf32, #tpu.memory_space<hbm>> -> memref<64x128xf32, #tpu.memory_space<hbm>>
      tpu.wait_dma2 semaphore(%arg24 : memref<!tpu.dma_semaphore, #tpu.memory_space<semaphore_mem>>) src(%arg16 : memref<64x128xf32, #tpu.memory_space<vmem>>) dst(%dma_wait3A_76 : memref<64x128xf32, #tpu.memory_space<hbm>>)
      %dma_start3A_77 = arith.constant 3 : i32
      %dma_start3A_78 = arith.constant 0 : i32
      %dma_start3A_79 = tpu.memref_slice %arg11[%dma_start3A_77, %dma_start3A_78] : memref<32x64xi32, #tpu.memory_space<vmem>> -> memref<1x64xi32, #tpu.memory_space<vmem>>
      %dma_start3A_80 = tpu.memref_squeeze %dma_start3A_79 : memref<1x64xi32, #tpu.memory_space<vmem>> -> memref<64xi32, #tpu.memory_space<vmem>>
      %dma_start3A_81 = arith.constant 0 : i32
      %dma_start3A_82 = arith.constant 0 : i32
      %dma_start3A_83 = tpu.memref_slice %arg2[%dma_start3A_81, %dma_start3A_82] : memref<10240x128xf32, #tpu.memory_space<hbm>> -> memref<10240x128xf32, #tpu.memory_space<hbm>>
      tpu.enqueue_indirect_dma source(%dma_start3A_83 : memref<10240x128xf32, #tpu.memory_space<hbm>>) target(%arg16 : memref<64x128xf32, #tpu.memory_space<vmem>>) offsets(%dma_start3A_80 : memref<64xi32, #tpu.memory_space<vmem>>) semaphore(%arg20 : memref<!tpu.dma_semaphore, #tpu.memory_space<semaphore_mem>>)
      %dma_wait3A_84 = arith.constant 2 : i32
      %dma_wait3A_85 = arith.constant 0 : i32
      %dma_wait3A_86 = tpu.memref_slice %arg11[%dma_wait3A_84, %dma_wait3A_85] : memref<32x64xi32, #tpu.memory_space<vmem>> -> memref<1x64xi32, #tpu.memory_space<vmem>>
      %dma_wait3A_87 = tpu.memref_squeeze %dma_wait3A_86 : memref<1x64xi32, #tpu.memory_space<vmem>> -> memref<64xi32, #tpu.memory_space<vmem>>
      %dma_wait3A_88 = arith.constant 0 : i32
      %dma_wait3A_89 = arith.constant 0 : i32
      %dma_wait3A_90 = tpu.memref_slice %arg2[%dma_wait3A_88, %dma_wait3A_89] : memref<10240x128xf32, #tpu.memory_space<hbm>> -> memref<10240x128xf32, #tpu.memory_space<hbm>>
      tpu.wait_indirect_dma semaphore(%arg19 : memref<!tpu.dma_semaphore, #tpu.memory_space<semaphore_mem>>) src(%dma_wait3A_90 : memref<10240x128xf32, #tpu.memory_space<hbm>>) dst(%arg15 : memref<64x128xf32, #tpu.memory_space<vmem>>)
      %mul3A_91 = arith.constant 640 : i32
      %mul3A_92 = arith.muli %arg1, %mul3A_91 : i32
      %add3A_93 = arith.constant 128 : i32
      %add3A_94 = arith.addi %mul3A_92, %add3A_93 : i32
      %dma_start3A_95 = arith.constant 0 : i32
      %dma_start3A_96 = tpu.memref_slice %arg7[%add3A_94, %dma_start3A_95] : memref<10240x128xf32, #tpu.memory_space<hbm>> -> memref<64x128xf32, #tpu.memory_space<hbm>>
      %dma_start3A_97 = arith.constant 0 : i32
      %dma_start3A_98 = tpu.memref_slice %arg7[%add3A_94, %dma_start3A_97] : memref<10240x128xf32, #tpu.memory_space<hbm>> -> memref<64x128xf32, #tpu.memory_space<hbm>>
      tpu.enqueue_dma source(%arg15 : memref<64x128xf32, #tpu.memory_space<vmem>>) target(%dma_start3A_98 : memref<64x128xf32, #tpu.memory_space<hbm>>) target_semaphore(%arg23 : memref<!tpu.dma_semaphore, #tpu.memory_space<semaphore_mem>>)
      %mul3A_99 = arith.constant 640 : i32
      %mul3A_100 = arith.muli %arg1, %mul3A_99 : i32
      %add3A_101 = arith.constant 128 : i32
      %add3A_102 = arith.addi %mul3A_100, %add3A_101 : i32
      %dma_wait3A_103 = arith.constant 0 : i32
      %dma_wait3A_104 = tpu.memref_slice %arg7[%add3A_102, %dma_wait3A_103] : memref<10240x128xf32, #tpu.memory_space<hbm>> -> memref<64x128xf32, #tpu.memory_space<hbm>>
      %dma_wait3A_105 = arith.constant 0 : i32
      %dma_wait3A_106 = tpu.memref_slice %arg7[%add3A_102, %dma_wait3A_105] : memref<10240x128xf32, #tpu.memory_space<hbm>> -> memref<64x128xf32, #tpu.memory_space<hbm>>
      tpu.wait_dma2 semaphore(%arg23 : memref<!tpu.dma_semaphore, #tpu.memory_space<semaphore_mem>>) src(%arg15 : memref<64x128xf32, #tpu.memory_space<vmem>>) dst(%dma_wait3A_106 : memref<64x128xf32, #tpu.memory_space<hbm>>)
      %dma_start3A_107 = arith.constant 4 : i32
      %dma_start3A_108 = arith.constant 0 : i32
      %dma_start3A_109 = tpu.memref_slice %arg11[%dma_start3A_107, %dma_start3A_108] : memref<32x64xi32, #tpu.memory_space<vmem>> -> memref<1x64xi32, #tpu.memory_space<vmem>>
      %dma_start3A_110 = tpu.memref_squeeze %dma_start3A_109 : memref<1x64xi32, #tpu.memory_space<vmem>> -> memref<64xi32, #tpu.memory_space<vmem>>
      %dma_start3A_111 = arith.constant 0 : i32
      %dma_start3A_112 = arith.constant 0 : i32
      %dma_start3A_113 = tpu.memref_slice %arg2[%dma_start3A_111, %dma_start3A_112] : memref<10240x128xf32, #tpu.memory_space<hbm>> -> memref<10240x128xf32, #tpu.memory_space<hbm>>
      tpu.enqueue_indirect_dma source(%dma_start3A_113 : memref<10240x128xf32, #tpu.memory_space<hbm>>) target(%arg15 : memref<64x128xf32, #tpu.memory_space<vmem>>) offsets(%dma_start3A_110 : memref<64xi32, #tpu.memory_space<vmem>>) semaphore(%arg19 : memref<!tpu.dma_semaphore, #tpu.memory_space<semaphore_mem>>)
      %dma_wait3A_114 = arith.constant 3 : i32
      %dma_wait3A_115 = arith.constant 0 : i32
      %dma_wait3A_116 = tpu.memref_slice %arg11[%dma_wait3A_114, %dma_wait3A_115] : memref<32x64xi32, #tpu.memory_space<vmem>> -> memref<1x64xi32, #tpu.memory_space<vmem>>
      %dma_wait3A_117 = tpu.memref_squeeze %dma_wait3A_116 : memref<1x64xi32, #tpu.memory_space<vmem>> -> memref<64xi32, #tpu.memory_space<vmem>>
      %dma_wait3A_118 = arith.constant 0 : i32
      %dma_wait3A_119 = arith.constant 0 : i32
      %dma_wait3A_120 = tpu.memref_slice %arg2[%dma_wait3A_118, %dma_wait3A_119] : memref<10240x128xf32, #tpu.memory_space<hbm>> -> memref<10240x128xf32, #tpu.memory_space<hbm>>
      tpu.wait_indirect_dma semaphore(%arg20 : memref<!tpu.dma_semaphore, #tpu.memory_space<semaphore_mem>>) src(%dma_wait3A_120 : memref<10240x128xf32, #tpu.memory_space<hbm>>) dst(%arg16 : memref<64x128xf32, #tpu.memory_space<vmem>>)
      %mul3A_121 = arith.constant 640 : i32
      %mul3A_122 = arith.muli %arg1, %mul3A_121 : i32
      %add3A_123 = arith.constant 192 : i32
      %add3A_124 = arith.addi %mul3A_122, %add3A_123 : i32
      %dma_start3A_125 = arith.constant 0 : i32
      %dma_start3A_126 = tpu.memref_slice %arg7[%add3A_124, %dma_start3A_125] : memref<10240x128xf32, #tpu.memory_space<hbm>> -> memref<64x128xf32, #tpu.memory_space<hbm>>
      %dma_start3A_127 = arith.constant 0 : i32
      %dma_start3A_128 = tpu.memref_slice %arg7[%add3A_124, %dma_start3A_127] : memref<10240x128xf32, #tpu.memory_space<hbm>> -> memref<64x128xf32, #tpu.memory_space<hbm>>
      tpu.enqueue_dma source(%arg16 : memref<64x128xf32, #tpu.memory_space<vmem>>) target(%dma_start3A_128 : memref<64x128xf32, #tpu.memory_space<hbm>>) target_semaphore(%arg24 : memref<!tpu.dma_semaphore, #tpu.memory_space<semaphore_mem>>)
      %mul3A_129 = arith.constant 640 : i32
      %mul3A_130 = arith.muli %arg1, %mul3A_129 : i32
      %add3A_131 = arith.constant 192 : i32
      %add3A_132 = arith.addi %mul3A_130, %add3A_131 : i32
      %dma_wait3A_133 = arith.constant 0 : i32
      %dma_wait3A_134 = tpu.memref_slice %arg7[%add3A_132, %dma_wait3A_133] : memref<10240x128xf32, #tpu.memory_space<hbm>> -> memref<64x128xf32, #tpu.memory_space<hbm>>
      %dma_wait3A_135 = arith.constant 0 : i32
      %dma_wait3A_136 = tpu.memref_slice %arg7[%add3A_132, %dma_wait3A_135] : memref<10240x128xf32, #tpu.memory_space<hbm>> -> memref<64x128xf32, #tpu.memory_space<hbm>>
      tpu.wait_dma2 semaphore(%arg24 : memref<!tpu.dma_semaphore, #tpu.memory_space<semaphore_mem>>) src(%arg16 : memref<64x128xf32, #tpu.memory_space<vmem>>) dst(%dma_wait3A_136 : memref<64x128xf32, #tpu.memory_space<hbm>>)
      %dma_start3A_137 = arith.constant 5 : i32
      %dma_start3A_138 = arith.constant 0 : i32
      %dma_start3A_139 = tpu.memref_slice %arg11[%dma_start3A_137, %dma_start3A_138] : memref<32x64xi32, #tpu.memory_space<vmem>> -> memref<1x64xi32, #tpu.memory_space<vmem>>
      %dma_start3A_140 = tpu.memref_squeeze %dma_start3A_139 : memref<1x64xi32, #tpu.memory_space<vmem>> -> memref<64xi32, #tpu.memory_space<vmem>>
      %dma_start3A_141 = arith.constant 0 : i32
      %dma_start3A_142 = arith.constant 0 : i32
      %dma_start3A_143 = tpu.memref_slice %arg2[%dma_start3A_141, %dma_start3A_142] : memref<10240x128xf32, #tpu.memory_space<hbm>> -> memref<10240x128xf32, #tpu.memory_space<hbm>>
      tpu.enqueue_indirect_dma source(%dma_start3A_143 : memref<10240x128xf32, #tpu.memory_space<hbm>>) target(%arg16 : memref<64x128xf32, #tpu.memory_space<vmem>>) offsets(%dma_start3A_140 : memref<64xi32, #tpu.memory_space<vmem>>) semaphore(%arg20 : memref<!tpu.dma_semaphore, #tpu.memory_space<semaphore_mem>>)
      %dma_wait3A_144 = arith.constant 4 : i32
      %dma_wait3A_145 = arith.constant 0 : i32
      %dma_wait3A_146 = tpu.memref_slice %arg11[%dma_wait3A_144, %dma_wait3A_145] : memref<32x64xi32, #tpu.memory_space<vmem>> -> memref<1x64xi32, #tpu.memory_space<vmem>>
      %dma_wait3A_147 = tpu.memref_squeeze %dma_wait3A_146 : memref<1x64xi32, #tpu.memory_space<vmem>> -> memref<64xi32, #tpu.memory_space<vmem>>
      %dma_wait3A_148 = arith.constant 0 : i32
      %dma_wait3A_149 = arith.constant 0 : i32
      %dma_wait3A_150 = tpu.memref_slice %arg2[%dma_wait3A_148, %dma_wait3A_149] : memref<10240x128xf32, #tpu.memory_space<hbm>> -> memref<10240x128xf32, #tpu.memory_space<hbm>>
      tpu.wait_indirect_dma semaphore(%arg19 : memref<!tpu.dma_semaphore, #tpu.memory_space<semaphore_mem>>) src(%dma_wait3A_150 : memref<10240x128xf32, #tpu.memory_space<hbm>>) dst(%arg15 : memref<64x128xf32, #tpu.memory_space<vmem>>)
      %mul3A_151 = arith.constant 640 : i32
      %mul3A_152 = arith.muli %arg1, %mul3A_151 : i32
      %add3A_153 = arith.constant 256 : i32
      %add3A_154 = arith.addi %mul3A_152, %add3A_153 : i32
      %dma_start3A_155 = arith.constant 0 : i32
      %dma_start3A_156 = tpu.memref_slice %arg7[%add3A_154, %dma_start3A_155] : memref<10240x128xf32, #tpu.memory_space<hbm>> -> memref<64x128xf32, #tpu.memory_space<hbm>>
      %dma_start3A_157 = arith.constant 0 : i32
      %dma_start3A_158 = tpu.memref_slice %arg7[%add3A_154, %dma_start3A_157] : memref<10240x128xf32, #tpu.memory_space<hbm>> -> memref<64x128xf32, #tpu.memory_space<hbm>>
      tpu.enqueue_dma source(%arg15 : memref<64x128xf32, #tpu.memory_space<vmem>>) target(%dma_start3A_158 : memref<64x128xf32, #tpu.memory_space<hbm>>) target_semaphore(%arg23 : memref<!tpu.dma_semaphore, #tpu.memory_space<semaphore_mem>>)
      %mul3A_159 = arith.constant 640 : i32
      %mul3A_160 = arith.muli %arg1, %mul3A_159 : i32
      %add3A_161 = arith.constant 256 : i32
      %add3A_162 = arith.addi %mul3A_160, %add3A_161 : i32
      %dma_wait3A_163 = arith.constant 0 : i32
      %dma_wait3A_164 = tpu.memref_slice %arg7[%add3A_162, %dma_wait3A_163] : memref<10240x128xf32, #tpu.memory_space<hbm>> -> memref<64x128xf32, #tpu.memory_space<hbm>>
      %dma_wait3A_165 = arith.constant 0 : i32
      %dma_wait3A_166 = tpu.memref_slice %arg7[%add3A_162, %dma_wait3A_165] : memref<10240x128xf32, #tpu.memory_space<hbm>> -> memref<64x128xf32, #tpu.memory_space<hbm>>
      tpu.wait_dma2 semaphore(%arg23 : memref<!tpu.dma_semaphore, #tpu.memory_space<semaphore_mem>>) src(%arg15 : memref<64x128xf32, #tpu.memory_space<vmem>>) dst(%dma_wait3A_166 : memref<64x128xf32, #tpu.memory_space<hbm>>)
      %dma_start3A_167 = arith.constant 6 : i32
      %dma_start3A_168 = arith.constant 0 : i32
      %dma_start3A_169 = tpu.memref_slice %arg11[%dma_start3A_167, %dma_start3A_168] : memref<32x64xi32, #tpu.memory_space<vmem>> -> memref<1x64xi32, #tpu.memory_space<vmem>>
      %dma_start3A_170 = tpu.memref_squeeze %dma_start3A_169 : memref<1x64xi32, #tpu.memory_space<vmem>> -> memref<64xi32, #tpu.memory_space<vmem>>
      %dma_start3A_171 = arith.constant 0 : i32
      %dma_start3A_172 = arith.constant 0 : i32
      %dma_start3A_173 = tpu.memref_slice %arg2[%dma_start3A_171, %dma_start3A_172] : memref<10240x128xf32, #tpu.memory_space<hbm>> -> memref<10240x128xf32, #tpu.memory_space<hbm>>
      tpu.enqueue_indirect_dma source(%dma_start3A_173 : memref<10240x128xf32, #tpu.memory_space<hbm>>) target(%arg15 : memref<64x128xf32, #tpu.memory_space<vmem>>) offsets(%dma_start3A_170 : memref<64xi32, #tpu.memory_space<vmem>>) semaphore(%arg19 : memref<!tpu.dma_semaphore, #tpu.memory_space<semaphore_mem>>)
      %dma_wait3A_174 = arith.constant 5 : i32
      %dma_wait3A_175 = arith.constant 0 : i32
      %dma_wait3A_176 = tpu.memref_slice %arg11[%dma_wait3A_174, %dma_wait3A_175] : memref<32x64xi32, #tpu.memory_space<vmem>> -> memref<1x64xi32, #tpu.memory_space<vmem>>
      %dma_wait3A_177 = tpu.memref_squeeze %dma_wait3A_176 : memref<1x64xi32, #tpu.memory_space<vmem>> -> memref<64xi32, #tpu.memory_space<vmem>>
      %dma_wait3A_178 = arith.constant 0 : i32
      %dma_wait3A_179 = arith.constant 0 : i32
      %dma_wait3A_180 = tpu.memref_slice %arg2[%dma_wait3A_178, %dma_wait3A_179] : memref<10240x128xf32, #tpu.memory_space<hbm>> -> memref<10240x128xf32, #tpu.memory_space<hbm>>
      tpu.wait_indirect_dma semaphore(%arg20 : memref<!tpu.dma_semaphore, #tpu.memory_space<semaphore_mem>>) src(%dma_wait3A_180 : memref<10240x128xf32, #tpu.memory_space<hbm>>) dst(%arg16 : memref<64x128xf32, #tpu.memory_space<vmem>>)
      %mul3A_181 = arith.constant 640 : i32
      %mul3A_182 = arith.muli %arg1, %mul3A_181 : i32
      %add3A_183 = arith.constant 320 : i32
      %add3A_184 = arith.addi %mul3A_182, %add3A_183 : i32
      %dma_start3A_185 = arith.constant 0 : i32
      %dma_start3A_186 = tpu.memref_slice %arg7[%add3A_184, %dma_start3A_185] : memref<10240x128xf32, #tpu.memory_space<hbm>> -> memref<64x128xf32, #tpu.memory_space<hbm>>
      %dma_start3A_187 = arith.constant 0 : i32
      %dma_start3A_188 = tpu.memref_slice %arg7[%add3A_184, %dma_start3A_187] : memref<10240x128xf32, #tpu.memory_space<hbm>> -> memref<64x128xf32, #tpu.memory_space<hbm>>
      tpu.enqueue_dma source(%arg16 : memref<64x128xf32, #tpu.memory_space<vmem>>) target(%dma_start3A_188 : memref<64x128xf32, #tpu.memory_space<hbm>>) target_semaphore(%arg24 : memref<!tpu.dma_semaphore, #tpu.memory_space<semaphore_mem>>)
      %mul3A_189 = arith.constant 640 : i32
      %mul3A_190 = arith.muli %arg1, %mul3A_189 : i32
      %add3A_191 = arith.constant 320 : i32
      %add3A_192 = arith.addi %mul3A_190, %add3A_191 : i32
      %dma_wait3A_193 = arith.constant 0 : i32
      %dma_wait3A_194 = tpu.memref_slice %arg7[%add3A_192, %dma_wait3A_193] : memref<10240x128xf32, #tpu.memory_space<hbm>> -> memref<64x128xf32, #tpu.memory_space<hbm>>
      %dma_wait3A_195 = arith.constant 0 : i32
      %dma_wait3A_196 = tpu.memref_slice %arg7[%add3A_192, %dma_wait3A_195] : memref<10240x128xf32, #tpu.memory_space<hbm>> -> memref<64x128xf32, #tpu.memory_space<hbm>>
      tpu.wait_dma2 semaphore(%arg24 : memref<!tpu.dma_semaphore, #tpu.memory_space<semaphore_mem>>) src(%arg16 : memref<64x128xf32, #tpu.memory_space<vmem>>) dst(%dma_wait3A_196 : memref<64x128xf32, #tpu.memory_space<hbm>>)
      %dma_start3A_197 = arith.constant 7 : i32
      %dma_start3A_198 = arith.constant 0 : i32
      %dma_start3A_199 = tpu.memref_slice %arg11[%dma_start3A_197, %dma_start3A_198] : memref<32x64xi32, #tpu.memory_space<vmem>> -> memref<1x64xi32, #tpu.memory_space<vmem>>
      %dma_start3A_200 = tpu.memref_squeeze %dma_start3A_199 : memref<1x64xi32, #tpu.memory_space<vmem>> -> memref<64xi32, #tpu.memory_space<vmem>>
      %dma_start3A_201 = arith.constant 0 : i32
      %dma_start3A_202 = arith.constant 0 : i32
      %dma_start3A_203 = tpu.memref_slice %arg2[%dma_start3A_201, %dma_start3A_202] : memref<10240x128xf32, #tpu.memory_space<hbm>> -> memref<10240x128xf32, #tpu.memory_space<hbm>>
      tpu.enqueue_indirect_dma source(%dma_start3A_203 : memref<10240x128xf32, #tpu.memory_space<hbm>>) target(%arg16 : memref<64x128xf32, #tpu.memory_space<vmem>>) offsets(%dma_start3A_200 : memref<64xi32, #tpu.memory_space<vmem>>) semaphore(%arg20 : memref<!tpu.dma_semaphore, #tpu.memory_space<semaphore_mem>>)
      %dma_wait3A_204 = arith.constant 6 : i32
      %dma_wait3A_205 = arith.constant 0 : i32
      %dma_wait3A_206 = tpu.memref_slice %arg11[%dma_wait3A_204, %dma_wait3A_205] : memref<32x64xi32, #tpu.memory_space<vmem>> -> memref<1x64xi32, #tpu.memory_space<vmem>>
      %dma_wait3A_207 = tpu.memref_squeeze %dma_wait3A_206 : memref<1x64xi32, #tpu.memory_space<vmem>> -> memref<64xi32, #tpu.memory_space<vmem>>
      %dma_wait3A_208 = arith.constant 0 : i32
      %dma_wait3A_209 = arith.constant 0 : i32
      %dma_wait3A_210 = tpu.memref_slice %arg2[%dma_wait3A_208, %dma_wait3A_209] : memref<10240x128xf32, #tpu.memory_space<hbm>> -> memref<10240x128xf32, #tpu.memory_space<hbm>>
      tpu.wait_indirect_dma semaphore(%arg19 : memref<!tpu.dma_semaphore, #tpu.memory_space<semaphore_mem>>) src(%dma_wait3A_210 : memref<10240x128xf32, #tpu.memory_space<hbm>>) dst(%arg15 : memref<64x128xf32, #tpu.memory_space<vmem>>)
      %mul3A_211 = arith.constant 640 : i32
      %mul3A_212 = arith.muli %arg1, %mul3A_211 : i32
      %add3A_213 = arith.constant 384 : i32
      %add3A_214 = arith.addi %mul3A_212, %add3A_213 : i32
      %dma_start3A_215 = arith.constant 0 : i32
      %dma_start3A_216 = tpu.memref_slice %arg7[%add3A_214, %dma_start3A_215] : memref<10240x128xf32, #tpu.memory_space<hbm>> -> memref<64x128xf32, #tpu.memory_space<hbm>>
      %dma_start3A_217 = arith.constant 0 : i32
      %dma_start3A_218 = tpu.memref_slice %arg7[%add3A_214, %dma_start3A_217] : memref<10240x128xf32, #tpu.memory_space<hbm>> -> memref<64x128xf32, #tpu.memory_space<hbm>>
      tpu.enqueue_dma source(%arg15 : memref<64x128xf32, #tpu.memory_space<vmem>>) target(%dma_start3A_218 : memref<64x128xf32, #tpu.memory_space<hbm>>) target_semaphore(%arg23 : memref<!tpu.dma_semaphore, #tpu.memory_space<semaphore_mem>>)
      %mul3A_219 = arith.constant 640 : i32
      %mul3A_220 = arith.muli %arg1, %mul3A_219 : i32
      %add3A_221 = arith.constant 384 : i32
      %add3A_222 = arith.addi %mul3A_220, %add3A_221 : i32
      %dma_wait3A_223 = arith.constant 0 : i32
      %dma_wait3A_224 = tpu.memref_slice %arg7[%add3A_222, %dma_wait3A_223] : memref<10240x128xf32, #tpu.memory_space<hbm>> -> memref<64x128xf32, #tpu.memory_space<hbm>>
      %dma_wait3A_225 = arith.constant 0 : i32
      %dma_wait3A_226 = tpu.memref_slice %arg7[%add3A_222, %dma_wait3A_225] : memref<10240x128xf32, #tpu.memory_space<hbm>> -> memref<64x128xf32, #tpu.memory_space<hbm>>
      tpu.wait_dma2 semaphore(%arg23 : memref<!tpu.dma_semaphore, #tpu.memory_space<semaphore_mem>>) src(%arg15 : memref<64x128xf32, #tpu.memory_space<vmem>>) dst(%dma_wait3A_226 : memref<64x128xf32, #tpu.memory_space<hbm>>)
      %dma_start3A_227 = arith.constant 8 : i32
      %dma_start3A_228 = arith.constant 0 : i32
      %dma_start3A_229 = tpu.memref_slice %arg11[%dma_start3A_227, %dma_start3A_228] : memref<32x64xi32, #tpu.memory_space<vmem>> -> memref<1x64xi32, #tpu.memory_space<vmem>>
      %dma_start3A_230 = tpu.memref_squeeze %dma_start3A_229 : memref<1x64xi32, #tpu.memory_space<vmem>> -> memref<64xi32, #tpu.memory_space<vmem>>
      %dma_start3A_231 = arith.constant 0 : i32
      %dma_start3A_232 = arith.constant 0 : i32
      %dma_start3A_233 = tpu.memref_slice %arg2[%dma_start3A_231, %dma_start3A_232] : memref<10240x128xf32, #tpu.memory_space<hbm>> -> memref<10240x128xf32, #tpu.memory_space<hbm>>
      tpu.enqueue_indirect_dma source(%dma_start3A_233 : memref<10240x128xf32, #tpu.memory_space<hbm>>) target(%arg15 : memref<64x128xf32, #tpu.memory_space<vmem>>) offsets(%dma_start3A_230 : memref<64xi32, #tpu.memory_space<vmem>>) semaphore(%arg19 : memref<!tpu.dma_semaphore, #tpu.memory_space<semaphore_mem>>)
      %dma_wait3A_234 = arith.constant 7 : i32
      %dma_wait3A_235 = arith.constant 0 : i32
      %dma_wait3A_236 = tpu.memref_slice %arg11[%dma_wait3A_234, %dma_wait3A_235] : memref<32x64xi32, #tpu.memory_space<vmem>> -> memref<1x64xi32, #tpu.memory_space<vmem>>
      %dma_wait3A_237 = tpu.memref_squeeze %dma_wait3A_236 : memref<1x64xi32, #tpu.memory_space<vmem>> -> memref<64xi32, #tpu.memory_space<vmem>>
      %dma_wait3A_238 = arith.constant 0 : i32
      %dma_wait3A_239 = arith.constant 0 : i32
      %dma_wait3A_240 = tpu.memref_slice %arg2[%dma_wait3A_238, %dma_wait3A_239] : memref<10240x128xf32, #tpu.memory_space<hbm>> -> memref<10240x128xf32, #tpu.memory_space<hbm>>
      tpu.wait_indirect_dma semaphore(%arg20 : memref<!tpu.dma_semaphore, #tpu.memory_space<semaphore_mem>>) src(%dma_wait3A_240 : memref<10240x128xf32, #tpu.memory_space<hbm>>) dst(%arg16 : memref<64x128xf32, #tpu.memory_space<vmem>>)
      %mul3A_241 = arith.constant 640 : i32
      %mul3A_242 = arith.muli %arg1, %mul3A_241 : i32
      %add3A_243 = arith.constant 448 : i32
      %add3A_244 = arith.addi %mul3A_242, %add3A_243 : i32
      %dma_start3A_245 = arith.constant 0 : i32
      %dma_start3A_246 = tpu.memref_slice %arg7[%add3A_244, %dma_start3A_245] : memref<10240x128xf32, #tpu.memory_space<hbm>> -> memref<64x128xf32, #tpu.memory_space<hbm>>
      %dma_start3A_247 = arith.constant 0 : i32
      %dma_start3A_248 = tpu.memref_slice %arg7[%add3A_244, %dma_start3A_247] : memref<10240x128xf32, #tpu.memory_space<hbm>> -> memref<64x128xf32, #tpu.memory_space<hbm>>
      tpu.enqueue_dma source(%arg16 : memref<64x128xf32, #tpu.memory_space<vmem>>) target(%dma_start3A_248 : memref<64x128xf32, #tpu.memory_space<hbm>>) target_semaphore(%arg24 : memref<!tpu.dma_semaphore, #tpu.memory_space<semaphore_mem>>)
      %mul3A_249 = arith.constant 640 : i32
      %mul3A_250 = arith.muli %arg1, %mul3A_249 : i32
      %add3A_251 = arith.constant 448 : i32
      %add3A_252 = arith.addi %mul3A_250, %add3A_251 : i32
      %dma_wait3A_253 = arith.constant 0 : i32
      %dma_wait3A_254 = tpu.memref_slice %arg7[%add3A_252, %dma_wait3A_253] : memref<10240x128xf32, #tpu.memory_space<hbm>> -> memref<64x128xf32, #tpu.memory_space<hbm>>
      %dma_wait3A_255 = arith.constant 0 : i32
      %dma_wait3A_256 = tpu.memref_slice %arg7[%add3A_252, %dma_wait3A_255] : memref<10240x128xf32, #tpu.memory_space<hbm>> -> memref<64x128xf32, #tpu.memory_space<hbm>>
      tpu.wait_dma2 semaphore(%arg24 : memref<!tpu.dma_semaphore, #tpu.memory_space<semaphore_mem>>) src(%arg16 : memref<64x128xf32, #tpu.memory_space<vmem>>) dst(%dma_wait3A_256 : memref<64x128xf32, #tpu.memory_space<hbm>>)
      %dma_start3A_257 = arith.constant 9 : i32
      %dma_start3A_258 = arith.constant 0 : i32
      %dma_start3A_259 = tpu.memref_slice %arg11[%dma_start3A_257, %dma_start3A_258] : memref<32x64xi32, #tpu.memory_space<vmem>> -> memref<1x64xi32, #tpu.memory_space<vmem>>
      %dma_start3A_260 = tpu.memref_squeeze %dma_start3A_259 : memref<1x64xi32, #tpu.memory_space<vmem>> -> memref<64xi32, #tpu.memory_space<vmem>>
      %dma_start3A_261 = arith.constant 0 : i32
      %dma_start3A_262 = arith.constant 0 : i32
      %dma_start3A_263 = tpu.memref_slice %arg2[%dma_start3A_261, %dma_start3A_262] : memref<10240x128xf32, #tpu.memory_space<hbm>> -> memref<10240x128xf32, #tpu.memory_space<hbm>>
      tpu.enqueue_indirect_dma source(%dma_start3A_263 : memref<10240x128xf32, #tpu.memory_space<hbm>>) target(%arg16 : memref<64x128xf32, #tpu.memory_space<vmem>>) offsets(%dma_start3A_260 : memref<64xi32, #tpu.memory_space<vmem>>) semaphore(%arg20 : memref<!tpu.dma_semaphore, #tpu.memory_space<semaphore_mem>>)
      %dma_wait3A_264 = arith.constant 8 : i32
      %dma_wait3A_265 = arith.constant 0 : i32
      %dma_wait3A_266 = tpu.memref_slice %arg11[%dma_wait3A_264, %dma_wait3A_265] : memref<32x64xi32, #tpu.memory_space<vmem>> -> memref<1x64xi32, #tpu.memory_space<vmem>>
      %dma_wait3A_267 = tpu.memref_squeeze %dma_wait3A_266 : memref<1x64xi32, #tpu.memory_space<vmem>> -> memref<64xi32, #tpu.memory_space<vmem>>
      %dma_wait3A_268 = arith.constant 0 : i32
      %dma_wait3A_269 = arith.constant 0 : i32
      %dma_wait3A_270 = tpu.memref_slice %arg2[%dma_wait3A_268, %dma_wait3A_269] : memref<10240x128xf32, #tpu.memory_space<hbm>> -> memref<10240x128xf32, #tpu.memory_space<hbm>>
      tpu.wait_indirect_dma semaphore(%arg19 : memref<!tpu.dma_semaphore, #tpu.memory_space<semaphore_mem>>) src(%dma_wait3A_270 : memref<10240x128xf32, #tpu.memory_space<hbm>>) dst(%arg15 : memref<64x128xf32, #tpu.memory_space<vmem>>)
      %mul3A_271 = arith.constant 640 : i32
      %mul3A_272 = arith.muli %arg1, %mul3A_271 : i32
      %add3A_273 = arith.constant 512 : i32
      %add3A_274 = arith.addi %mul3A_272, %add3A_273 : i32
      %dma_start3A_275 = arith.constant 0 : i32
      %dma_start3A_276 = tpu.memref_slice %arg7[%add3A_274, %dma_start3A_275] : memref<10240x128xf32, #tpu.memory_space<hbm>> -> memref<64x128xf32, #tpu.memory_space<hbm>>
      %dma_start3A_277 = arith.constant 0 : i32
      %dma_start3A_278 = tpu.memref_slice %arg7[%add3A_274, %dma_start3A_277] : memref<10240x128xf32, #tpu.memory_space<hbm>> -> memref<64x128xf32, #tpu.memory_space<hbm>>
      tpu.enqueue_dma source(%arg15 : memref<64x128xf32, #tpu.memory_space<vmem>>) target(%dma_start3A_278 : memref<64x128xf32, #tpu.memory_space<hbm>>) target_semaphore(%arg23 : memref<!tpu.dma_semaphore, #tpu.memory_space<semaphore_mem>>)
      %mul3A_279 = arith.constant 640 : i32
      %mul3A_280 = arith.muli %arg1, %mul3A_279 : i32
      %add3A_281 = arith.constant 512 : i32
      %add3A_282 = arith.addi %mul3A_280, %add3A_281 : i32
      %dma_wait3A_283 = arith.constant 0 : i32
      %dma_wait3A_284 = tpu.memref_slice %arg7[%add3A_282, %dma_wait3A_283] : memref<10240x128xf32, #tpu.memory_space<hbm>> -> memref<64x128xf32, #tpu.memory_space<hbm>>
      %dma_wait3A_285 = arith.constant 0 : i32
      %dma_wait3A_286 = tpu.memref_slice %arg7[%add3A_282, %dma_wait3A_285] : memref<10240x128xf32, #tpu.memory_space<hbm>> -> memref<64x128xf32, #tpu.memory_space<hbm>>
      tpu.wait_dma2 semaphore(%arg23 : memref<!tpu.dma_semaphore, #tpu.memory_space<semaphore_mem>>) src(%arg15 : memref<64x128xf32, #tpu.memory_space<vmem>>) dst(%dma_wait3A_286 : memref<64x128xf32, #tpu.memory_space<hbm>>)
      %dma_wait3A_287 = arith.constant 9 : i32
      %dma_wait3A_288 = arith.constant 0 : i32
      %dma_wait3A_289 = tpu.memref_slice %arg11[%dma_wait3A_287, %dma_wait3A_288] : memref<32x64xi32, #tpu.memory_space<vmem>> -> memref<1x64xi32, #tpu.memory_space<vmem>>
      %dma_wait3A_290 = tpu.memref_squeeze %dma_wait3A_289 : memref<1x64xi32, #tpu.memory_space<vmem>> -> memref<64xi32, #tpu.memory_space<vmem>>
      %dma_wait3A_291 = arith.constant 0 : i32
      %dma_wait3A_292 = arith.constant 0 : i32
      %dma_wait3A_293 = tpu.memref_slice %arg2[%dma_wait3A_291, %dma_wait3A_292] : memref<10240x128xf32, #tpu.memory_space<hbm>> -> memref<10240x128xf32, #tpu.memory_space<hbm>>
      tpu.wait_indirect_dma semaphore(%arg20 : memref<!tpu.dma_semaphore, #tpu.memory_space<semaphore_mem>>) src(%dma_wait3A_293 : memref<10240x128xf32, #tpu.memory_space<hbm>>) dst(%arg16 : memref<64x128xf32, #tpu.memory_space<vmem>>)
      %mul3A_294 = arith.constant 640 : i32
      %mul3A_295 = arith.muli %arg1, %mul3A_294 : i32
      %add3A_296 = arith.constant 576 : i32
      %add3A_297 = arith.addi %mul3A_295, %add3A_296 : i32
      %dma_start3A_298 = arith.constant 0 : i32
      %dma_start3A_299 = tpu.memref_slice %arg7[%add3A_297, %dma_start3A_298] : memref<10240x128xf32, #tpu.memory_space<hbm>> -> memref<64x128xf32, #tpu.memory_space<hbm>>
      %dma_start3A_300 = arith.constant 0 : i32
      %dma_start3A_301 = tpu.memref_slice %arg7[%add3A_297, %dma_start3A_300] : memref<10240x128xf32, #tpu.memory_space<hbm>> -> memref<64x128xf32, #tpu.memory_space<hbm>>
      tpu.enqueue_dma source(%arg16 : memref<64x128xf32, #tpu.memory_space<vmem>>) target(%dma_start3A_301 : memref<64x128xf32, #tpu.memory_space<hbm>>) target_semaphore(%arg24 : memref<!tpu.dma_semaphore, #tpu.memory_space<semaphore_mem>>)
      %mul3A_302 = arith.constant 640 : i32
      %mul3A_303 = arith.muli %arg1, %mul3A_302 : i32
      %add3A_304 = arith.constant 576 : i32
      %add3A_305 = arith.addi %mul3A_303, %add3A_304 : i32
      %dma_wait3A_306 = arith.constant 0 : i32
      %dma_wait3A_307 = tpu.memref_slice %arg7[%add3A_305, %dma_wait3A_306] : memref<10240x128xf32, #tpu.memory_space<hbm>> -> memref<64x128xf32, #tpu.memory_space<hbm>>
      %dma_wait3A_308 = arith.constant 0 : i32
      %dma_wait3A_309 = tpu.memref_slice %arg7[%add3A_305, %dma_wait3A_308] : memref<10240x128xf32, #tpu.memory_space<hbm>> -> memref<64x128xf32, #tpu.memory_space<hbm>>
      tpu.wait_dma2 semaphore(%arg24 : memref<!tpu.dma_semaphore, #tpu.memory_space<semaphore_mem>>) src(%arg16 : memref<64x128xf32, #tpu.memory_space<vmem>>) dst(%dma_wait3A_309 : memref<64x128xf32, #tpu.memory_space<hbm>>)
    } else {
    }
    %barrier3A = arith.constant 0 : index
    tpu.barrier barrier_id(%barrier3A)
    %eq3A_3 = arith.constant 0 : i32
    %eq3A_4 = arith.cmpi eq, %arg0, %eq3A_3 : i32
    %convert_element_type3A_5 = arith.extui %eq3A_4 : i1 to i32
    %cond3A_6 = arith.constant 0 : i32
    %cond3A_7 = arith.cmpi ne, %convert_element_type3A_5, %cond3A_6 : i32
    scf.if %cond3A_7 {
      %mul3A_13 = arith.constant 10 : i32
      %mul3A_14 = arith.muli %arg1, %mul3A_13 : i32
      "tpu.region"() ({
        %run_scoped3A = tpu.sem_alloc : memref<!tpu.dma_semaphore, #tpu.memory_space<semaphore_mem>>
        %dma_start3A = arith.constant 0 : i32
        %dma_start3A_25 = arith.constant 0 : i32
        %dma_start3A_26 = tpu.memref_slice %arg4[%mul3A_14, %dma_start3A, %dma_start3A_25] : memref<160x32x64xi32, #tpu.memory_space<hbm>> -> memref<1x32x64xi32, #tpu.memory_space<hbm>>
        %dma_start3A_27 = tpu.memref_squeeze %dma_start3A_26 : memref<1x32x64xi32, #tpu.memory_space<hbm>> -> memref<32x64xi32, #tpu.memory_space<hbm>>
        %dma_start3A_28 = arith.constant 0 : i32
        %dma_start3A_29 = arith.constant 0 : i32
        %dma_start3A_30 = tpu.memref_slice %arg4[%mul3A_14, %dma_start3A_28, %dma_start3A_29] : memref<160x32x64xi32, #tpu.memory_space<hbm>> -> memref<1x32x64xi32, #tpu.memory_space<hbm>>
        %dma_start3A_31 = tpu.memref_squeeze %dma_start3A_30 : memref<1x32x64xi32, #tpu.memory_space<hbm>> -> memref<32x64xi32, #tpu.memory_space<hbm>>
        tpu.enqueue_dma source(%dma_start3A_31 : memref<32x64xi32, #tpu.memory_space<hbm>>) target(%arg11 : memref<32x64xi32, #tpu.memory_space<vmem>>) target_semaphore(%run_scoped3A : memref<!tpu.dma_semaphore, #tpu.memory_space<semaphore_mem>>)
        %dma_wait3A = arith.constant 0 : i32
        %dma_wait3A_32 = arith.constant 0 : i32
        %dma_wait3A_33 = tpu.memref_slice %arg4[%mul3A_14, %dma_wait3A, %dma_wait3A_32] : memref<160x32x64xi32, #tpu.memory_space<hbm>> -> memref<1x32x64xi32, #tpu.memory_space<hbm>>
        %dma_wait3A_34 = tpu.memref_squeeze %dma_wait3A_33 : memref<1x32x64xi32, #tpu.memory_space<hbm>> -> memref<32x64xi32, #tpu.memory_space<hbm>>
        %dma_wait3A_35 = arith.constant 0 : i32
        %dma_wait3A_36 = arith.constant 0 : i32
        %dma_wait3A_37 = tpu.memref_slice %arg4[%mul3A_14, %dma_wait3A_35, %dma_wait3A_36] : memref<160x32x64xi32, #tpu.memory_space<hbm>> -> memref<1x32x64xi32, #tpu.memory_space<hbm>>
        %dma_wait3A_38 = tpu.memref_squeeze %dma_wait3A_37 : memref<1x32x64xi32, #tpu.memory_space<hbm>> -> memref<32x64xi32, #tpu.memory_space<hbm>>
        tpu.wait_dma2 semaphore(%run_scoped3A : memref<!tpu.dma_semaphore, #tpu.memory_space<semaphore_mem>>) src(%dma_wait3A_38 : memref<32x64xi32, #tpu.memory_space<hbm>>) dst(%arg11 : memref<32x64xi32, #tpu.memory_space<vmem>>)
        tpu.yield
      }) : () -> ()
      %mul3A_15 = arith.constant 10 : i32
      %mul3A_16 = arith.muli %arg1, %mul3A_15 : i32
      "tpu.region"() ({
        %run_scoped3A = tpu.sem_alloc : memref<!tpu.dma_semaphore, #tpu.memory_space<semaphore_mem>>
        %dma_start3A = arith.constant 0 : i32
        %dma_start3A_25 = arith.constant 0 : i32
        %dma_start3A_26 = tpu.memref_slice %arg5[%mul3A_16, %dma_start3A, %dma_start3A_25] : memref<160x32x64xi32, #tpu.memory_space<hbm>> -> memref<1x32x64xi32, #tpu.memory_space<hbm>>
        %dma_start3A_27 = tpu.memref_squeeze %dma_start3A_26 : memref<1x32x64xi32, #tpu.memory_space<hbm>> -> memref<32x64xi32, #tpu.memory_space<hbm>>
        %dma_start3A_28 = arith.constant 0 : i32
        %dma_start3A_29 = arith.constant 0 : i32
        %dma_start3A_30 = tpu.memref_slice %arg5[%mul3A_16, %dma_start3A_28, %dma_start3A_29] : memref<160x32x64xi32, #tpu.memory_space<hbm>> -> memref<1x32x64xi32, #tpu.memory_space<hbm>>
        %dma_start3A_31 = tpu.memref_squeeze %dma_start3A_30 : memref<1x32x64xi32, #tpu.memory_space<hbm>> -> memref<32x64xi32, #tpu.memory_space<hbm>>
        tpu.enqueue_dma source(%dma_start3A_31 : memref<32x64xi32, #tpu.memory_space<hbm>>) target(%arg13 : memref<32x64xi32, #tpu.memory_space<vmem>>) target_semaphore(%run_scoped3A : memref<!tpu.dma_semaphore, #tpu.memory_space<semaphore_mem>>)
        %dma_wait3A = arith.constant 0 : i32
        %dma_wait3A_32 = arith.constant 0 : i32
        %dma_wait3A_33 = tpu.memref_slice %arg5[%mul3A_16, %dma_wait3A, %dma_wait3A_32] : memref<160x32x64xi32, #tpu.memory_space<hbm>> -> memref<1x32x64xi32, #tpu.memory_space<hbm>>
        %dma_wait3A_34 = tpu.memref_squeeze %dma_wait3A_33 : memref<1x32x64xi32, #tpu.memory_space<hbm>> -> memref<32x64xi32, #tpu.memory_space<hbm>>
        %dma_wait3A_35 = arith.constant 0 : i32
        %dma_wait3A_36 = arith.constant 0 : i32
        %dma_wait3A_37 = tpu.memref_slice %arg5[%mul3A_16, %dma_wait3A_35, %dma_wait3A_36] : memref<160x32x64xi32, #tpu.memory_space<hbm>> -> memref<1x32x64xi32, #tpu.memory_space<hbm>>
        %dma_wait3A_38 = tpu.memref_squeeze %dma_wait3A_37 : memref<1x32x64xi32, #tpu.memory_space<hbm>> -> memref<32x64xi32, #tpu.memory_space<hbm>>
        tpu.wait_dma2 semaphore(%run_scoped3A : memref<!tpu.dma_semaphore, #tpu.memory_space<semaphore_mem>>) src(%dma_wait3A_38 : memref<32x64xi32, #tpu.memory_space<hbm>>) dst(%arg13 : memref<32x64xi32, #tpu.memory_space<vmem>>)
        tpu.yield
      }) : () -> ()
      %scan3A = arith.constant 0 : i32
      %scan3A_17 = arith.constant 0 : i32
      %scan3A_18 = arith.constant 5 : i32
      %scan3A_19 = arith.addi %scan3A_17, %scan3A_18 : i32
      %scan3A_20 = arith.constant 1 : i32
      scf.for %scan3A_25 = %scan3A_17 to %scan3A_19 step %scan3A_20  : i32 {
        %mul3A_26 = arith.constant 2 : i32
        %mul3A_27 = arith.muli %mul3A_26, %scan3A_25 : i32
        %gt3A = arith.constant 0 : i32
        %gt3A_28 = arith.cmpi sgt, %mul3A_27, %gt3A : i32
        %convert_element_type3A_29 = arith.extui %gt3A_28 : i1 to i32
        %cond3A_30 = arith.constant 0 : i32
        %cond3A_31 = arith.cmpi ne, %convert_element_type3A_29, %cond3A_30 : i32
        scf.if %cond3A_31 {
          %mul3A_119 = arith.constant 10 : i32
          %mul3A_120 = arith.muli %arg1, %mul3A_119 : i32
          %add3A_121 = arith.addi %mul3A_120, %mul3A_27 : i32
          %dma_wait3A_122 = arith.constant 0 : i32
          %dma_wait3A_123 = arith.constant 0 : i32
          %dma_wait3A_124 = tpu.memref_slice %arg4[%add3A_121, %dma_wait3A_122, %dma_wait3A_123] : memref<160x32x64xi32, #tpu.memory_space<hbm>> -> memref<1x32x64xi32, #tpu.memory_space<hbm>>
          %dma_wait3A_125 = tpu.memref_squeeze %dma_wait3A_124 : memref<1x32x64xi32, #tpu.memory_space<hbm>> -> memref<32x64xi32, #tpu.memory_space<hbm>>
          %dma_wait3A_126 = arith.constant 0 : i32
          %dma_wait3A_127 = arith.constant 0 : i32
          %dma_wait3A_128 = tpu.memref_slice %arg4[%add3A_121, %dma_wait3A_126, %dma_wait3A_127] : memref<160x32x64xi32, #tpu.memory_space<hbm>> -> memref<1x32x64xi32, #tpu.memory_space<hbm>>
          %dma_wait3A_129 = tpu.memref_squeeze %dma_wait3A_128 : memref<1x32x64xi32, #tpu.memory_space<hbm>> -> memref<32x64xi32, #tpu.memory_space<hbm>>
          tpu.wait_dma2 semaphore(%arg27 : memref<!tpu.dma_semaphore, #tpu.memory_space<semaphore_mem>>) src(%dma_wait3A_129 : memref<32x64xi32, #tpu.memory_space<hbm>>) dst(%arg11 : memref<32x64xi32, #tpu.memory_space<vmem>>)
          %mul3A_130 = arith.constant 10 : i32
          %mul3A_131 = arith.muli %arg1, %mul3A_130 : i32
          %add3A_132 = arith.addi %mul3A_131, %mul3A_27 : i32
          %dma_wait3A_133 = arith.constant 0 : i32
          %dma_wait3A_134 = arith.constant 0 : i32
          %dma_wait3A_135 = tpu.memref_slice %arg5[%add3A_132, %dma_wait3A_133, %dma_wait3A_134] : memref<160x32x64xi32, #tpu.memory_space<hbm>> -> memref<1x32x64xi32, #tpu.memory_space<hbm>>
          %dma_wait3A_136 = tpu.memref_squeeze %dma_wait3A_135 : memref<1x32x64xi32, #tpu.memory_space<hbm>> -> memref<32x64xi32, #tpu.memory_space<hbm>>
          %dma_wait3A_137 = arith.constant 0 : i32
          %dma_wait3A_138 = arith.constant 0 : i32
          %dma_wait3A_139 = tpu.memref_slice %arg5[%add3A_132, %dma_wait3A_137, %dma_wait3A_138] : memref<160x32x64xi32, #tpu.memory_space<hbm>> -> memref<1x32x64xi32, #tpu.memory_space<hbm>>
          %dma_wait3A_140 = tpu.memref_squeeze %dma_wait3A_139 : memref<1x32x64xi32, #tpu.memory_space<hbm>> -> memref<32x64xi32, #tpu.memory_space<hbm>>
          tpu.wait_dma2 semaphore(%arg28 : memref<!tpu.dma_semaphore, #tpu.memory_space<semaphore_mem>>) src(%dma_wait3A_140 : memref<32x64xi32, #tpu.memory_space<hbm>>) dst(%arg13 : memref<32x64xi32, #tpu.memory_space<vmem>>)
        } else {
        }
        %add3A = arith.constant 1 : i32
        %add3A_32 = arith.addi %mul3A_27, %add3A : i32
        %lt3A = arith.constant 10 : i32
        %lt3A_33 = arith.cmpi slt, %add3A_32, %lt3A : i32
        %convert_element_type3A_34 = arith.extui %lt3A_33 : i1 to i32
        %cond3A_35 = arith.constant 0 : i32
        %cond3A_36 = arith.cmpi ne, %convert_element_type3A_34, %cond3A_35 : i32
        scf.if %cond3A_36 {
          %mul3A_119 = arith.constant 10 : i32
          %mul3A_120 = arith.muli %arg1, %mul3A_119 : i32
          %add3A_121 = arith.addi %mul3A_120, %mul3A_27 : i32
          %add3A_122 = arith.constant 1 : i32
          %add3A_123 = arith.addi %add3A_121, %add3A_122 : i32
          %dma_start3A_124 = arith.constant 0 : i32
          %dma_start3A_125 = arith.constant 0 : i32
          %dma_start3A_126 = tpu.memref_slice %arg4[%add3A_123, %dma_start3A_124, %dma_start3A_125] : memref<160x32x64xi32, #tpu.memory_space<hbm>> -> memref<1x32x64xi32, #tpu.memory_space<hbm>>
          %dma_start3A_127 = tpu.memref_squeeze %dma_start3A_126 : memref<1x32x64xi32, #tpu.memory_space<hbm>> -> memref<32x64xi32, #tpu.memory_space<hbm>>
          %dma_start3A_128 = arith.constant 0 : i32
          %dma_start3A_129 = arith.constant 0 : i32
          %dma_start3A_130 = tpu.memref_slice %arg4[%add3A_123, %dma_start3A_128, %dma_start3A_129] : memref<160x32x64xi32, #tpu.memory_space<hbm>> -> memref<1x32x64xi32, #tpu.memory_space<hbm>>
          %dma_start3A_131 = tpu.memref_squeeze %dma_start3A_130 : memref<1x32x64xi32, #tpu.memory_space<hbm>> -> memref<32x64xi32, #tpu.memory_space<hbm>>
          tpu.enqueue_dma source(%dma_start3A_131 : memref<32x64xi32, #tpu.memory_space<hbm>>) target(%arg12 : memref<32x64xi32, #tpu.memory_space<vmem>>) target_semaphore(%arg27 : memref<!tpu.dma_semaphore, #tpu.memory_space<semaphore_mem>>)
          %mul3A_132 = arith.constant 10 : i32
          %mul3A_133 = arith.muli %arg1, %mul3A_132 : i32
          %add3A_134 = arith.addi %mul3A_133, %mul3A_27 : i32
          %add3A_135 = arith.constant 1 : i32
          %add3A_136 = arith.addi %add3A_134, %add3A_135 : i32
          %dma_start3A_137 = arith.constant 0 : i32
          %dma_start3A_138 = arith.constant 0 : i32
          %dma_start3A_139 = tpu.memref_slice %arg5[%add3A_136, %dma_start3A_137, %dma_start3A_138] : memref<160x32x64xi32, #tpu.memory_space<hbm>> -> memref<1x32x64xi32, #tpu.memory_space<hbm>>
          %dma_start3A_140 = tpu.memref_squeeze %dma_start3A_139 : memref<1x32x64xi32, #tpu.memory_space<hbm>> -> memref<32x64xi32, #tpu.memory_space<hbm>>
          %dma_start3A_141 = arith.constant 0 : i32
          %dma_start3A_142 = arith.constant 0 : i32
          %dma_start3A_143 = tpu.memref_slice %arg5[%add3A_136, %dma_start3A_141, %dma_start3A_142] : memref<160x32x64xi32, #tpu.memory_space<hbm>> -> memref<1x32x64xi32, #tpu.memory_space<hbm>>
          %dma_start3A_144 = tpu.memref_squeeze %dma_start3A_143 : memref<1x32x64xi32, #tpu.memory_space<hbm>> -> memref<32x64xi32, #tpu.memory_space<hbm>>
          tpu.enqueue_dma source(%dma_start3A_144 : memref<32x64xi32, #tpu.memory_space<hbm>>) target(%arg14 : memref<32x64xi32, #tpu.memory_space<vmem>>) target_semaphore(%arg28 : memref<!tpu.dma_semaphore, #tpu.memory_space<semaphore_mem>>)
        } else {
        }
        %dma_start3A = arith.constant 0 : i32
        %dma_start3A_37 = arith.constant 0 : i32
        %dma_start3A_38 = tpu.memref_slice %arg13[%dma_start3A, %dma_start3A_37] : memref<32x64xi32, #tpu.memory_space<vmem>> -> memref<1x64xi32, #tpu.memory_space<vmem>>
        %dma_start3A_39 = tpu.memref_squeeze %dma_start3A_38 : memref<1x64xi32, #tpu.memory_space<vmem>> -> memref<64xi32, #tpu.memory_space<vmem>>
        %dma_start3A_40 = arith.constant 0 : i32
        %dma_start3A_41 = arith.constant 0 : i32
        %dma_start3A_42 = tpu.memref_slice %arg2[%dma_start3A_40, %dma_start3A_41] : memref<10240x128xf32, #tpu.memory_space<hbm>> -> memref<10240x128xf32, #tpu.memory_space<hbm>>
        tpu.enqueue_indirect_dma source(%dma_start3A_42 : memref<10240x128xf32, #tpu.memory_space<hbm>>) target(%arg15 : memref<64x128xf32, #tpu.memory_space<vmem>>) offsets(%dma_start3A_39 : memref<64xi32, #tpu.memory_space<vmem>>) semaphore(%arg19 : memref<!tpu.dma_semaphore, #tpu.memory_space<semaphore_mem>>)
        %dma_start3A_43 = arith.constant 1 : i32
        %dma_start3A_44 = arith.constant 0 : i32
        %dma_start3A_45 = tpu.memref_slice %arg13[%dma_start3A_43, %dma_start3A_44] : memref<32x64xi32, #tpu.memory_space<vmem>> -> memref<1x64xi32, #tpu.memory_space<vmem>>
        %dma_start3A_46 = tpu.memref_squeeze %dma_start3A_45 : memref<1x64xi32, #tpu.memory_space<vmem>> -> memref<64xi32, #tpu.memory_space<vmem>>
        %dma_start3A_47 = arith.constant 0 : i32
        %dma_start3A_48 = arith.constant 0 : i32
        %dma_start3A_49 = tpu.memref_slice %arg2[%dma_start3A_47, %dma_start3A_48] : memref<10240x128xf32, #tpu.memory_space<hbm>> -> memref<10240x128xf32, #tpu.memory_space<hbm>>
        tpu.enqueue_indirect_dma source(%dma_start3A_49 : memref<10240x128xf32, #tpu.memory_space<hbm>>) target(%arg16 : memref<64x128xf32, #tpu.memory_space<vmem>>) offsets(%dma_start3A_46 : memref<64xi32, #tpu.memory_space<vmem>>) semaphore(%arg20 : memref<!tpu.dma_semaphore, #tpu.memory_space<semaphore_mem>>)
        %dma_start3A_50 = arith.constant 2 : i32
        %dma_start3A_51 = arith.constant 0 : i32
        %dma_start3A_52 = tpu.memref_slice %arg13[%dma_start3A_50, %dma_start3A_51] : memref<32x64xi32, #tpu.memory_space<vmem>> -> memref<1x64xi32, #tpu.memory_space<vmem>>
        %dma_start3A_53 = tpu.memref_squeeze %dma_start3A_52 : memref<1x64xi32, #tpu.memory_space<vmem>> -> memref<64xi32, #tpu.memory_space<vmem>>
        %dma_start3A_54 = arith.constant 0 : i32
        %dma_start3A_55 = arith.constant 0 : i32
        %dma_start3A_56 = tpu.memref_slice %arg2[%dma_start3A_54, %dma_start3A_55] : memref<10240x128xf32, #tpu.memory_space<hbm>> -> memref<10240x128xf32, #tpu.memory_space<hbm>>
        tpu.enqueue_indirect_dma source(%dma_start3A_56 : memref<10240x128xf32, #tpu.memory_space<hbm>>) target(%arg17 : memref<64x128xf32, #tpu.memory_space<vmem>>) offsets(%dma_start3A_53 : memref<64xi32, #tpu.memory_space<vmem>>) semaphore(%arg21 : memref<!tpu.dma_semaphore, #tpu.memory_space<semaphore_mem>>)
        %scan3A_57 = arith.constant 0 : i32
        %scan3A_58 = arith.constant 0 : i32
        %scan3A_59 = arith.constant 8 : i32
        %scan3A_60 = arith.addi %scan3A_58, %scan3A_59 : i32
        %scan3A_61 = arith.constant 1 : i32
        scf.for %scan3A_119 = %scan3A_58 to %scan3A_60 step %scan3A_61  : i32 {
          %mul3A_120 = arith.constant 4 : i32
          %mul3A_121 = arith.muli %mul3A_120, %scan3A_119 : i32
          %add3A_122 = arith.constant 0 : i32
          %add3A_123 = arith.addi %mul3A_121, %add3A_122 : i32
          %ge3A = arith.constant 1 : i32
          %ge3A_124 = arith.cmpi sge, %add3A_123, %ge3A : i32
          %convert_element_type3A_125 = arith.extui %ge3A_124 : i1 to i32
          %cond3A_126 = arith.constant 0 : i32
          %cond3A_127 = arith.cmpi ne, %convert_element_type3A_125, %cond3A_126 : i32
          scf.if %cond3A_127 {
            %sub3A = arith.constant 1 : i32
            %sub3A_231 = arith.subi %add3A_123, %sub3A : i32
            %dma_wait3A_232 = arith.constant 0 : i32
            %dma_wait3A_233 = tpu.memref_slice %arg11[%sub3A_231, %dma_wait3A_232] : memref<32x64xi32, #tpu.memory_space<vmem>> -> memref<1x64xi32, #tpu.memory_space<vmem>>
            %dma_wait3A_234 = tpu.memref_squeeze %dma_wait3A_233 : memref<1x64xi32, #tpu.memory_space<vmem>> -> memref<64xi32, #tpu.memory_space<vmem>>
            %dma_wait3A_235 = arith.constant 0 : i32
            %dma_wait3A_236 = arith.constant 0 : i32
            %dma_wait3A_237 = tpu.memref_slice %arg10[%dma_wait3A_235, %dma_wait3A_236] : memref<10240x128xf32, #tpu.memory_space<vmem_shared>> -> memref<10240x128xf32, #tpu.memory_space<vmem_shared>>
            tpu.wait_indirect_dma semaphore(%arg26 : memref<!tpu.dma_semaphore, #tpu.memory_space<semaphore_mem>>) src(%arg18 : memref<64x128xf32, #tpu.memory_space<vmem>>) dst(%dma_wait3A_237 : memref<10240x128xf32, #tpu.memory_space<vmem_shared>>)
          } else {
          }
          %add3A_128 = arith.constant 3 : i32
          %add3A_129 = arith.addi %add3A_123, %add3A_128 : i32
          %lt3A_130 = arith.constant 32 : i32
          %lt3A_131 = arith.cmpi slt, %add3A_129, %lt3A_130 : i32
          %convert_element_type3A_132 = arith.extui %lt3A_131 : i1 to i32
          %cond3A_133 = arith.constant 0 : i32
          %cond3A_134 = arith.cmpi ne, %convert_element_type3A_132, %cond3A_133 : i32
          scf.if %cond3A_134 {
            %add3A_231 = arith.constant 3 : i32
            %add3A_232 = arith.addi %add3A_123, %add3A_231 : i32
            %dma_start3A_233 = arith.constant 0 : i32
            %dma_start3A_234 = tpu.memref_slice %arg13[%add3A_232, %dma_start3A_233] : memref<32x64xi32, #tpu.memory_space<vmem>> -> memref<1x64xi32, #tpu.memory_space<vmem>>
            %dma_start3A_235 = tpu.memref_squeeze %dma_start3A_234 : memref<1x64xi32, #tpu.memory_space<vmem>> -> memref<64xi32, #tpu.memory_space<vmem>>
            %dma_start3A_236 = arith.constant 0 : i32
            %dma_start3A_237 = arith.constant 0 : i32
            %dma_start3A_238 = tpu.memref_slice %arg2[%dma_start3A_236, %dma_start3A_237] : memref<10240x128xf32, #tpu.memory_space<hbm>> -> memref<10240x128xf32, #tpu.memory_space<hbm>>
            tpu.enqueue_indirect_dma source(%dma_start3A_238 : memref<10240x128xf32, #tpu.memory_space<hbm>>) target(%arg18 : memref<64x128xf32, #tpu.memory_space<vmem>>) offsets(%dma_start3A_235 : memref<64xi32, #tpu.memory_space<vmem>>) semaphore(%arg22 : memref<!tpu.dma_semaphore, #tpu.memory_space<semaphore_mem>>)
          } else {
          }
          %dma_wait3A_135 = arith.constant 0 : i32
          %dma_wait3A_136 = tpu.memref_slice %arg13[%add3A_123, %dma_wait3A_135] : memref<32x64xi32, #tpu.memory_space<vmem>> -> memref<1x64xi32, #tpu.memory_space<vmem>>
          %dma_wait3A_137 = tpu.memref_squeeze %dma_wait3A_136 : memref<1x64xi32, #tpu.memory_space<vmem>> -> memref<64xi32, #tpu.memory_space<vmem>>
          %dma_wait3A_138 = arith.constant 0 : i32
          %dma_wait3A_139 = arith.constant 0 : i32
          %dma_wait3A_140 = tpu.memref_slice %arg2[%dma_wait3A_138, %dma_wait3A_139] : memref<10240x128xf32, #tpu.memory_space<hbm>> -> memref<10240x128xf32, #tpu.memory_space<hbm>>
          tpu.wait_indirect_dma semaphore(%arg19 : memref<!tpu.dma_semaphore, #tpu.memory_space<semaphore_mem>>) src(%dma_wait3A_140 : memref<10240x128xf32, #tpu.memory_space<hbm>>) dst(%arg15 : memref<64x128xf32, #tpu.memory_space<vmem>>)
          %dma_start3A_141 = arith.constant 0 : i32
          %dma_start3A_142 = tpu.memref_slice %arg11[%add3A_123, %dma_start3A_141] : memref<32x64xi32, #tpu.memory_space<vmem>> -> memref<1x64xi32, #tpu.memory_space<vmem>>
          %dma_start3A_143 = tpu.memref_squeeze %dma_start3A_142 : memref<1x64xi32, #tpu.memory_space<vmem>> -> memref<64xi32, #tpu.memory_space<vmem>>
          %dma_start3A_144 = arith.constant 0 : i32
          %dma_start3A_145 = arith.constant 0 : i32
          %dma_start3A_146 = tpu.memref_slice %arg10[%dma_start3A_144, %dma_start3A_145] : memref<10240x128xf32, #tpu.memory_space<vmem_shared>> -> memref<10240x128xf32, #tpu.memory_space<vmem_shared>>
          tpu.enqueue_indirect_dma source(%arg15 : memref<64x128xf32, #tpu.memory_space<vmem>>) target(%dma_start3A_146 : memref<10240x128xf32, #tpu.memory_space<vmem_shared>>) offsets(%dma_start3A_143 : memref<64xi32, #tpu.memory_space<vmem>>) semaphore(%arg23 : memref<!tpu.dma_semaphore, #tpu.memory_space<semaphore_mem>>) {add = true}
          %mul3A_147 = arith.constant 4 : i32
          %mul3A_148 = arith.muli %mul3A_147, %scan3A_119 : i32
          %add3A_149 = arith.constant 1 : i32
          %add3A_150 = arith.addi %mul3A_148, %add3A_149 : i32
          %ge3A_151 = arith.constant 1 : i32
          %ge3A_152 = arith.cmpi sge, %add3A_150, %ge3A_151 : i32
          %convert_element_type3A_153 = arith.extui %ge3A_152 : i1 to i32
          %cond3A_154 = arith.constant 0 : i32
          %cond3A_155 = arith.cmpi ne, %convert_element_type3A_153, %cond3A_154 : i32
          scf.if %cond3A_155 {
            %sub3A = arith.constant 1 : i32
            %sub3A_231 = arith.subi %add3A_150, %sub3A : i32
            %dma_wait3A_232 = arith.constant 0 : i32
            %dma_wait3A_233 = tpu.memref_slice %arg11[%sub3A_231, %dma_wait3A_232] : memref<32x64xi32, #tpu.memory_space<vmem>> -> memref<1x64xi32, #tpu.memory_space<vmem>>
            %dma_wait3A_234 = tpu.memref_squeeze %dma_wait3A_233 : memref<1x64xi32, #tpu.memory_space<vmem>> -> memref<64xi32, #tpu.memory_space<vmem>>
            %dma_wait3A_235 = arith.constant 0 : i32
            %dma_wait3A_236 = arith.constant 0 : i32
            %dma_wait3A_237 = tpu.memref_slice %arg10[%dma_wait3A_235, %dma_wait3A_236] : memref<10240x128xf32, #tpu.memory_space<vmem_shared>> -> memref<10240x128xf32, #tpu.memory_space<vmem_shared>>
            tpu.wait_indirect_dma semaphore(%arg23 : memref<!tpu.dma_semaphore, #tpu.memory_space<semaphore_mem>>) src(%arg15 : memref<64x128xf32, #tpu.memory_space<vmem>>) dst(%dma_wait3A_237 : memref<10240x128xf32, #tpu.memory_space<vmem_shared>>)
          } else {
          }
          %add3A_156 = arith.constant 3 : i32
          %add3A_157 = arith.addi %add3A_150, %add3A_156 : i32
          %lt3A_158 = arith.constant 32 : i32
          %lt3A_159 = arith.cmpi slt, %add3A_157, %lt3A_158 : i32
          %convert_element_type3A_160 = arith.extui %lt3A_159 : i1 to i32
          %cond3A_161 = arith.constant 0 : i32
          %cond3A_162 = arith.cmpi ne, %convert_element_type3A_160, %cond3A_161 : i32
          scf.if %cond3A_162 {
            %add3A_231 = arith.constant 3 : i32
            %add3A_232 = arith.addi %add3A_150, %add3A_231 : i32
            %dma_start3A_233 = arith.constant 0 : i32
            %dma_start3A_234 = tpu.memref_slice %arg13[%add3A_232, %dma_start3A_233] : memref<32x64xi32, #tpu.memory_space<vmem>> -> memref<1x64xi32, #tpu.memory_space<vmem>>
            %dma_start3A_235 = tpu.memref_squeeze %dma_start3A_234 : memref<1x64xi32, #tpu.memory_space<vmem>> -> memref<64xi32, #tpu.memory_space<vmem>>
            %dma_start3A_236 = arith.constant 0 : i32
            %dma_start3A_237 = arith.constant 0 : i32
            %dma_start3A_238 = tpu.memref_slice %arg2[%dma_start3A_236, %dma_start3A_237] : memref<10240x128xf32, #tpu.memory_space<hbm>> -> memref<10240x128xf32, #tpu.memory_space<hbm>>
            tpu.enqueue_indirect_dma source(%dma_start3A_238 : memref<10240x128xf32, #tpu.memory_space<hbm>>) target(%arg15 : memref<64x128xf32, #tpu.memory_space<vmem>>) offsets(%dma_start3A_235 : memref<64xi32, #tpu.memory_space<vmem>>) semaphore(%arg19 : memref<!tpu.dma_semaphore, #tpu.memory_space<semaphore_mem>>)
          } else {
          }
          %dma_wait3A_163 = arith.constant 0 : i32
          %dma_wait3A_164 = tpu.memref_slice %arg13[%add3A_150, %dma_wait3A_163] : memref<32x64xi32, #tpu.memory_space<vmem>> -> memref<1x64xi32, #tpu.memory_space<vmem>>
          %dma_wait3A_165 = tpu.memref_squeeze %dma_wait3A_164 : memref<1x64xi32, #tpu.memory_space<vmem>> -> memref<64xi32, #tpu.memory_space<vmem>>
          %dma_wait3A_166 = arith.constant 0 : i32
          %dma_wait3A_167 = arith.constant 0 : i32
          %dma_wait3A_168 = tpu.memref_slice %arg2[%dma_wait3A_166, %dma_wait3A_167] : memref<10240x128xf32, #tpu.memory_space<hbm>> -> memref<10240x128xf32, #tpu.memory_space<hbm>>
          tpu.wait_indirect_dma semaphore(%arg20 : memref<!tpu.dma_semaphore, #tpu.memory_space<semaphore_mem>>) src(%dma_wait3A_168 : memref<10240x128xf32, #tpu.memory_space<hbm>>) dst(%arg16 : memref<64x128xf32, #tpu.memory_space<vmem>>)
          %dma_start3A_169 = arith.constant 0 : i32
          %dma_start3A_170 = tpu.memref_slice %arg11[%add3A_150, %dma_start3A_169] : memref<32x64xi32, #tpu.memory_space<vmem>> -> memref<1x64xi32, #tpu.memory_space<vmem>>
          %dma_start3A_171 = tpu.memref_squeeze %dma_start3A_170 : memref<1x64xi32, #tpu.memory_space<vmem>> -> memref<64xi32, #tpu.memory_space<vmem>>
          %dma_start3A_172 = arith.constant 0 : i32
          %dma_start3A_173 = arith.constant 0 : i32
          %dma_start3A_174 = tpu.memref_slice %arg10[%dma_start3A_172, %dma_start3A_173] : memref<10240x128xf32, #tpu.memory_space<vmem_shared>> -> memref<10240x128xf32, #tpu.memory_space<vmem_shared>>
          tpu.enqueue_indirect_dma source(%arg16 : memref<64x128xf32, #tpu.memory_space<vmem>>) target(%dma_start3A_174 : memref<10240x128xf32, #tpu.memory_space<vmem_shared>>) offsets(%dma_start3A_171 : memref<64xi32, #tpu.memory_space<vmem>>) semaphore(%arg24 : memref<!tpu.dma_semaphore, #tpu.memory_space<semaphore_mem>>) {add = true}
          %mul3A_175 = arith.constant 4 : i32
          %mul3A_176 = arith.muli %mul3A_175, %scan3A_119 : i32
          %add3A_177 = arith.constant 2 : i32
          %add3A_178 = arith.addi %mul3A_176, %add3A_177 : i32
          %ge3A_179 = arith.constant 1 : i32
          %ge3A_180 = arith.cmpi sge, %add3A_178, %ge3A_179 : i32
          %convert_element_type3A_181 = arith.extui %ge3A_180 : i1 to i32
          %cond3A_182 = arith.constant 0 : i32
          %cond3A_183 = arith.cmpi ne, %convert_element_type3A_181, %cond3A_182 : i32
          scf.if %cond3A_183 {
            %sub3A = arith.constant 1 : i32
            %sub3A_231 = arith.subi %add3A_178, %sub3A : i32
            %dma_wait3A_232 = arith.constant 0 : i32
            %dma_wait3A_233 = tpu.memref_slice %arg11[%sub3A_231, %dma_wait3A_232] : memref<32x64xi32, #tpu.memory_space<vmem>> -> memref<1x64xi32, #tpu.memory_space<vmem>>
            %dma_wait3A_234 = tpu.memref_squeeze %dma_wait3A_233 : memref<1x64xi32, #tpu.memory_space<vmem>> -> memref<64xi32, #tpu.memory_space<vmem>>
            %dma_wait3A_235 = arith.constant 0 : i32
            %dma_wait3A_236 = arith.constant 0 : i32
            %dma_wait3A_237 = tpu.memref_slice %arg10[%dma_wait3A_235, %dma_wait3A_236] : memref<10240x128xf32, #tpu.memory_space<vmem_shared>> -> memref<10240x128xf32, #tpu.memory_space<vmem_shared>>
            tpu.wait_indirect_dma semaphore(%arg24 : memref<!tpu.dma_semaphore, #tpu.memory_space<semaphore_mem>>) src(%arg16 : memref<64x128xf32, #tpu.memory_space<vmem>>) dst(%dma_wait3A_237 : memref<10240x128xf32, #tpu.memory_space<vmem_shared>>)
          } else {
          }
          %add3A_184 = arith.constant 3 : i32
          %add3A_185 = arith.addi %add3A_178, %add3A_184 : i32
          %lt3A_186 = arith.constant 32 : i32
          %lt3A_187 = arith.cmpi slt, %add3A_185, %lt3A_186 : i32
          %convert_element_type3A_188 = arith.extui %lt3A_187 : i1 to i32
          %cond3A_189 = arith.constant 0 : i32
          %cond3A_190 = arith.cmpi ne, %convert_element_type3A_188, %cond3A_189 : i32
          scf.if %cond3A_190 {
            %add3A_231 = arith.constant 3 : i32
            %add3A_232 = arith.addi %add3A_178, %add3A_231 : i32
            %dma_start3A_233 = arith.constant 0 : i32
            %dma_start3A_234 = tpu.memref_slice %arg13[%add3A_232, %dma_start3A_233] : memref<32x64xi32, #tpu.memory_space<vmem>> -> memref<1x64xi32, #tpu.memory_space<vmem>>
            %dma_start3A_235 = tpu.memref_squeeze %dma_start3A_234 : memref<1x64xi32, #tpu.memory_space<vmem>> -> memref<64xi32, #tpu.memory_space<vmem>>
            %dma_start3A_236 = arith.constant 0 : i32
            %dma_start3A_237 = arith.constant 0 : i32
            %dma_start3A_238 = tpu.memref_slice %arg2[%dma_start3A_236, %dma_start3A_237] : memref<10240x128xf32, #tpu.memory_space<hbm>> -> memref<10240x128xf32, #tpu.memory_space<hbm>>
            tpu.enqueue_indirect_dma source(%dma_start3A_238 : memref<10240x128xf32, #tpu.memory_space<hbm>>) target(%arg16 : memref<64x128xf32, #tpu.memory_space<vmem>>) offsets(%dma_start3A_235 : memref<64xi32, #tpu.memory_space<vmem>>) semaphore(%arg20 : memref<!tpu.dma_semaphore, #tpu.memory_space<semaphore_mem>>)
          } else {
          }
          %dma_wait3A_191 = arith.constant 0 : i32
          %dma_wait3A_192 = tpu.memref_slice %arg13[%add3A_178, %dma_wait3A_191] : memref<32x64xi32, #tpu.memory_space<vmem>> -> memref<1x64xi32, #tpu.memory_space<vmem>>
          %dma_wait3A_193 = tpu.memref_squeeze %dma_wait3A_192 : memref<1x64xi32, #tpu.memory_space<vmem>> -> memref<64xi32, #tpu.memory_space<vmem>>
          %dma_wait3A_194 = arith.constant 0 : i32
          %dma_wait3A_195 = arith.constant 0 : i32
          %dma_wait3A_196 = tpu.memref_slice %arg2[%dma_wait3A_194, %dma_wait3A_195] : memref<10240x128xf32, #tpu.memory_space<hbm>> -> memref<10240x128xf32, #tpu.memory_space<hbm>>
          tpu.wait_indirect_dma semaphore(%arg21 : memref<!tpu.dma_semaphore, #tpu.memory_space<semaphore_mem>>) src(%dma_wait3A_196 : memref<10240x128xf32, #tpu.memory_space<hbm>>) dst(%arg17 : memref<64x128xf32, #tpu.memory_space<vmem>>)
          %dma_start3A_197 = arith.constant 0 : i32
          %dma_start3A_198 = tpu.memref_slice %arg11[%add3A_178, %dma_start3A_197] : memref<32x64xi32, #tpu.memory_space<vmem>> -> memref<1x64xi32, #tpu.memory_space<vmem>>
          %dma_start3A_199 = tpu.memref_squeeze %dma_start3A_198 : memref<1x64xi32, #tpu.memory_space<vmem>> -> memref<64xi32, #tpu.memory_space<vmem>>
          %dma_start3A_200 = arith.constant 0 : i32
          %dma_start3A_201 = arith.constant 0 : i32
          %dma_start3A_202 = tpu.memref_slice %arg10[%dma_start3A_200, %dma_start3A_201] : memref<10240x128xf32, #tpu.memory_space<vmem_shared>> -> memref<10240x128xf32, #tpu.memory_space<vmem_shared>>
          tpu.enqueue_indirect_dma source(%arg17 : memref<64x128xf32, #tpu.memory_space<vmem>>) target(%dma_start3A_202 : memref<10240x128xf32, #tpu.memory_space<vmem_shared>>) offsets(%dma_start3A_199 : memref<64xi32, #tpu.memory_space<vmem>>) semaphore(%arg25 : memref<!tpu.dma_semaphore, #tpu.memory_space<semaphore_mem>>) {add = true}
          %mul3A_203 = arith.constant 4 : i32
          %mul3A_204 = arith.muli %mul3A_203, %scan3A_119 : i32
          %add3A_205 = arith.constant 3 : i32
          %add3A_206 = arith.addi %mul3A_204, %add3A_205 : i32
          %ge3A_207 = arith.constant 1 : i32
          %ge3A_208 = arith.cmpi sge, %add3A_206, %ge3A_207 : i32
          %convert_element_type3A_209 = arith.extui %ge3A_208 : i1 to i32
          %cond3A_210 = arith.constant 0 : i32
          %cond3A_211 = arith.cmpi ne, %convert_element_type3A_209, %cond3A_210 : i32
          scf.if %cond3A_211 {
            %sub3A = arith.constant 1 : i32
            %sub3A_231 = arith.subi %add3A_206, %sub3A : i32
            %dma_wait3A_232 = arith.constant 0 : i32
            %dma_wait3A_233 = tpu.memref_slice %arg11[%sub3A_231, %dma_wait3A_232] : memref<32x64xi32, #tpu.memory_space<vmem>> -> memref<1x64xi32, #tpu.memory_space<vmem>>
            %dma_wait3A_234 = tpu.memref_squeeze %dma_wait3A_233 : memref<1x64xi32, #tpu.memory_space<vmem>> -> memref<64xi32, #tpu.memory_space<vmem>>
            %dma_wait3A_235 = arith.constant 0 : i32
            %dma_wait3A_236 = arith.constant 0 : i32
            %dma_wait3A_237 = tpu.memref_slice %arg10[%dma_wait3A_235, %dma_wait3A_236] : memref<10240x128xf32, #tpu.memory_space<vmem_shared>> -> memref<10240x128xf32, #tpu.memory_space<vmem_shared>>
            tpu.wait_indirect_dma semaphore(%arg25 : memref<!tpu.dma_semaphore, #tpu.memory_space<semaphore_mem>>) src(%arg17 : memref<64x128xf32, #tpu.memory_space<vmem>>) dst(%dma_wait3A_237 : memref<10240x128xf32, #tpu.memory_space<vmem_shared>>)
          } else {
          }
          %add3A_212 = arith.constant 3 : i32
          %add3A_213 = arith.addi %add3A_206, %add3A_212 : i32
          %lt3A_214 = arith.constant 32 : i32
          %lt3A_215 = arith.cmpi slt, %add3A_213, %lt3A_214 : i32
          %convert_element_type3A_216 = arith.extui %lt3A_215 : i1 to i32
          %cond3A_217 = arith.constant 0 : i32
          %cond3A_218 = arith.cmpi ne, %convert_element_type3A_216, %cond3A_217 : i32
          scf.if %cond3A_218 {
            %add3A_231 = arith.constant 3 : i32
            %add3A_232 = arith.addi %add3A_206, %add3A_231 : i32
            %dma_start3A_233 = arith.constant 0 : i32
            %dma_start3A_234 = tpu.memref_slice %arg13[%add3A_232, %dma_start3A_233] : memref<32x64xi32, #tpu.memory_space<vmem>> -> memref<1x64xi32, #tpu.memory_space<vmem>>
            %dma_start3A_235 = tpu.memref_squeeze %dma_start3A_234 : memref<1x64xi32, #tpu.memory_space<vmem>> -> memref<64xi32, #tpu.memory_space<vmem>>
            %dma_start3A_236 = arith.constant 0 : i32
            %dma_start3A_237 = arith.constant 0 : i32
            %dma_start3A_238 = tpu.memref_slice %arg2[%dma_start3A_236, %dma_start3A_237] : memref<10240x128xf32, #tpu.memory_space<hbm>> -> memref<10240x128xf32, #tpu.memory_space<hbm>>
            tpu.enqueue_indirect_dma source(%dma_start3A_238 : memref<10240x128xf32, #tpu.memory_space<hbm>>) target(%arg17 : memref<64x128xf32, #tpu.memory_space<vmem>>) offsets(%dma_start3A_235 : memref<64xi32, #tpu.memory_space<vmem>>) semaphore(%arg21 : memref<!tpu.dma_semaphore, #tpu.memory_space<semaphore_mem>>)
          } else {
          }
          %dma_wait3A_219 = arith.constant 0 : i32
          %dma_wait3A_220 = tpu.memref_slice %arg13[%add3A_206, %dma_wait3A_219] : memref<32x64xi32, #tpu.memory_space<vmem>> -> memref<1x64xi32, #tpu.memory_space<vmem>>
          %dma_wait3A_221 = tpu.memref_squeeze %dma_wait3A_220 : memref<1x64xi32, #tpu.memory_space<vmem>> -> memref<64xi32, #tpu.memory_space<vmem>>
          %dma_wait3A_222 = arith.constant 0 : i32
          %dma_wait3A_223 = arith.constant 0 : i32
          %dma_wait3A_224 = tpu.memref_slice %arg2[%dma_wait3A_222, %dma_wait3A_223] : memref<10240x128xf32, #tpu.memory_space<hbm>> -> memref<10240x128xf32, #tpu.memory_space<hbm>>
          tpu.wait_indirect_dma semaphore(%arg22 : memref<!tpu.dma_semaphore, #tpu.memory_space<semaphore_mem>>) src(%dma_wait3A_224 : memref<10240x128xf32, #tpu.memory_space<hbm>>) dst(%arg18 : memref<64x128xf32, #tpu.memory_space<vmem>>)
          %dma_start3A_225 = arith.constant 0 : i32
          %dma_start3A_226 = tpu.memref_slice %arg11[%add3A_206, %dma_start3A_225] : memref<32x64xi32, #tpu.memory_space<vmem>> -> memref<1x64xi32, #tpu.memory_space<vmem>>
          %dma_start3A_227 = tpu.memref_squeeze %dma_start3A_226 : memref<1x64xi32, #tpu.memory_space<vmem>> -> memref<64xi32, #tpu.memory_space<vmem>>
          %dma_start3A_228 = arith.constant 0 : i32
          %dma_start3A_229 = arith.constant 0 : i32
          %dma_start3A_230 = tpu.memref_slice %arg10[%dma_start3A_228, %dma_start3A_229] : memref<10240x128xf32, #tpu.memory_space<vmem_shared>> -> memref<10240x128xf32, #tpu.memory_space<vmem_shared>>
          tpu.enqueue_indirect_dma source(%arg18 : memref<64x128xf32, #tpu.memory_space<vmem>>) target(%dma_start3A_230 : memref<10240x128xf32, #tpu.memory_space<vmem_shared>>) offsets(%dma_start3A_227 : memref<64xi32, #tpu.memory_space<vmem>>) semaphore(%arg26 : memref<!tpu.dma_semaphore, #tpu.memory_space<semaphore_mem>>) {add = true}
        }
        %scan3A_62 = arith.constant 8 : i32
        %dma_wait3A = arith.constant 31 : i32
        %dma_wait3A_63 = arith.constant 0 : i32
        %dma_wait3A_64 = tpu.memref_slice %arg11[%dma_wait3A, %dma_wait3A_63] : memref<32x64xi32, #tpu.memory_space<vmem>> -> memref<1x64xi32, #tpu.memory_space<vmem>>
        %dma_wait3A_65 = tpu.memref_squeeze %dma_wait3A_64 : memref<1x64xi32, #tpu.memory_space<vmem>> -> memref<64xi32, #tpu.memory_space<vmem>>
        %dma_wait3A_66 = arith.constant 0 : i32
        %dma_wait3A_67 = arith.constant 0 : i32
        %dma_wait3A_68 = tpu.memref_slice %arg10[%dma_wait3A_66, %dma_wait3A_67] : memref<10240x128xf32, #tpu.memory_space<vmem_shared>> -> memref<10240x128xf32, #tpu.memory_space<vmem_shared>>
        tpu.wait_indirect_dma semaphore(%arg26 : memref<!tpu.dma_semaphore, #tpu.memory_space<semaphore_mem>>) src(%arg18 : memref<64x128xf32, #tpu.memory_space<vmem>>) dst(%dma_wait3A_68 : memref<10240x128xf32, #tpu.memory_space<vmem_shared>>)
        %mul3A_69 = arith.constant 2 : i32
        %mul3A_70 = arith.muli %mul3A_69, %scan3A_25 : i32
        %add3A_71 = arith.constant 1 : i32
        %add3A_72 = arith.addi %mul3A_70, %add3A_71 : i32
        %gt3A_73 = arith.constant 0 : i32
        %gt3A_74 = arith.cmpi sgt, %add3A_72, %gt3A_73 : i32
        %convert_element_type3A_75 = arith.extui %gt3A_74 : i1 to i32
        %cond3A_76 = arith.constant 0 : i32
        %cond3A_77 = arith.cmpi ne, %convert_element_type3A_75, %cond3A_76 : i32
        scf.if %cond3A_77 {
          %mul3A_119 = arith.constant 10 : i32
          %mul3A_120 = arith.muli %arg1, %mul3A_119 : i32
          %add3A_121 = arith.addi %mul3A_120, %add3A_72 : i32
          %dma_wait3A_122 = arith.constant 0 : i32
          %dma_wait3A_123 = arith.constant 0 : i32
          %dma_wait3A_124 = tpu.memref_slice %arg4[%add3A_121, %dma_wait3A_122, %dma_wait3A_123] : memref<160x32x64xi32, #tpu.memory_space<hbm>> -> memref<1x32x64xi32, #tpu.memory_space<hbm>>
          %dma_wait3A_125 = tpu.memref_squeeze %dma_wait3A_124 : memref<1x32x64xi32, #tpu.memory_space<hbm>> -> memref<32x64xi32, #tpu.memory_space<hbm>>
          %dma_wait3A_126 = arith.constant 0 : i32
          %dma_wait3A_127 = arith.constant 0 : i32
          %dma_wait3A_128 = tpu.memref_slice %arg4[%add3A_121, %dma_wait3A_126, %dma_wait3A_127] : memref<160x32x64xi32, #tpu.memory_space<hbm>> -> memref<1x32x64xi32, #tpu.memory_space<hbm>>
          %dma_wait3A_129 = tpu.memref_squeeze %dma_wait3A_128 : memref<1x32x64xi32, #tpu.memory_space<hbm>> -> memref<32x64xi32, #tpu.memory_space<hbm>>
          tpu.wait_dma2 semaphore(%arg27 : memref<!tpu.dma_semaphore, #tpu.memory_space<semaphore_mem>>) src(%dma_wait3A_129 : memref<32x64xi32, #tpu.memory_space<hbm>>) dst(%arg12 : memref<32x64xi32, #tpu.memory_space<vmem>>)
          %mul3A_130 = arith.constant 10 : i32
          %mul3A_131 = arith.muli %arg1, %mul3A_130 : i32
          %add3A_132 = arith.addi %mul3A_131, %add3A_72 : i32
          %dma_wait3A_133 = arith.constant 0 : i32
          %dma_wait3A_134 = arith.constant 0 : i32
          %dma_wait3A_135 = tpu.memref_slice %arg5[%add3A_132, %dma_wait3A_133, %dma_wait3A_134] : memref<160x32x64xi32, #tpu.memory_space<hbm>> -> memref<1x32x64xi32, #tpu.memory_space<hbm>>
          %dma_wait3A_136 = tpu.memref_squeeze %dma_wait3A_135 : memref<1x32x64xi32, #tpu.memory_space<hbm>> -> memref<32x64xi32, #tpu.memory_space<hbm>>
          %dma_wait3A_137 = arith.constant 0 : i32
          %dma_wait3A_138 = arith.constant 0 : i32
          %dma_wait3A_139 = tpu.memref_slice %arg5[%add3A_132, %dma_wait3A_137, %dma_wait3A_138] : memref<160x32x64xi32, #tpu.memory_space<hbm>> -> memref<1x32x64xi32, #tpu.memory_space<hbm>>
          %dma_wait3A_140 = tpu.memref_squeeze %dma_wait3A_139 : memref<1x32x64xi32, #tpu.memory_space<hbm>> -> memref<32x64xi32, #tpu.memory_space<hbm>>
          tpu.wait_dma2 semaphore(%arg28 : memref<!tpu.dma_semaphore, #tpu.memory_space<semaphore_mem>>) src(%dma_wait3A_140 : memref<32x64xi32, #tpu.memory_space<hbm>>) dst(%arg14 : memref<32x64xi32, #tpu.memory_space<vmem>>)
        } else {
        }
        %add3A_78 = arith.constant 1 : i32
        %add3A_79 = arith.addi %add3A_72, %add3A_78 : i32
        %lt3A_80 = arith.constant 10 : i32
        %lt3A_81 = arith.cmpi slt, %add3A_79, %lt3A_80 : i32
        %convert_element_type3A_82 = arith.extui %lt3A_81 : i1 to i32
        %cond3A_83 = arith.constant 0 : i32
        %cond3A_84 = arith.cmpi ne, %convert_element_type3A_82, %cond3A_83 : i32
        scf.if %cond3A_84 {
          %mul3A_119 = arith.constant 10 : i32
          %mul3A_120 = arith.muli %arg1, %mul3A_119 : i32
          %add3A_121 = arith.addi %mul3A_120, %add3A_72 : i32
          %add3A_122 = arith.constant 1 : i32
          %add3A_123 = arith.addi %add3A_121, %add3A_122 : i32
          %dma_start3A_124 = arith.constant 0 : i32
          %dma_start3A_125 = arith.constant 0 : i32
          %dma_start3A_126 = tpu.memref_slice %arg4[%add3A_123, %dma_start3A_124, %dma_start3A_125] : memref<160x32x64xi32, #tpu.memory_space<hbm>> -> memref<1x32x64xi32, #tpu.memory_space<hbm>>
          %dma_start3A_127 = tpu.memref_squeeze %dma_start3A_126 : memref<1x32x64xi32, #tpu.memory_space<hbm>> -> memref<32x64xi32, #tpu.memory_space<hbm>>
          %dma_start3A_128 = arith.constant 0 : i32
          %dma_start3A_129 = arith.constant 0 : i32
          %dma_start3A_130 = tpu.memref_slice %arg4[%add3A_123, %dma_start3A_128, %dma_start3A_129] : memref<160x32x64xi32, #tpu.memory_space<hbm>> -> memref<1x32x64xi32, #tpu.memory_space<hbm>>
          %dma_start3A_131 = tpu.memref_squeeze %dma_start3A_130 : memref<1x32x64xi32, #tpu.memory_space<hbm>> -> memref<32x64xi32, #tpu.memory_space<hbm>>
          tpu.enqueue_dma source(%dma_start3A_131 : memref<32x64xi32, #tpu.memory_space<hbm>>) target(%arg11 : memref<32x64xi32, #tpu.memory_space<vmem>>) target_semaphore(%arg27 : memref<!tpu.dma_semaphore, #tpu.memory_space<semaphore_mem>>)
          %mul3A_132 = arith.constant 10 : i32
          %mul3A_133 = arith.muli %arg1, %mul3A_132 : i32
          %add3A_134 = arith.addi %mul3A_133, %add3A_72 : i32
          %add3A_135 = arith.constant 1 : i32
          %add3A_136 = arith.addi %add3A_134, %add3A_135 : i32
          %dma_start3A_137 = arith.constant 0 : i32
          %dma_start3A_138 = arith.constant 0 : i32
          %dma_start3A_139 = tpu.memref_slice %arg5[%add3A_136, %dma_start3A_137, %dma_start3A_138] : memref<160x32x64xi32, #tpu.memory_space<hbm>> -> memref<1x32x64xi32, #tpu.memory_space<hbm>>
          %dma_start3A_140 = tpu.memref_squeeze %dma_start3A_139 : memref<1x32x64xi32, #tpu.memory_space<hbm>> -> memref<32x64xi32, #tpu.memory_space<hbm>>
          %dma_start3A_141 = arith.constant 0 : i32
          %dma_start3A_142 = arith.constant 0 : i32
          %dma_start3A_143 = tpu.memref_slice %arg5[%add3A_136, %dma_start3A_141, %dma_start3A_142] : memref<160x32x64xi32, #tpu.memory_space<hbm>> -> memref<1x32x64xi32, #tpu.memory_space<hbm>>
          %dma_start3A_144 = tpu.memref_squeeze %dma_start3A_143 : memref<1x32x64xi32, #tpu.memory_space<hbm>> -> memref<32x64xi32, #tpu.memory_space<hbm>>
          tpu.enqueue_dma source(%dma_start3A_144 : memref<32x64xi32, #tpu.memory_space<hbm>>) target(%arg13 : memref<32x64xi32, #tpu.memory_space<vmem>>) target_semaphore(%arg28 : memref<!tpu.dma_semaphore, #tpu.memory_space<semaphore_mem>>)
        } else {
        }
        %dma_start3A_85 = arith.constant 0 : i32
        %dma_start3A_86 = arith.constant 0 : i32
        %dma_start3A_87 = tpu.memref_slice %arg14[%dma_start3A_85, %dma_start3A_86] : memref<32x64xi32, #tpu.memory_space<vmem>> -> memref<1x64xi32, #tpu.memory_space<vmem>>
        %dma_start3A_88 = tpu.memref_squeeze %dma_start3A_87 : memref<1x64xi32, #tpu.memory_space<vmem>> -> memref<64xi32, #tpu.memory_space<vmem>>
        %dma_start3A_89 = arith.constant 0 : i32
        %dma_start3A_90 = arith.constant 0 : i32
        %dma_start3A_91 = tpu.memref_slice %arg2[%dma_start3A_89, %dma_start3A_90] : memref<10240x128xf32, #tpu.memory_space<hbm>> -> memref<10240x128xf32, #tpu.memory_space<hbm>>
        tpu.enqueue_indirect_dma source(%dma_start3A_91 : memref<10240x128xf32, #tpu.memory_space<hbm>>) target(%arg15 : memref<64x128xf32, #tpu.memory_space<vmem>>) offsets(%dma_start3A_88 : memref<64xi32, #tpu.memory_space<vmem>>) semaphore(%arg19 : memref<!tpu.dma_semaphore, #tpu.memory_space<semaphore_mem>>)
        %dma_start3A_92 = arith.constant 1 : i32
        %dma_start3A_93 = arith.constant 0 : i32
        %dma_start3A_94 = tpu.memref_slice %arg14[%dma_start3A_92, %dma_start3A_93] : memref<32x64xi32, #tpu.memory_space<vmem>> -> memref<1x64xi32, #tpu.memory_space<vmem>>
        %dma_start3A_95 = tpu.memref_squeeze %dma_start3A_94 : memref<1x64xi32, #tpu.memory_space<vmem>> -> memref<64xi32, #tpu.memory_space<vmem>>
        %dma_start3A_96 = arith.constant 0 : i32
        %dma_start3A_97 = arith.constant 0 : i32
        %dma_start3A_98 = tpu.memref_slice %arg2[%dma_start3A_96, %dma_start3A_97] : memref<10240x128xf32, #tpu.memory_space<hbm>> -> memref<10240x128xf32, #tpu.memory_space<hbm>>
        tpu.enqueue_indirect_dma source(%dma_start3A_98 : memref<10240x128xf32, #tpu.memory_space<hbm>>) target(%arg16 : memref<64x128xf32, #tpu.memory_space<vmem>>) offsets(%dma_start3A_95 : memref<64xi32, #tpu.memory_space<vmem>>) semaphore(%arg20 : memref<!tpu.dma_semaphore, #tpu.memory_space<semaphore_mem>>)
        %dma_start3A_99 = arith.constant 2 : i32
        %dma_start3A_100 = arith.constant 0 : i32
        %dma_start3A_101 = tpu.memref_slice %arg14[%dma_start3A_99, %dma_start3A_100] : memref<32x64xi32, #tpu.memory_space<vmem>> -> memref<1x64xi32, #tpu.memory_space<vmem>>
        %dma_start3A_102 = tpu.memref_squeeze %dma_start3A_101 : memref<1x64xi32, #tpu.memory_space<vmem>> -> memref<64xi32, #tpu.memory_space<vmem>>
        %dma_start3A_103 = arith.constant 0 : i32
        %dma_start3A_104 = arith.constant 0 : i32
        %dma_start3A_105 = tpu.memref_slice %arg2[%dma_start3A_103, %dma_start3A_104] : memref<10240x128xf32, #tpu.memory_space<hbm>> -> memref<10240x128xf32, #tpu.memory_space<hbm>>
        tpu.enqueue_indirect_dma source(%dma_start3A_105 : memref<10240x128xf32, #tpu.memory_space<hbm>>) target(%arg17 : memref<64x128xf32, #tpu.memory_space<vmem>>) offsets(%dma_start3A_102 : memref<64xi32, #tpu.memory_space<vmem>>) semaphore(%arg21 : memref<!tpu.dma_semaphore, #tpu.memory_space<semaphore_mem>>)
        %scan3A_106 = arith.constant 0 : i32
        %scan3A_107 = arith.constant 0 : i32
        %scan3A_108 = arith.constant 8 : i32
        %scan3A_109 = arith.addi %scan3A_107, %scan3A_108 : i32
        %scan3A_110 = arith.constant 1 : i32
        scf.for %scan3A_119 = %scan3A_107 to %scan3A_109 step %scan3A_110  : i32 {
          %mul3A_120 = arith.constant 4 : i32
          %mul3A_121 = arith.muli %mul3A_120, %scan3A_119 : i32
          %add3A_122 = arith.constant 0 : i32
          %add3A_123 = arith.addi %mul3A_121, %add3A_122 : i32
          %ge3A = arith.constant 1 : i32
          %ge3A_124 = arith.cmpi sge, %add3A_123, %ge3A : i32
          %convert_element_type3A_125 = arith.extui %ge3A_124 : i1 to i32
          %cond3A_126 = arith.constant 0 : i32
          %cond3A_127 = arith.cmpi ne, %convert_element_type3A_125, %cond3A_126 : i32
          scf.if %cond3A_127 {
            %sub3A = arith.constant 1 : i32
            %sub3A_231 = arith.subi %add3A_123, %sub3A : i32
            %dma_wait3A_232 = arith.constant 0 : i32
            %dma_wait3A_233 = tpu.memref_slice %arg12[%sub3A_231, %dma_wait3A_232] : memref<32x64xi32, #tpu.memory_space<vmem>> -> memref<1x64xi32, #tpu.memory_space<vmem>>
            %dma_wait3A_234 = tpu.memref_squeeze %dma_wait3A_233 : memref<1x64xi32, #tpu.memory_space<vmem>> -> memref<64xi32, #tpu.memory_space<vmem>>
            %dma_wait3A_235 = arith.constant 0 : i32
            %dma_wait3A_236 = arith.constant 0 : i32
            %dma_wait3A_237 = tpu.memref_slice %arg10[%dma_wait3A_235, %dma_wait3A_236] : memref<10240x128xf32, #tpu.memory_space<vmem_shared>> -> memref<10240x128xf32, #tpu.memory_space<vmem_shared>>
            tpu.wait_indirect_dma semaphore(%arg26 : memref<!tpu.dma_semaphore, #tpu.memory_space<semaphore_mem>>) src(%arg18 : memref<64x128xf32, #tpu.memory_space<vmem>>) dst(%dma_wait3A_237 : memref<10240x128xf32, #tpu.memory_space<vmem_shared>>)
          } else {
          }
          %add3A_128 = arith.constant 3 : i32
          %add3A_129 = arith.addi %add3A_123, %add3A_128 : i32
          %lt3A_130 = arith.constant 32 : i32
          %lt3A_131 = arith.cmpi slt, %add3A_129, %lt3A_130 : i32
          %convert_element_type3A_132 = arith.extui %lt3A_131 : i1 to i32
          %cond3A_133 = arith.constant 0 : i32
          %cond3A_134 = arith.cmpi ne, %convert_element_type3A_132, %cond3A_133 : i32
          scf.if %cond3A_134 {
            %add3A_231 = arith.constant 3 : i32
            %add3A_232 = arith.addi %add3A_123, %add3A_231 : i32
            %dma_start3A_233 = arith.constant 0 : i32
            %dma_start3A_234 = tpu.memref_slice %arg14[%add3A_232, %dma_start3A_233] : memref<32x64xi32, #tpu.memory_space<vmem>> -> memref<1x64xi32, #tpu.memory_space<vmem>>
            %dma_start3A_235 = tpu.memref_squeeze %dma_start3A_234 : memref<1x64xi32, #tpu.memory_space<vmem>> -> memref<64xi32, #tpu.memory_space<vmem>>
            %dma_start3A_236 = arith.constant 0 : i32
            %dma_start3A_237 = arith.constant 0 : i32
            %dma_start3A_238 = tpu.memref_slice %arg2[%dma_start3A_236, %dma_start3A_237] : memref<10240x128xf32, #tpu.memory_space<hbm>> -> memref<10240x128xf32, #tpu.memory_space<hbm>>
            tpu.enqueue_indirect_dma source(%dma_start3A_238 : memref<10240x128xf32, #tpu.memory_space<hbm>>) target(%arg18 : memref<64x128xf32, #tpu.memory_space<vmem>>) offsets(%dma_start3A_235 : memref<64xi32, #tpu.memory_space<vmem>>) semaphore(%arg22 : memref<!tpu.dma_semaphore, #tpu.memory_space<semaphore_mem>>)
          } else {
          }
          %dma_wait3A_135 = arith.constant 0 : i32
          %dma_wait3A_136 = tpu.memref_slice %arg14[%add3A_123, %dma_wait3A_135] : memref<32x64xi32, #tpu.memory_space<vmem>> -> memref<1x64xi32, #tpu.memory_space<vmem>>
          %dma_wait3A_137 = tpu.memref_squeeze %dma_wait3A_136 : memref<1x64xi32, #tpu.memory_space<vmem>> -> memref<64xi32, #tpu.memory_space<vmem>>
          %dma_wait3A_138 = arith.constant 0 : i32
          %dma_wait3A_139 = arith.constant 0 : i32
          %dma_wait3A_140 = tpu.memref_slice %arg2[%dma_wait3A_138, %dma_wait3A_139] : memref<10240x128xf32, #tpu.memory_space<hbm>> -> memref<10240x128xf32, #tpu.memory_space<hbm>>
          tpu.wait_indirect_dma semaphore(%arg19 : memref<!tpu.dma_semaphore, #tpu.memory_space<semaphore_mem>>) src(%dma_wait3A_140 : memref<10240x128xf32, #tpu.memory_space<hbm>>) dst(%arg15 : memref<64x128xf32, #tpu.memory_space<vmem>>)
          %dma_start3A_141 = arith.constant 0 : i32
          %dma_start3A_142 = tpu.memref_slice %arg12[%add3A_123, %dma_start3A_141] : memref<32x64xi32, #tpu.memory_space<vmem>> -> memref<1x64xi32, #tpu.memory_space<vmem>>
          %dma_start3A_143 = tpu.memref_squeeze %dma_start3A_142 : memref<1x64xi32, #tpu.memory_space<vmem>> -> memref<64xi32, #tpu.memory_space<vmem>>
          %dma_start3A_144 = arith.constant 0 : i32
          %dma_start3A_145 = arith.constant 0 : i32
          %dma_start3A_146 = tpu.memref_slice %arg10[%dma_start3A_144, %dma_start3A_145] : memref<10240x128xf32, #tpu.memory_space<vmem_shared>> -> memref<10240x128xf32, #tpu.memory_space<vmem_shared>>
          tpu.enqueue_indirect_dma source(%arg15 : memref<64x128xf32, #tpu.memory_space<vmem>>) target(%dma_start3A_146 : memref<10240x128xf32, #tpu.memory_space<vmem_shared>>) offsets(%dma_start3A_143 : memref<64xi32, #tpu.memory_space<vmem>>) semaphore(%arg23 : memref<!tpu.dma_semaphore, #tpu.memory_space<semaphore_mem>>) {add = true}
          %mul3A_147 = arith.constant 4 : i32
          %mul3A_148 = arith.muli %mul3A_147, %scan3A_119 : i32
          %add3A_149 = arith.constant 1 : i32
          %add3A_150 = arith.addi %mul3A_148, %add3A_149 : i32
          %ge3A_151 = arith.constant 1 : i32
          %ge3A_152 = arith.cmpi sge, %add3A_150, %ge3A_151 : i32
          %convert_element_type3A_153 = arith.extui %ge3A_152 : i1 to i32
          %cond3A_154 = arith.constant 0 : i32
          %cond3A_155 = arith.cmpi ne, %convert_element_type3A_153, %cond3A_154 : i32
          scf.if %cond3A_155 {
            %sub3A = arith.constant 1 : i32
            %sub3A_231 = arith.subi %add3A_150, %sub3A : i32
            %dma_wait3A_232 = arith.constant 0 : i32
            %dma_wait3A_233 = tpu.memref_slice %arg12[%sub3A_231, %dma_wait3A_232] : memref<32x64xi32, #tpu.memory_space<vmem>> -> memref<1x64xi32, #tpu.memory_space<vmem>>
            %dma_wait3A_234 = tpu.memref_squeeze %dma_wait3A_233 : memref<1x64xi32, #tpu.memory_space<vmem>> -> memref<64xi32, #tpu.memory_space<vmem>>
            %dma_wait3A_235 = arith.constant 0 : i32
            %dma_wait3A_236 = arith.constant 0 : i32
            %dma_wait3A_237 = tpu.memref_slice %arg10[%dma_wait3A_235, %dma_wait3A_236] : memref<10240x128xf32, #tpu.memory_space<vmem_shared>> -> memref<10240x128xf32, #tpu.memory_space<vmem_shared>>
            tpu.wait_indirect_dma semaphore(%arg23 : memref<!tpu.dma_semaphore, #tpu.memory_space<semaphore_mem>>) src(%arg15 : memref<64x128xf32, #tpu.memory_space<vmem>>) dst(%dma_wait3A_237 : memref<10240x128xf32, #tpu.memory_space<vmem_shared>>)
          } else {
          }
          %add3A_156 = arith.constant 3 : i32
          %add3A_157 = arith.addi %add3A_150, %add3A_156 : i32
          %lt3A_158 = arith.constant 32 : i32
          %lt3A_159 = arith.cmpi slt, %add3A_157, %lt3A_158 : i32
          %convert_element_type3A_160 = arith.extui %lt3A_159 : i1 to i32
          %cond3A_161 = arith.constant 0 : i32
          %cond3A_162 = arith.cmpi ne, %convert_element_type3A_160, %cond3A_161 : i32
          scf.if %cond3A_162 {
            %add3A_231 = arith.constant 3 : i32
            %add3A_232 = arith.addi %add3A_150, %add3A_231 : i32
            %dma_start3A_233 = arith.constant 0 : i32
            %dma_start3A_234 = tpu.memref_slice %arg14[%add3A_232, %dma_start3A_233] : memref<32x64xi32, #tpu.memory_space<vmem>> -> memref<1x64xi32, #tpu.memory_space<vmem>>
            %dma_start3A_235 = tpu.memref_squeeze %dma_start3A_234 : memref<1x64xi32, #tpu.memory_space<vmem>> -> memref<64xi32, #tpu.memory_space<vmem>>
            %dma_start3A_236 = arith.constant 0 : i32
            %dma_start3A_237 = arith.constant 0 : i32
            %dma_start3A_238 = tpu.memref_slice %arg2[%dma_start3A_236, %dma_start3A_237] : memref<10240x128xf32, #tpu.memory_space<hbm>> -> memref<10240x128xf32, #tpu.memory_space<hbm>>
            tpu.enqueue_indirect_dma source(%dma_start3A_238 : memref<10240x128xf32, #tpu.memory_space<hbm>>) target(%arg15 : memref<64x128xf32, #tpu.memory_space<vmem>>) offsets(%dma_start3A_235 : memref<64xi32, #tpu.memory_space<vmem>>) semaphore(%arg19 : memref<!tpu.dma_semaphore, #tpu.memory_space<semaphore_mem>>)
          } else {
          }
          %dma_wait3A_163 = arith.constant 0 : i32
          %dma_wait3A_164 = tpu.memref_slice %arg14[%add3A_150, %dma_wait3A_163] : memref<32x64xi32, #tpu.memory_space<vmem>> -> memref<1x64xi32, #tpu.memory_space<vmem>>
          %dma_wait3A_165 = tpu.memref_squeeze %dma_wait3A_164 : memref<1x64xi32, #tpu.memory_space<vmem>> -> memref<64xi32, #tpu.memory_space<vmem>>
          %dma_wait3A_166 = arith.constant 0 : i32
          %dma_wait3A_167 = arith.constant 0 : i32
          %dma_wait3A_168 = tpu.memref_slice %arg2[%dma_wait3A_166, %dma_wait3A_167] : memref<10240x128xf32, #tpu.memory_space<hbm>> -> memref<10240x128xf32, #tpu.memory_space<hbm>>
          tpu.wait_indirect_dma semaphore(%arg20 : memref<!tpu.dma_semaphore, #tpu.memory_space<semaphore_mem>>) src(%dma_wait3A_168 : memref<10240x128xf32, #tpu.memory_space<hbm>>) dst(%arg16 : memref<64x128xf32, #tpu.memory_space<vmem>>)
          %dma_start3A_169 = arith.constant 0 : i32
          %dma_start3A_170 = tpu.memref_slice %arg12[%add3A_150, %dma_start3A_169] : memref<32x64xi32, #tpu.memory_space<vmem>> -> memref<1x64xi32, #tpu.memory_space<vmem>>
          %dma_start3A_171 = tpu.memref_squeeze %dma_start3A_170 : memref<1x64xi32, #tpu.memory_space<vmem>> -> memref<64xi32, #tpu.memory_space<vmem>>
          %dma_start3A_172 = arith.constant 0 : i32
          %dma_start3A_173 = arith.constant 0 : i32
          %dma_start3A_174 = tpu.memref_slice %arg10[%dma_start3A_172, %dma_start3A_173] : memref<10240x128xf32, #tpu.memory_space<vmem_shared>> -> memref<10240x128xf32, #tpu.memory_space<vmem_shared>>
          tpu.enqueue_indirect_dma source(%arg16 : memref<64x128xf32, #tpu.memory_space<vmem>>) target(%dma_start3A_174 : memref<10240x128xf32, #tpu.memory_space<vmem_shared>>) offsets(%dma_start3A_171 : memref<64xi32, #tpu.memory_space<vmem>>) semaphore(%arg24 : memref<!tpu.dma_semaphore, #tpu.memory_space<semaphore_mem>>) {add = true}
          %mul3A_175 = arith.constant 4 : i32
          %mul3A_176 = arith.muli %mul3A_175, %scan3A_119 : i32
          %add3A_177 = arith.constant 2 : i32
          %add3A_178 = arith.addi %mul3A_176, %add3A_177 : i32
          %ge3A_179 = arith.constant 1 : i32
          %ge3A_180 = arith.cmpi sge, %add3A_178, %ge3A_179 : i32
          %convert_element_type3A_181 = arith.extui %ge3A_180 : i1 to i32
          %cond3A_182 = arith.constant 0 : i32
          %cond3A_183 = arith.cmpi ne, %convert_element_type3A_181, %cond3A_182 : i32
          scf.if %cond3A_183 {
            %sub3A = arith.constant 1 : i32
            %sub3A_231 = arith.subi %add3A_178, %sub3A : i32
            %dma_wait3A_232 = arith.constant 0 : i32
            %dma_wait3A_233 = tpu.memref_slice %arg12[%sub3A_231, %dma_wait3A_232] : memref<32x64xi32, #tpu.memory_space<vmem>> -> memref<1x64xi32, #tpu.memory_space<vmem>>
            %dma_wait3A_234 = tpu.memref_squeeze %dma_wait3A_233 : memref<1x64xi32, #tpu.memory_space<vmem>> -> memref<64xi32, #tpu.memory_space<vmem>>
            %dma_wait3A_235 = arith.constant 0 : i32
            %dma_wait3A_236 = arith.constant 0 : i32
            %dma_wait3A_237 = tpu.memref_slice %arg10[%dma_wait3A_235, %dma_wait3A_236] : memref<10240x128xf32, #tpu.memory_space<vmem_shared>> -> memref<10240x128xf32, #tpu.memory_space<vmem_shared>>
            tpu.wait_indirect_dma semaphore(%arg24 : memref<!tpu.dma_semaphore, #tpu.memory_space<semaphore_mem>>) src(%arg16 : memref<64x128xf32, #tpu.memory_space<vmem>>) dst(%dma_wait3A_237 : memref<10240x128xf32, #tpu.memory_space<vmem_shared>>)
          } else {
          }
          %add3A_184 = arith.constant 3 : i32
          %add3A_185 = arith.addi %add3A_178, %add3A_184 : i32
          %lt3A_186 = arith.constant 32 : i32
          %lt3A_187 = arith.cmpi slt, %add3A_185, %lt3A_186 : i32
          %convert_element_type3A_188 = arith.extui %lt3A_187 : i1 to i32
          %cond3A_189 = arith.constant 0 : i32
          %cond3A_190 = arith.cmpi ne, %convert_element_type3A_188, %cond3A_189 : i32
          scf.if %cond3A_190 {
            %add3A_231 = arith.constant 3 : i32
            %add3A_232 = arith.addi %add3A_178, %add3A_231 : i32
            %dma_start3A_233 = arith.constant 0 : i32
            %dma_start3A_234 = tpu.memref_slice %arg14[%add3A_232, %dma_start3A_233] : memref<32x64xi32, #tpu.memory_space<vmem>> -> memref<1x64xi32, #tpu.memory_space<vmem>>
            %dma_start3A_235 = tpu.memref_squeeze %dma_start3A_234 : memref<1x64xi32, #tpu.memory_space<vmem>> -> memref<64xi32, #tpu.memory_space<vmem>>
            %dma_start3A_236 = arith.constant 0 : i32
            %dma_start3A_237 = arith.constant 0 : i32
            %dma_start3A_238 = tpu.memref_slice %arg2[%dma_start3A_236, %dma_start3A_237] : memref<10240x128xf32, #tpu.memory_space<hbm>> -> memref<10240x128xf32, #tpu.memory_space<hbm>>
            tpu.enqueue_indirect_dma source(%dma_start3A_238 : memref<10240x128xf32, #tpu.memory_space<hbm>>) target(%arg16 : memref<64x128xf32, #tpu.memory_space<vmem>>) offsets(%dma_start3A_235 : memref<64xi32, #tpu.memory_space<vmem>>) semaphore(%arg20 : memref<!tpu.dma_semaphore, #tpu.memory_space<semaphore_mem>>)
          } else {
          }
          %dma_wait3A_191 = arith.constant 0 : i32
          %dma_wait3A_192 = tpu.memref_slice %arg14[%add3A_178, %dma_wait3A_191] : memref<32x64xi32, #tpu.memory_space<vmem>> -> memref<1x64xi32, #tpu.memory_space<vmem>>
          %dma_wait3A_193 = tpu.memref_squeeze %dma_wait3A_192 : memref<1x64xi32, #tpu.memory_space<vmem>> -> memref<64xi32, #tpu.memory_space<vmem>>
          %dma_wait3A_194 = arith.constant 0 : i32
          %dma_wait3A_195 = arith.constant 0 : i32
          %dma_wait3A_196 = tpu.memref_slice %arg2[%dma_wait3A_194, %dma_wait3A_195] : memref<10240x128xf32, #tpu.memory_space<hbm>> -> memref<10240x128xf32, #tpu.memory_space<hbm>>
          tpu.wait_indirect_dma semaphore(%arg21 : memref<!tpu.dma_semaphore, #tpu.memory_space<semaphore_mem>>) src(%dma_wait3A_196 : memref<10240x128xf32, #tpu.memory_space<hbm>>) dst(%arg17 : memref<64x128xf32, #tpu.memory_space<vmem>>)
          %dma_start3A_197 = arith.constant 0 : i32
          %dma_start3A_198 = tpu.memref_slice %arg12[%add3A_178, %dma_start3A_197] : memref<32x64xi32, #tpu.memory_space<vmem>> -> memref<1x64xi32, #tpu.memory_space<vmem>>
          %dma_start3A_199 = tpu.memref_squeeze %dma_start3A_198 : memref<1x64xi32, #tpu.memory_space<vmem>> -> memref<64xi32, #tpu.memory_space<vmem>>
          %dma_start3A_200 = arith.constant 0 : i32
          %dma_start3A_201 = arith.constant 0 : i32
          %dma_start3A_202 = tpu.memref_slice %arg10[%dma_start3A_200, %dma_start3A_201] : memref<10240x128xf32, #tpu.memory_space<vmem_shared>> -> memref<10240x128xf32, #tpu.memory_space<vmem_shared>>
          tpu.enqueue_indirect_dma source(%arg17 : memref<64x128xf32, #tpu.memory_space<vmem>>) target(%dma_start3A_202 : memref<10240x128xf32, #tpu.memory_space<vmem_shared>>) offsets(%dma_start3A_199 : memref<64xi32, #tpu.memory_space<vmem>>) semaphore(%arg25 : memref<!tpu.dma_semaphore, #tpu.memory_space<semaphore_mem>>) {add = true}
          %mul3A_203 = arith.constant 4 : i32
          %mul3A_204 = arith.muli %mul3A_203, %scan3A_119 : i32
          %add3A_205 = arith.constant 3 : i32
          %add3A_206 = arith.addi %mul3A_204, %add3A_205 : i32
          %ge3A_207 = arith.constant 1 : i32
          %ge3A_208 = arith.cmpi sge, %add3A_206, %ge3A_207 : i32
          %convert_element_type3A_209 = arith.extui %ge3A_208 : i1 to i32
          %cond3A_210 = arith.constant 0 : i32
          %cond3A_211 = arith.cmpi ne, %convert_element_type3A_209, %cond3A_210 : i32
          scf.if %cond3A_211 {
            %sub3A = arith.constant 1 : i32
            %sub3A_231 = arith.subi %add3A_206, %sub3A : i32
            %dma_wait3A_232 = arith.constant 0 : i32
            %dma_wait3A_233 = tpu.memref_slice %arg12[%sub3A_231, %dma_wait3A_232] : memref<32x64xi32, #tpu.memory_space<vmem>> -> memref<1x64xi32, #tpu.memory_space<vmem>>
            %dma_wait3A_234 = tpu.memref_squeeze %dma_wait3A_233 : memref<1x64xi32, #tpu.memory_space<vmem>> -> memref<64xi32, #tpu.memory_space<vmem>>
            %dma_wait3A_235 = arith.constant 0 : i32
            %dma_wait3A_236 = arith.constant 0 : i32
            %dma_wait3A_237 = tpu.memref_slice %arg10[%dma_wait3A_235, %dma_wait3A_236] : memref<10240x128xf32, #tpu.memory_space<vmem_shared>> -> memref<10240x128xf32, #tpu.memory_space<vmem_shared>>
            tpu.wait_indirect_dma semaphore(%arg25 : memref<!tpu.dma_semaphore, #tpu.memory_space<semaphore_mem>>) src(%arg17 : memref<64x128xf32, #tpu.memory_space<vmem>>) dst(%dma_wait3A_237 : memref<10240x128xf32, #tpu.memory_space<vmem_shared>>)
          } else {
          }
          %add3A_212 = arith.constant 3 : i32
          %add3A_213 = arith.addi %add3A_206, %add3A_212 : i32
          %lt3A_214 = arith.constant 32 : i32
          %lt3A_215 = arith.cmpi slt, %add3A_213, %lt3A_214 : i32
          %convert_element_type3A_216 = arith.extui %lt3A_215 : i1 to i32
          %cond3A_217 = arith.constant 0 : i32
          %cond3A_218 = arith.cmpi ne, %convert_element_type3A_216, %cond3A_217 : i32
          scf.if %cond3A_218 {
            %add3A_231 = arith.constant 3 : i32
            %add3A_232 = arith.addi %add3A_206, %add3A_231 : i32
            %dma_start3A_233 = arith.constant 0 : i32
            %dma_start3A_234 = tpu.memref_slice %arg14[%add3A_232, %dma_start3A_233] : memref<32x64xi32, #tpu.memory_space<vmem>> -> memref<1x64xi32, #tpu.memory_space<vmem>>
            %dma_start3A_235 = tpu.memref_squeeze %dma_start3A_234 : memref<1x64xi32, #tpu.memory_space<vmem>> -> memref<64xi32, #tpu.memory_space<vmem>>
            %dma_start3A_236 = arith.constant 0 : i32
            %dma_start3A_237 = arith.constant 0 : i32
            %dma_start3A_238 = tpu.memref_slice %arg2[%dma_start3A_236, %dma_start3A_237] : memref<10240x128xf32, #tpu.memory_space<hbm>> -> memref<10240x128xf32, #tpu.memory_space<hbm>>
            tpu.enqueue_indirect_dma source(%dma_start3A_238 : memref<10240x128xf32, #tpu.memory_space<hbm>>) target(%arg17 : memref<64x128xf32, #tpu.memory_space<vmem>>) offsets(%dma_start3A_235 : memref<64xi32, #tpu.memory_space<vmem>>) semaphore(%arg21 : memref<!tpu.dma_semaphore, #tpu.memory_space<semaphore_mem>>)
          } else {
          }
          %dma_wait3A_219 = arith.constant 0 : i32
          %dma_wait3A_220 = tpu.memref_slice %arg14[%add3A_206, %dma_wait3A_219] : memref<32x64xi32, #tpu.memory_space<vmem>> -> memref<1x64xi32, #tpu.memory_space<vmem>>
          %dma_wait3A_221 = tpu.memref_squeeze %dma_wait3A_220 : memref<1x64xi32, #tpu.memory_space<vmem>> -> memref<64xi32, #tpu.memory_space<vmem>>
          %dma_wait3A_222 = arith.constant 0 : i32
          %dma_wait3A_223 = arith.constant 0 : i32
          %dma_wait3A_224 = tpu.memref_slice %arg2[%dma_wait3A_222, %dma_wait3A_223] : memref<10240x128xf32, #tpu.memory_space<hbm>> -> memref<10240x128xf32, #tpu.memory_space<hbm>>
          tpu.wait_indirect_dma semaphore(%arg22 : memref<!tpu.dma_semaphore, #tpu.memory_space<semaphore_mem>>) src(%dma_wait3A_224 : memref<10240x128xf32, #tpu.memory_space<hbm>>) dst(%arg18 : memref<64x128xf32, #tpu.memory_space<vmem>>)
          %dma_start3A_225 = arith.constant 0 : i32
          %dma_start3A_226 = tpu.memref_slice %arg12[%add3A_206, %dma_start3A_225] : memref<32x64xi32, #tpu.memory_space<vmem>> -> memref<1x64xi32, #tpu.memory_space<vmem>>
          %dma_start3A_227 = tpu.memref_squeeze %dma_start3A_226 : memref<1x64xi32, #tpu.memory_space<vmem>> -> memref<64xi32, #tpu.memory_space<vmem>>
          %dma_start3A_228 = arith.constant 0 : i32
          %dma_start3A_229 = arith.constant 0 : i32
          %dma_start3A_230 = tpu.memref_slice %arg10[%dma_start3A_228, %dma_start3A_229] : memref<10240x128xf32, #tpu.memory_space<vmem_shared>> -> memref<10240x128xf32, #tpu.memory_space<vmem_shared>>
          tpu.enqueue_indirect_dma source(%arg18 : memref<64x128xf32, #tpu.memory_space<vmem>>) target(%dma_start3A_230 : memref<10240x128xf32, #tpu.memory_space<vmem_shared>>) offsets(%dma_start3A_227 : memref<64xi32, #tpu.memory_space<vmem>>) semaphore(%arg26 : memref<!tpu.dma_semaphore, #tpu.memory_space<semaphore_mem>>) {add = true}
        }
        %scan3A_111 = arith.constant 8 : i32
        %dma_wait3A_112 = arith.constant 31 : i32
        %dma_wait3A_113 = arith.constant 0 : i32
        %dma_wait3A_114 = tpu.memref_slice %arg12[%dma_wait3A_112, %dma_wait3A_113] : memref<32x64xi32, #tpu.memory_space<vmem>> -> memref<1x64xi32, #tpu.memory_space<vmem>>
        %dma_wait3A_115 = tpu.memref_squeeze %dma_wait3A_114 : memref<1x64xi32, #tpu.memory_space<vmem>> -> memref<64xi32, #tpu.memory_space<vmem>>
        %dma_wait3A_116 = arith.constant 0 : i32
        %dma_wait3A_117 = arith.constant 0 : i32
        %dma_wait3A_118 = tpu.memref_slice %arg10[%dma_wait3A_116, %dma_wait3A_117] : memref<10240x128xf32, #tpu.memory_space<vmem_shared>> -> memref<10240x128xf32, #tpu.memory_space<vmem_shared>>
        tpu.wait_indirect_dma semaphore(%arg26 : memref<!tpu.dma_semaphore, #tpu.memory_space<semaphore_mem>>) src(%arg18 : memref<64x128xf32, #tpu.memory_space<vmem>>) dst(%dma_wait3A_118 : memref<10240x128xf32, #tpu.memory_space<vmem_shared>>)
      }
      %scan3A_21 = arith.constant 5 : i32
      %barrier3A_22 = arith.constant 0 : index
      tpu.barrier barrier_id(%barrier3A_22)
      %mul3A_23 = arith.constant 640 : i32
      %mul3A_24 = arith.muli %arg1, %mul3A_23 : i32
      "tpu.region"() ({
        %run_scoped3A = tpu.sem_alloc : memref<!tpu.dma_semaphore, #tpu.memory_space<semaphore_mem>>
        %dma_start3A = arith.constant 0 : i32
        %dma_start3A_25 = tpu.memref_slice %arg8[%mul3A_24, %dma_start3A] : memref<10240x128xf32, #tpu.memory_space<hbm>> -> memref<640x128xf32, #tpu.memory_space<hbm>>
        %dma_start3A_26 = arith.constant 0 : i32
        %dma_start3A_27 = tpu.memref_slice %arg10[%mul3A_24, %dma_start3A_26] : memref<10240x128xf32, #tpu.memory_space<vmem_shared>> -> memref<640x128xf32, #tpu.memory_space<vmem_shared>>
        tpu.enqueue_dma source(%dma_start3A_27 : memref<640x128xf32, #tpu.memory_space<vmem_shared>>) target(%dma_start3A_25 : memref<640x128xf32, #tpu.memory_space<hbm>>) target_semaphore(%run_scoped3A : memref<!tpu.dma_semaphore, #tpu.memory_space<semaphore_mem>>)
        %dma_wait3A = arith.constant 0 : i32
        %dma_wait3A_28 = tpu.memref_slice %arg8[%mul3A_24, %dma_wait3A] : memref<10240x128xf32, #tpu.memory_space<hbm>> -> memref<640x128xf32, #tpu.memory_space<hbm>>
        %dma_wait3A_29 = arith.constant 0 : i32
        %dma_wait3A_30 = tpu.memref_slice %arg10[%mul3A_24, %dma_wait3A_29] : memref<10240x128xf32, #tpu.memory_space<vmem_shared>> -> memref<640x128xf32, #tpu.memory_space<vmem_shared>>
        tpu.wait_dma2 semaphore(%run_scoped3A : memref<!tpu.dma_semaphore, #tpu.memory_space<semaphore_mem>>) src(%dma_wait3A_30 : memref<640x128xf32, #tpu.memory_space<vmem_shared>>) dst(%dma_wait3A_28 : memref<640x128xf32, #tpu.memory_space<hbm>>)
        tpu.yield
      }) : () -> ()
    } else {
    }
    %eq3A_8 = arith.constant 1 : i32
    %eq3A_9 = arith.cmpi eq, %arg0, %eq3A_8 : i32
    %convert_element_type3A_10 = arith.extui %eq3A_9 : i1 to i32
    %cond3A_11 = arith.constant 0 : i32
    %cond3A_12 = arith.cmpi ne, %convert_element_type3A_10, %cond3A_11 : i32
    scf.if %cond3A_12 {
      %mul3A_13 = arith.constant 10 : i32
      %mul3A_14 = arith.muli %arg1, %mul3A_13 : i32
      "tpu.region"() ({
        %run_scoped3A = tpu.sem_alloc : memref<!tpu.dma_semaphore, #tpu.memory_space<semaphore_mem>>
        %dma_start3A = arith.constant 0 : i32
        %dma_start3A_25 = arith.constant 0 : i32
        %dma_start3A_26 = tpu.memref_slice %arg4[%mul3A_14, %dma_start3A, %dma_start3A_25] : memref<160x32x64xi32, #tpu.memory_space<hbm>> -> memref<1x32x64xi32, #tpu.memory_space<hbm>>
        %dma_start3A_27 = tpu.memref_squeeze %dma_start3A_26 : memref<1x32x64xi32, #tpu.memory_space<hbm>> -> memref<32x64xi32, #tpu.memory_space<hbm>>
        %dma_start3A_28 = arith.constant 0 : i32
        %dma_start3A_29 = arith.constant 0 : i32
        %dma_start3A_30 = tpu.memref_slice %arg4[%mul3A_14, %dma_start3A_28, %dma_start3A_29] : memref<160x32x64xi32, #tpu.memory_space<hbm>> -> memref<1x32x64xi32, #tpu.memory_space<hbm>>
        %dma_start3A_31 = tpu.memref_squeeze %dma_start3A_30 : memref<1x32x64xi32, #tpu.memory_space<hbm>> -> memref<32x64xi32, #tpu.memory_space<hbm>>
        tpu.enqueue_dma source(%dma_start3A_31 : memref<32x64xi32, #tpu.memory_space<hbm>>) target(%arg11 : memref<32x64xi32, #tpu.memory_space<vmem>>) target_semaphore(%run_scoped3A : memref<!tpu.dma_semaphore, #tpu.memory_space<semaphore_mem>>)
        %dma_wait3A = arith.constant 0 : i32
        %dma_wait3A_32 = arith.constant 0 : i32
        %dma_wait3A_33 = tpu.memref_slice %arg4[%mul3A_14, %dma_wait3A, %dma_wait3A_32] : memref<160x32x64xi32, #tpu.memory_space<hbm>> -> memref<1x32x64xi32, #tpu.memory_space<hbm>>
        %dma_wait3A_34 = tpu.memref_squeeze %dma_wait3A_33 : memref<1x32x64xi32, #tpu.memory_space<hbm>> -> memref<32x64xi32, #tpu.memory_space<hbm>>
        %dma_wait3A_35 = arith.constant 0 : i32
        %dma_wait3A_36 = arith.constant 0 : i32
        %dma_wait3A_37 = tpu.memref_slice %arg4[%mul3A_14, %dma_wait3A_35, %dma_wait3A_36] : memref<160x32x64xi32, #tpu.memory_space<hbm>> -> memref<1x32x64xi32, #tpu.memory_space<hbm>>
        %dma_wait3A_38 = tpu.memref_squeeze %dma_wait3A_37 : memref<1x32x64xi32, #tpu.memory_space<hbm>> -> memref<32x64xi32, #tpu.memory_space<hbm>>
        tpu.wait_dma2 semaphore(%run_scoped3A : memref<!tpu.dma_semaphore, #tpu.memory_space<semaphore_mem>>) src(%dma_wait3A_38 : memref<32x64xi32, #tpu.memory_space<hbm>>) dst(%arg11 : memref<32x64xi32, #tpu.memory_space<vmem>>)
        tpu.yield
      }) : () -> ()
      %mul3A_15 = arith.constant 10 : i32
      %mul3A_16 = arith.muli %arg1, %mul3A_15 : i32
      "tpu.region"() ({
        %run_scoped3A = tpu.sem_alloc : memref<!tpu.dma_semaphore, #tpu.memory_space<semaphore_mem>>
        %dma_start3A = arith.constant 0 : i32
        %dma_start3A_25 = arith.constant 0 : i32
        %dma_start3A_26 = tpu.memref_slice %arg5[%mul3A_16, %dma_start3A, %dma_start3A_25] : memref<160x32x64xi32, #tpu.memory_space<hbm>> -> memref<1x32x64xi32, #tpu.memory_space<hbm>>
        %dma_start3A_27 = tpu.memref_squeeze %dma_start3A_26 : memref<1x32x64xi32, #tpu.memory_space<hbm>> -> memref<32x64xi32, #tpu.memory_space<hbm>>
        %dma_start3A_28 = arith.constant 0 : i32
        %dma_start3A_29 = arith.constant 0 : i32
        %dma_start3A_30 = tpu.memref_slice %arg5[%mul3A_16, %dma_start3A_28, %dma_start3A_29] : memref<160x32x64xi32, #tpu.memory_space<hbm>> -> memref<1x32x64xi32, #tpu.memory_space<hbm>>
        %dma_start3A_31 = tpu.memref_squeeze %dma_start3A_30 : memref<1x32x64xi32, #tpu.memory_space<hbm>> -> memref<32x64xi32, #tpu.memory_space<hbm>>
        tpu.enqueue_dma source(%dma_start3A_31 : memref<32x64xi32, #tpu.memory_space<hbm>>) target(%arg13 : memref<32x64xi32, #tpu.memory_space<vmem>>) target_semaphore(%run_scoped3A : memref<!tpu.dma_semaphore, #tpu.memory_space<semaphore_mem>>)
        %dma_wait3A = arith.constant 0 : i32
        %dma_wait3A_32 = arith.constant 0 : i32
        %dma_wait3A_33 = tpu.memref_slice %arg5[%mul3A_16, %dma_wait3A, %dma_wait3A_32] : memref<160x32x64xi32, #tpu.memory_space<hbm>> -> memref<1x32x64xi32, #tpu.memory_space<hbm>>
        %dma_wait3A_34 = tpu.memref_squeeze %dma_wait3A_33 : memref<1x32x64xi32, #tpu.memory_space<hbm>> -> memref<32x64xi32, #tpu.memory_space<hbm>>
        %dma_wait3A_35 = arith.constant 0 : i32
        %dma_wait3A_36 = arith.constant 0 : i32
        %dma_wait3A_37 = tpu.memref_slice %arg5[%mul3A_16, %dma_wait3A_35, %dma_wait3A_36] : memref<160x32x64xi32, #tpu.memory_space<hbm>> -> memref<1x32x64xi32, #tpu.memory_space<hbm>>
        %dma_wait3A_38 = tpu.memref_squeeze %dma_wait3A_37 : memref<1x32x64xi32, #tpu.memory_space<hbm>> -> memref<32x64xi32, #tpu.memory_space<hbm>>
        tpu.wait_dma2 semaphore(%run_scoped3A : memref<!tpu.dma_semaphore, #tpu.memory_space<semaphore_mem>>) src(%dma_wait3A_38 : memref<32x64xi32, #tpu.memory_space<hbm>>) dst(%arg13 : memref<32x64xi32, #tpu.memory_space<vmem>>)
        tpu.yield
      }) : () -> ()
      %scan3A = arith.constant 0 : i32
      %scan3A_17 = arith.constant 0 : i32
      %scan3A_18 = arith.constant 5 : i32
      %scan3A_19 = arith.addi %scan3A_17, %scan3A_18 : i32
      %scan3A_20 = arith.constant 1 : i32
      scf.for %scan3A_25 = %scan3A_17 to %scan3A_19 step %scan3A_20  : i32 {
        %mul3A_26 = arith.constant 2 : i32
        %mul3A_27 = arith.muli %mul3A_26, %scan3A_25 : i32
        %gt3A = arith.constant 0 : i32
        %gt3A_28 = arith.cmpi sgt, %mul3A_27, %gt3A : i32
        %convert_element_type3A_29 = arith.extui %gt3A_28 : i1 to i32
        %cond3A_30 = arith.constant 0 : i32
        %cond3A_31 = arith.cmpi ne, %convert_element_type3A_29, %cond3A_30 : i32
        scf.if %cond3A_31 {
          %mul3A_119 = arith.constant 10 : i32
          %mul3A_120 = arith.muli %arg1, %mul3A_119 : i32
          %add3A_121 = arith.addi %mul3A_120, %mul3A_27 : i32
          %dma_wait3A_122 = arith.constant 0 : i32
          %dma_wait3A_123 = arith.constant 0 : i32
          %dma_wait3A_124 = tpu.memref_slice %arg4[%add3A_121, %dma_wait3A_122, %dma_wait3A_123] : memref<160x32x64xi32, #tpu.memory_space<hbm>> -> memref<1x32x64xi32, #tpu.memory_space<hbm>>
          %dma_wait3A_125 = tpu.memref_squeeze %dma_wait3A_124 : memref<1x32x64xi32, #tpu.memory_space<hbm>> -> memref<32x64xi32, #tpu.memory_space<hbm>>
          %dma_wait3A_126 = arith.constant 0 : i32
          %dma_wait3A_127 = arith.constant 0 : i32
          %dma_wait3A_128 = tpu.memref_slice %arg4[%add3A_121, %dma_wait3A_126, %dma_wait3A_127] : memref<160x32x64xi32, #tpu.memory_space<hbm>> -> memref<1x32x64xi32, #tpu.memory_space<hbm>>
          %dma_wait3A_129 = tpu.memref_squeeze %dma_wait3A_128 : memref<1x32x64xi32, #tpu.memory_space<hbm>> -> memref<32x64xi32, #tpu.memory_space<hbm>>
          tpu.wait_dma2 semaphore(%arg27 : memref<!tpu.dma_semaphore, #tpu.memory_space<semaphore_mem>>) src(%dma_wait3A_129 : memref<32x64xi32, #tpu.memory_space<hbm>>) dst(%arg11 : memref<32x64xi32, #tpu.memory_space<vmem>>)
          %mul3A_130 = arith.constant 10 : i32
          %mul3A_131 = arith.muli %arg1, %mul3A_130 : i32
          %add3A_132 = arith.addi %mul3A_131, %mul3A_27 : i32
          %dma_wait3A_133 = arith.constant 0 : i32
          %dma_wait3A_134 = arith.constant 0 : i32
          %dma_wait3A_135 = tpu.memref_slice %arg5[%add3A_132, %dma_wait3A_133, %dma_wait3A_134] : memref<160x32x64xi32, #tpu.memory_space<hbm>> -> memref<1x32x64xi32, #tpu.memory_space<hbm>>
          %dma_wait3A_136 = tpu.memref_squeeze %dma_wait3A_135 : memref<1x32x64xi32, #tpu.memory_space<hbm>> -> memref<32x64xi32, #tpu.memory_space<hbm>>
          %dma_wait3A_137 = arith.constant 0 : i32
          %dma_wait3A_138 = arith.constant 0 : i32
          %dma_wait3A_139 = tpu.memref_slice %arg5[%add3A_132, %dma_wait3A_137, %dma_wait3A_138] : memref<160x32x64xi32, #tpu.memory_space<hbm>> -> memref<1x32x64xi32, #tpu.memory_space<hbm>>
          %dma_wait3A_140 = tpu.memref_squeeze %dma_wait3A_139 : memref<1x32x64xi32, #tpu.memory_space<hbm>> -> memref<32x64xi32, #tpu.memory_space<hbm>>
          tpu.wait_dma2 semaphore(%arg28 : memref<!tpu.dma_semaphore, #tpu.memory_space<semaphore_mem>>) src(%dma_wait3A_140 : memref<32x64xi32, #tpu.memory_space<hbm>>) dst(%arg13 : memref<32x64xi32, #tpu.memory_space<vmem>>)
        } else {
        }
        %add3A = arith.constant 1 : i32
        %add3A_32 = arith.addi %mul3A_27, %add3A : i32
        %lt3A = arith.constant 10 : i32
        %lt3A_33 = arith.cmpi slt, %add3A_32, %lt3A : i32
        %convert_element_type3A_34 = arith.extui %lt3A_33 : i1 to i32
        %cond3A_35 = arith.constant 0 : i32
        %cond3A_36 = arith.cmpi ne, %convert_element_type3A_34, %cond3A_35 : i32
        scf.if %cond3A_36 {
          %mul3A_119 = arith.constant 10 : i32
          %mul3A_120 = arith.muli %arg1, %mul3A_119 : i32
          %add3A_121 = arith.addi %mul3A_120, %mul3A_27 : i32
          %add3A_122 = arith.constant 1 : i32
          %add3A_123 = arith.addi %add3A_121, %add3A_122 : i32
          %dma_start3A_124 = arith.constant 0 : i32
          %dma_start3A_125 = arith.constant 0 : i32
          %dma_start3A_126 = tpu.memref_slice %arg4[%add3A_123, %dma_start3A_124, %dma_start3A_125] : memref<160x32x64xi32, #tpu.memory_space<hbm>> -> memref<1x32x64xi32, #tpu.memory_space<hbm>>
          %dma_start3A_127 = tpu.memref_squeeze %dma_start3A_126 : memref<1x32x64xi32, #tpu.memory_space<hbm>> -> memref<32x64xi32, #tpu.memory_space<hbm>>
          %dma_start3A_128 = arith.constant 0 : i32
          %dma_start3A_129 = arith.constant 0 : i32
          %dma_start3A_130 = tpu.memref_slice %arg4[%add3A_123, %dma_start3A_128, %dma_start3A_129] : memref<160x32x64xi32, #tpu.memory_space<hbm>> -> memref<1x32x64xi32, #tpu.memory_space<hbm>>
          %dma_start3A_131 = tpu.memref_squeeze %dma_start3A_130 : memref<1x32x64xi32, #tpu.memory_space<hbm>> -> memref<32x64xi32, #tpu.memory_space<hbm>>
          tpu.enqueue_dma source(%dma_start3A_131 : memref<32x64xi32, #tpu.memory_space<hbm>>) target(%arg12 : memref<32x64xi32, #tpu.memory_space<vmem>>) target_semaphore(%arg27 : memref<!tpu.dma_semaphore, #tpu.memory_space<semaphore_mem>>)
          %mul3A_132 = arith.constant 10 : i32
          %mul3A_133 = arith.muli %arg1, %mul3A_132 : i32
          %add3A_134 = arith.addi %mul3A_133, %mul3A_27 : i32
          %add3A_135 = arith.constant 1 : i32
          %add3A_136 = arith.addi %add3A_134, %add3A_135 : i32
          %dma_start3A_137 = arith.constant 0 : i32
          %dma_start3A_138 = arith.constant 0 : i32
          %dma_start3A_139 = tpu.memref_slice %arg5[%add3A_136, %dma_start3A_137, %dma_start3A_138] : memref<160x32x64xi32, #tpu.memory_space<hbm>> -> memref<1x32x64xi32, #tpu.memory_space<hbm>>
          %dma_start3A_140 = tpu.memref_squeeze %dma_start3A_139 : memref<1x32x64xi32, #tpu.memory_space<hbm>> -> memref<32x64xi32, #tpu.memory_space<hbm>>
          %dma_start3A_141 = arith.constant 0 : i32
          %dma_start3A_142 = arith.constant 0 : i32
          %dma_start3A_143 = tpu.memref_slice %arg5[%add3A_136, %dma_start3A_141, %dma_start3A_142] : memref<160x32x64xi32, #tpu.memory_space<hbm>> -> memref<1x32x64xi32, #tpu.memory_space<hbm>>
          %dma_start3A_144 = tpu.memref_squeeze %dma_start3A_143 : memref<1x32x64xi32, #tpu.memory_space<hbm>> -> memref<32x64xi32, #tpu.memory_space<hbm>>
          tpu.enqueue_dma source(%dma_start3A_144 : memref<32x64xi32, #tpu.memory_space<hbm>>) target(%arg14 : memref<32x64xi32, #tpu.memory_space<vmem>>) target_semaphore(%arg28 : memref<!tpu.dma_semaphore, #tpu.memory_space<semaphore_mem>>)
        } else {
        }
        %dma_start3A = arith.constant 0 : i32
        %dma_start3A_37 = arith.constant 0 : i32
        %dma_start3A_38 = tpu.memref_slice %arg13[%dma_start3A, %dma_start3A_37] : memref<32x64xi32, #tpu.memory_space<vmem>> -> memref<1x64xi32, #tpu.memory_space<vmem>>
        %dma_start3A_39 = tpu.memref_squeeze %dma_start3A_38 : memref<1x64xi32, #tpu.memory_space<vmem>> -> memref<64xi32, #tpu.memory_space<vmem>>
        %dma_start3A_40 = arith.constant 0 : i32
        %dma_start3A_41 = arith.constant 0 : i32
        %dma_start3A_42 = tpu.memref_slice %arg7[%dma_start3A_40, %dma_start3A_41] : memref<10240x128xf32, #tpu.memory_space<hbm>> -> memref<10240x128xf32, #tpu.memory_space<hbm>>
        tpu.enqueue_indirect_dma source(%dma_start3A_42 : memref<10240x128xf32, #tpu.memory_space<hbm>>) target(%arg15 : memref<64x128xf32, #tpu.memory_space<vmem>>) offsets(%dma_start3A_39 : memref<64xi32, #tpu.memory_space<vmem>>) semaphore(%arg19 : memref<!tpu.dma_semaphore, #tpu.memory_space<semaphore_mem>>)
        %dma_start3A_43 = arith.constant 1 : i32
        %dma_start3A_44 = arith.constant 0 : i32
        %dma_start3A_45 = tpu.memref_slice %arg13[%dma_start3A_43, %dma_start3A_44] : memref<32x64xi32, #tpu.memory_space<vmem>> -> memref<1x64xi32, #tpu.memory_space<vmem>>
        %dma_start3A_46 = tpu.memref_squeeze %dma_start3A_45 : memref<1x64xi32, #tpu.memory_space<vmem>> -> memref<64xi32, #tpu.memory_space<vmem>>
        %dma_start3A_47 = arith.constant 0 : i32
        %dma_start3A_48 = arith.constant 0 : i32
        %dma_start3A_49 = tpu.memref_slice %arg7[%dma_start3A_47, %dma_start3A_48] : memref<10240x128xf32, #tpu.memory_space<hbm>> -> memref<10240x128xf32, #tpu.memory_space<hbm>>
        tpu.enqueue_indirect_dma source(%dma_start3A_49 : memref<10240x128xf32, #tpu.memory_space<hbm>>) target(%arg16 : memref<64x128xf32, #tpu.memory_space<vmem>>) offsets(%dma_start3A_46 : memref<64xi32, #tpu.memory_space<vmem>>) semaphore(%arg20 : memref<!tpu.dma_semaphore, #tpu.memory_space<semaphore_mem>>)
        %dma_start3A_50 = arith.constant 2 : i32
        %dma_start3A_51 = arith.constant 0 : i32
        %dma_start3A_52 = tpu.memref_slice %arg13[%dma_start3A_50, %dma_start3A_51] : memref<32x64xi32, #tpu.memory_space<vmem>> -> memref<1x64xi32, #tpu.memory_space<vmem>>
        %dma_start3A_53 = tpu.memref_squeeze %dma_start3A_52 : memref<1x64xi32, #tpu.memory_space<vmem>> -> memref<64xi32, #tpu.memory_space<vmem>>
        %dma_start3A_54 = arith.constant 0 : i32
        %dma_start3A_55 = arith.constant 0 : i32
        %dma_start3A_56 = tpu.memref_slice %arg7[%dma_start3A_54, %dma_start3A_55] : memref<10240x128xf32, #tpu.memory_space<hbm>> -> memref<10240x128xf32, #tpu.memory_space<hbm>>
        tpu.enqueue_indirect_dma source(%dma_start3A_56 : memref<10240x128xf32, #tpu.memory_space<hbm>>) target(%arg17 : memref<64x128xf32, #tpu.memory_space<vmem>>) offsets(%dma_start3A_53 : memref<64xi32, #tpu.memory_space<vmem>>) semaphore(%arg21 : memref<!tpu.dma_semaphore, #tpu.memory_space<semaphore_mem>>)
        %scan3A_57 = arith.constant 0 : i32
        %scan3A_58 = arith.constant 0 : i32
        %scan3A_59 = arith.constant 8 : i32
        %scan3A_60 = arith.addi %scan3A_58, %scan3A_59 : i32
        %scan3A_61 = arith.constant 1 : i32
        scf.for %scan3A_119 = %scan3A_58 to %scan3A_60 step %scan3A_61  : i32 {
          %mul3A_120 = arith.constant 4 : i32
          %mul3A_121 = arith.muli %mul3A_120, %scan3A_119 : i32
          %add3A_122 = arith.constant 0 : i32
          %add3A_123 = arith.addi %mul3A_121, %add3A_122 : i32
          %ge3A = arith.constant 1 : i32
          %ge3A_124 = arith.cmpi sge, %add3A_123, %ge3A : i32
          %convert_element_type3A_125 = arith.extui %ge3A_124 : i1 to i32
          %cond3A_126 = arith.constant 0 : i32
          %cond3A_127 = arith.cmpi ne, %convert_element_type3A_125, %cond3A_126 : i32
          scf.if %cond3A_127 {
            %sub3A = arith.constant 1 : i32
            %sub3A_231 = arith.subi %add3A_123, %sub3A : i32
            %dma_wait3A_232 = arith.constant 0 : i32
            %dma_wait3A_233 = tpu.memref_slice %arg11[%sub3A_231, %dma_wait3A_232] : memref<32x64xi32, #tpu.memory_space<vmem>> -> memref<1x64xi32, #tpu.memory_space<vmem>>
            %dma_wait3A_234 = tpu.memref_squeeze %dma_wait3A_233 : memref<1x64xi32, #tpu.memory_space<vmem>> -> memref<64xi32, #tpu.memory_space<vmem>>
            %dma_wait3A_235 = arith.constant 0 : i32
            %dma_wait3A_236 = arith.constant 0 : i32
            %dma_wait3A_237 = tpu.memref_slice %arg10[%dma_wait3A_235, %dma_wait3A_236] : memref<10240x128xf32, #tpu.memory_space<vmem_shared>> -> memref<10240x128xf32, #tpu.memory_space<vmem_shared>>
            tpu.wait_indirect_dma semaphore(%arg26 : memref<!tpu.dma_semaphore, #tpu.memory_space<semaphore_mem>>) src(%arg18 : memref<64x128xf32, #tpu.memory_space<vmem>>) dst(%dma_wait3A_237 : memref<10240x128xf32, #tpu.memory_space<vmem_shared>>)
          } else {
          }
          %add3A_128 = arith.constant 3 : i32
          %add3A_129 = arith.addi %add3A_123, %add3A_128 : i32
          %lt3A_130 = arith.constant 32 : i32
          %lt3A_131 = arith.cmpi slt, %add3A_129, %lt3A_130 : i32
          %convert_element_type3A_132 = arith.extui %lt3A_131 : i1 to i32
          %cond3A_133 = arith.constant 0 : i32
          %cond3A_134 = arith.cmpi ne, %convert_element_type3A_132, %cond3A_133 : i32
          scf.if %cond3A_134 {
            %add3A_231 = arith.constant 3 : i32
            %add3A_232 = arith.addi %add3A_123, %add3A_231 : i32
            %dma_start3A_233 = arith.constant 0 : i32
            %dma_start3A_234 = tpu.memref_slice %arg13[%add3A_232, %dma_start3A_233] : memref<32x64xi32, #tpu.memory_space<vmem>> -> memref<1x64xi32, #tpu.memory_space<vmem>>
            %dma_start3A_235 = tpu.memref_squeeze %dma_start3A_234 : memref<1x64xi32, #tpu.memory_space<vmem>> -> memref<64xi32, #tpu.memory_space<vmem>>
            %dma_start3A_236 = arith.constant 0 : i32
            %dma_start3A_237 = arith.constant 0 : i32
            %dma_start3A_238 = tpu.memref_slice %arg7[%dma_start3A_236, %dma_start3A_237] : memref<10240x128xf32, #tpu.memory_space<hbm>> -> memref<10240x128xf32, #tpu.memory_space<hbm>>
            tpu.enqueue_indirect_dma source(%dma_start3A_238 : memref<10240x128xf32, #tpu.memory_space<hbm>>) target(%arg18 : memref<64x128xf32, #tpu.memory_space<vmem>>) offsets(%dma_start3A_235 : memref<64xi32, #tpu.memory_space<vmem>>) semaphore(%arg22 : memref<!tpu.dma_semaphore, #tpu.memory_space<semaphore_mem>>)
          } else {
          }
          %dma_wait3A_135 = arith.constant 0 : i32
          %dma_wait3A_136 = tpu.memref_slice %arg13[%add3A_123, %dma_wait3A_135] : memref<32x64xi32, #tpu.memory_space<vmem>> -> memref<1x64xi32, #tpu.memory_space<vmem>>
          %dma_wait3A_137 = tpu.memref_squeeze %dma_wait3A_136 : memref<1x64xi32, #tpu.memory_space<vmem>> -> memref<64xi32, #tpu.memory_space<vmem>>
          %dma_wait3A_138 = arith.constant 0 : i32
          %dma_wait3A_139 = arith.constant 0 : i32
          %dma_wait3A_140 = tpu.memref_slice %arg7[%dma_wait3A_138, %dma_wait3A_139] : memref<10240x128xf32, #tpu.memory_space<hbm>> -> memref<10240x128xf32, #tpu.memory_space<hbm>>
          tpu.wait_indirect_dma semaphore(%arg19 : memref<!tpu.dma_semaphore, #tpu.memory_space<semaphore_mem>>) src(%dma_wait3A_140 : memref<10240x128xf32, #tpu.memory_space<hbm>>) dst(%arg15 : memref<64x128xf32, #tpu.memory_space<vmem>>)
          %dma_start3A_141 = arith.constant 0 : i32
          %dma_start3A_142 = tpu.memref_slice %arg11[%add3A_123, %dma_start3A_141] : memref<32x64xi32, #tpu.memory_space<vmem>> -> memref<1x64xi32, #tpu.memory_space<vmem>>
          %dma_start3A_143 = tpu.memref_squeeze %dma_start3A_142 : memref<1x64xi32, #tpu.memory_space<vmem>> -> memref<64xi32, #tpu.memory_space<vmem>>
          %dma_start3A_144 = arith.constant 0 : i32
          %dma_start3A_145 = arith.constant 0 : i32
          %dma_start3A_146 = tpu.memref_slice %arg10[%dma_start3A_144, %dma_start3A_145] : memref<10240x128xf32, #tpu.memory_space<vmem_shared>> -> memref<10240x128xf32, #tpu.memory_space<vmem_shared>>
          tpu.enqueue_indirect_dma source(%arg15 : memref<64x128xf32, #tpu.memory_space<vmem>>) target(%dma_start3A_146 : memref<10240x128xf32, #tpu.memory_space<vmem_shared>>) offsets(%dma_start3A_143 : memref<64xi32, #tpu.memory_space<vmem>>) semaphore(%arg23 : memref<!tpu.dma_semaphore, #tpu.memory_space<semaphore_mem>>) {add = true}
          %mul3A_147 = arith.constant 4 : i32
          %mul3A_148 = arith.muli %mul3A_147, %scan3A_119 : i32
          %add3A_149 = arith.constant 1 : i32
          %add3A_150 = arith.addi %mul3A_148, %add3A_149 : i32
          %ge3A_151 = arith.constant 1 : i32
          %ge3A_152 = arith.cmpi sge, %add3A_150, %ge3A_151 : i32
          %convert_element_type3A_153 = arith.extui %ge3A_152 : i1 to i32
          %cond3A_154 = arith.constant 0 : i32
          %cond3A_155 = arith.cmpi ne, %convert_element_type3A_153, %cond3A_154 : i32
          scf.if %cond3A_155 {
            %sub3A = arith.constant 1 : i32
            %sub3A_231 = arith.subi %add3A_150, %sub3A : i32
            %dma_wait3A_232 = arith.constant 0 : i32
            %dma_wait3A_233 = tpu.memref_slice %arg11[%sub3A_231, %dma_wait3A_232] : memref<32x64xi32, #tpu.memory_space<vmem>> -> memref<1x64xi32, #tpu.memory_space<vmem>>
            %dma_wait3A_234 = tpu.memref_squeeze %dma_wait3A_233 : memref<1x64xi32, #tpu.memory_space<vmem>> -> memref<64xi32, #tpu.memory_space<vmem>>
            %dma_wait3A_235 = arith.constant 0 : i32
            %dma_wait3A_236 = arith.constant 0 : i32
            %dma_wait3A_237 = tpu.memref_slice %arg10[%dma_wait3A_235, %dma_wait3A_236] : memref<10240x128xf32, #tpu.memory_space<vmem_shared>> -> memref<10240x128xf32, #tpu.memory_space<vmem_shared>>
            tpu.wait_indirect_dma semaphore(%arg23 : memref<!tpu.dma_semaphore, #tpu.memory_space<semaphore_mem>>) src(%arg15 : memref<64x128xf32, #tpu.memory_space<vmem>>) dst(%dma_wait3A_237 : memref<10240x128xf32, #tpu.memory_space<vmem_shared>>)
          } else {
          }
          %add3A_156 = arith.constant 3 : i32
          %add3A_157 = arith.addi %add3A_150, %add3A_156 : i32
          %lt3A_158 = arith.constant 32 : i32
          %lt3A_159 = arith.cmpi slt, %add3A_157, %lt3A_158 : i32
          %convert_element_type3A_160 = arith.extui %lt3A_159 : i1 to i32
          %cond3A_161 = arith.constant 0 : i32
          %cond3A_162 = arith.cmpi ne, %convert_element_type3A_160, %cond3A_161 : i32
          scf.if %cond3A_162 {
            %add3A_231 = arith.constant 3 : i32
            %add3A_232 = arith.addi %add3A_150, %add3A_231 : i32
            %dma_start3A_233 = arith.constant 0 : i32
            %dma_start3A_234 = tpu.memref_slice %arg13[%add3A_232, %dma_start3A_233] : memref<32x64xi32, #tpu.memory_space<vmem>> -> memref<1x64xi32, #tpu.memory_space<vmem>>
            %dma_start3A_235 = tpu.memref_squeeze %dma_start3A_234 : memref<1x64xi32, #tpu.memory_space<vmem>> -> memref<64xi32, #tpu.memory_space<vmem>>
            %dma_start3A_236 = arith.constant 0 : i32
            %dma_start3A_237 = arith.constant 0 : i32
            %dma_start3A_238 = tpu.memref_slice %arg7[%dma_start3A_236, %dma_start3A_237] : memref<10240x128xf32, #tpu.memory_space<hbm>> -> memref<10240x128xf32, #tpu.memory_space<hbm>>
            tpu.enqueue_indirect_dma source(%dma_start3A_238 : memref<10240x128xf32, #tpu.memory_space<hbm>>) target(%arg15 : memref<64x128xf32, #tpu.memory_space<vmem>>) offsets(%dma_start3A_235 : memref<64xi32, #tpu.memory_space<vmem>>) semaphore(%arg19 : memref<!tpu.dma_semaphore, #tpu.memory_space<semaphore_mem>>)
          } else {
          }
          %dma_wait3A_163 = arith.constant 0 : i32
          %dma_wait3A_164 = tpu.memref_slice %arg13[%add3A_150, %dma_wait3A_163] : memref<32x64xi32, #tpu.memory_space<vmem>> -> memref<1x64xi32, #tpu.memory_space<vmem>>
          %dma_wait3A_165 = tpu.memref_squeeze %dma_wait3A_164 : memref<1x64xi32, #tpu.memory_space<vmem>> -> memref<64xi32, #tpu.memory_space<vmem>>
          %dma_wait3A_166 = arith.constant 0 : i32
          %dma_wait3A_167 = arith.constant 0 : i32
          %dma_wait3A_168 = tpu.memref_slice %arg7[%dma_wait3A_166, %dma_wait3A_167] : memref<10240x128xf32, #tpu.memory_space<hbm>> -> memref<10240x128xf32, #tpu.memory_space<hbm>>
          tpu.wait_indirect_dma semaphore(%arg20 : memref<!tpu.dma_semaphore, #tpu.memory_space<semaphore_mem>>) src(%dma_wait3A_168 : memref<10240x128xf32, #tpu.memory_space<hbm>>) dst(%arg16 : memref<64x128xf32, #tpu.memory_space<vmem>>)
          %dma_start3A_169 = arith.constant 0 : i32
          %dma_start3A_170 = tpu.memref_slice %arg11[%add3A_150, %dma_start3A_169] : memref<32x64xi32, #tpu.memory_space<vmem>> -> memref<1x64xi32, #tpu.memory_space<vmem>>
          %dma_start3A_171 = tpu.memref_squeeze %dma_start3A_170 : memref<1x64xi32, #tpu.memory_space<vmem>> -> memref<64xi32, #tpu.memory_space<vmem>>
          %dma_start3A_172 = arith.constant 0 : i32
          %dma_start3A_173 = arith.constant 0 : i32
          %dma_start3A_174 = tpu.memref_slice %arg10[%dma_start3A_172, %dma_start3A_173] : memref<10240x128xf32, #tpu.memory_space<vmem_shared>> -> memref<10240x128xf32, #tpu.memory_space<vmem_shared>>
          tpu.enqueue_indirect_dma source(%arg16 : memref<64x128xf32, #tpu.memory_space<vmem>>) target(%dma_start3A_174 : memref<10240x128xf32, #tpu.memory_space<vmem_shared>>) offsets(%dma_start3A_171 : memref<64xi32, #tpu.memory_space<vmem>>) semaphore(%arg24 : memref<!tpu.dma_semaphore, #tpu.memory_space<semaphore_mem>>) {add = true}
          %mul3A_175 = arith.constant 4 : i32
          %mul3A_176 = arith.muli %mul3A_175, %scan3A_119 : i32
          %add3A_177 = arith.constant 2 : i32
          %add3A_178 = arith.addi %mul3A_176, %add3A_177 : i32
          %ge3A_179 = arith.constant 1 : i32
          %ge3A_180 = arith.cmpi sge, %add3A_178, %ge3A_179 : i32
          %convert_element_type3A_181 = arith.extui %ge3A_180 : i1 to i32
          %cond3A_182 = arith.constant 0 : i32
          %cond3A_183 = arith.cmpi ne, %convert_element_type3A_181, %cond3A_182 : i32
          scf.if %cond3A_183 {
            %sub3A = arith.constant 1 : i32
            %sub3A_231 = arith.subi %add3A_178, %sub3A : i32
            %dma_wait3A_232 = arith.constant 0 : i32
            %dma_wait3A_233 = tpu.memref_slice %arg11[%sub3A_231, %dma_wait3A_232] : memref<32x64xi32, #tpu.memory_space<vmem>> -> memref<1x64xi32, #tpu.memory_space<vmem>>
            %dma_wait3A_234 = tpu.memref_squeeze %dma_wait3A_233 : memref<1x64xi32, #tpu.memory_space<vmem>> -> memref<64xi32, #tpu.memory_space<vmem>>
            %dma_wait3A_235 = arith.constant 0 : i32
            %dma_wait3A_236 = arith.constant 0 : i32
            %dma_wait3A_237 = tpu.memref_slice %arg10[%dma_wait3A_235, %dma_wait3A_236] : memref<10240x128xf32, #tpu.memory_space<vmem_shared>> -> memref<10240x128xf32, #tpu.memory_space<vmem_shared>>
            tpu.wait_indirect_dma semaphore(%arg24 : memref<!tpu.dma_semaphore, #tpu.memory_space<semaphore_mem>>) src(%arg16 : memref<64x128xf32, #tpu.memory_space<vmem>>) dst(%dma_wait3A_237 : memref<10240x128xf32, #tpu.memory_space<vmem_shared>>)
          } else {
          }
          %add3A_184 = arith.constant 3 : i32
          %add3A_185 = arith.addi %add3A_178, %add3A_184 : i32
          %lt3A_186 = arith.constant 32 : i32
          %lt3A_187 = arith.cmpi slt, %add3A_185, %lt3A_186 : i32
          %convert_element_type3A_188 = arith.extui %lt3A_187 : i1 to i32
          %cond3A_189 = arith.constant 0 : i32
          %cond3A_190 = arith.cmpi ne, %convert_element_type3A_188, %cond3A_189 : i32
          scf.if %cond3A_190 {
            %add3A_231 = arith.constant 3 : i32
            %add3A_232 = arith.addi %add3A_178, %add3A_231 : i32
            %dma_start3A_233 = arith.constant 0 : i32
            %dma_start3A_234 = tpu.memref_slice %arg13[%add3A_232, %dma_start3A_233] : memref<32x64xi32, #tpu.memory_space<vmem>> -> memref<1x64xi32, #tpu.memory_space<vmem>>
            %dma_start3A_235 = tpu.memref_squeeze %dma_start3A_234 : memref<1x64xi32, #tpu.memory_space<vmem>> -> memref<64xi32, #tpu.memory_space<vmem>>
            %dma_start3A_236 = arith.constant 0 : i32
            %dma_start3A_237 = arith.constant 0 : i32
            %dma_start3A_238 = tpu.memref_slice %arg7[%dma_start3A_236, %dma_start3A_237] : memref<10240x128xf32, #tpu.memory_space<hbm>> -> memref<10240x128xf32, #tpu.memory_space<hbm>>
            tpu.enqueue_indirect_dma source(%dma_start3A_238 : memref<10240x128xf32, #tpu.memory_space<hbm>>) target(%arg16 : memref<64x128xf32, #tpu.memory_space<vmem>>) offsets(%dma_start3A_235 : memref<64xi32, #tpu.memory_space<vmem>>) semaphore(%arg20 : memref<!tpu.dma_semaphore, #tpu.memory_space<semaphore_mem>>)
          } else {
          }
          %dma_wait3A_191 = arith.constant 0 : i32
          %dma_wait3A_192 = tpu.memref_slice %arg13[%add3A_178, %dma_wait3A_191] : memref<32x64xi32, #tpu.memory_space<vmem>> -> memref<1x64xi32, #tpu.memory_space<vmem>>
          %dma_wait3A_193 = tpu.memref_squeeze %dma_wait3A_192 : memref<1x64xi32, #tpu.memory_space<vmem>> -> memref<64xi32, #tpu.memory_space<vmem>>
          %dma_wait3A_194 = arith.constant 0 : i32
          %dma_wait3A_195 = arith.constant 0 : i32
          %dma_wait3A_196 = tpu.memref_slice %arg7[%dma_wait3A_194, %dma_wait3A_195] : memref<10240x128xf32, #tpu.memory_space<hbm>> -> memref<10240x128xf32, #tpu.memory_space<hbm>>
          tpu.wait_indirect_dma semaphore(%arg21 : memref<!tpu.dma_semaphore, #tpu.memory_space<semaphore_mem>>) src(%dma_wait3A_196 : memref<10240x128xf32, #tpu.memory_space<hbm>>) dst(%arg17 : memref<64x128xf32, #tpu.memory_space<vmem>>)
          %dma_start3A_197 = arith.constant 0 : i32
          %dma_start3A_198 = tpu.memref_slice %arg11[%add3A_178, %dma_start3A_197] : memref<32x64xi32, #tpu.memory_space<vmem>> -> memref<1x64xi32, #tpu.memory_space<vmem>>
          %dma_start3A_199 = tpu.memref_squeeze %dma_start3A_198 : memref<1x64xi32, #tpu.memory_space<vmem>> -> memref<64xi32, #tpu.memory_space<vmem>>
          %dma_start3A_200 = arith.constant 0 : i32
          %dma_start3A_201 = arith.constant 0 : i32
          %dma_start3A_202 = tpu.memref_slice %arg10[%dma_start3A_200, %dma_start3A_201] : memref<10240x128xf32, #tpu.memory_space<vmem_shared>> -> memref<10240x128xf32, #tpu.memory_space<vmem_shared>>
          tpu.enqueue_indirect_dma source(%arg17 : memref<64x128xf32, #tpu.memory_space<vmem>>) target(%dma_start3A_202 : memref<10240x128xf32, #tpu.memory_space<vmem_shared>>) offsets(%dma_start3A_199 : memref<64xi32, #tpu.memory_space<vmem>>) semaphore(%arg25 : memref<!tpu.dma_semaphore, #tpu.memory_space<semaphore_mem>>) {add = true}
          %mul3A_203 = arith.constant 4 : i32
          %mul3A_204 = arith.muli %mul3A_203, %scan3A_119 : i32
          %add3A_205 = arith.constant 3 : i32
          %add3A_206 = arith.addi %mul3A_204, %add3A_205 : i32
          %ge3A_207 = arith.constant 1 : i32
          %ge3A_208 = arith.cmpi sge, %add3A_206, %ge3A_207 : i32
          %convert_element_type3A_209 = arith.extui %ge3A_208 : i1 to i32
          %cond3A_210 = arith.constant 0 : i32
          %cond3A_211 = arith.cmpi ne, %convert_element_type3A_209, %cond3A_210 : i32
          scf.if %cond3A_211 {
            %sub3A = arith.constant 1 : i32
            %sub3A_231 = arith.subi %add3A_206, %sub3A : i32
            %dma_wait3A_232 = arith.constant 0 : i32
            %dma_wait3A_233 = tpu.memref_slice %arg11[%sub3A_231, %dma_wait3A_232] : memref<32x64xi32, #tpu.memory_space<vmem>> -> memref<1x64xi32, #tpu.memory_space<vmem>>
            %dma_wait3A_234 = tpu.memref_squeeze %dma_wait3A_233 : memref<1x64xi32, #tpu.memory_space<vmem>> -> memref<64xi32, #tpu.memory_space<vmem>>
            %dma_wait3A_235 = arith.constant 0 : i32
            %dma_wait3A_236 = arith.constant 0 : i32
            %dma_wait3A_237 = tpu.memref_slice %arg10[%dma_wait3A_235, %dma_wait3A_236] : memref<10240x128xf32, #tpu.memory_space<vmem_shared>> -> memref<10240x128xf32, #tpu.memory_space<vmem_shared>>
            tpu.wait_indirect_dma semaphore(%arg25 : memref<!tpu.dma_semaphore, #tpu.memory_space<semaphore_mem>>) src(%arg17 : memref<64x128xf32, #tpu.memory_space<vmem>>) dst(%dma_wait3A_237 : memref<10240x128xf32, #tpu.memory_space<vmem_shared>>)
          } else {
          }
          %add3A_212 = arith.constant 3 : i32
          %add3A_213 = arith.addi %add3A_206, %add3A_212 : i32
          %lt3A_214 = arith.constant 32 : i32
          %lt3A_215 = arith.cmpi slt, %add3A_213, %lt3A_214 : i32
          %convert_element_type3A_216 = arith.extui %lt3A_215 : i1 to i32
          %cond3A_217 = arith.constant 0 : i32
          %cond3A_218 = arith.cmpi ne, %convert_element_type3A_216, %cond3A_217 : i32
          scf.if %cond3A_218 {
            %add3A_231 = arith.constant 3 : i32
            %add3A_232 = arith.addi %add3A_206, %add3A_231 : i32
            %dma_start3A_233 = arith.constant 0 : i32
            %dma_start3A_234 = tpu.memref_slice %arg13[%add3A_232, %dma_start3A_233] : memref<32x64xi32, #tpu.memory_space<vmem>> -> memref<1x64xi32, #tpu.memory_space<vmem>>
            %dma_start3A_235 = tpu.memref_squeeze %dma_start3A_234 : memref<1x64xi32, #tpu.memory_space<vmem>> -> memref<64xi32, #tpu.memory_space<vmem>>
            %dma_start3A_236 = arith.constant 0 : i32
            %dma_start3A_237 = arith.constant 0 : i32
            %dma_start3A_238 = tpu.memref_slice %arg7[%dma_start3A_236, %dma_start3A_237] : memref<10240x128xf32, #tpu.memory_space<hbm>> -> memref<10240x128xf32, #tpu.memory_space<hbm>>
            tpu.enqueue_indirect_dma source(%dma_start3A_238 : memref<10240x128xf32, #tpu.memory_space<hbm>>) target(%arg17 : memref<64x128xf32, #tpu.memory_space<vmem>>) offsets(%dma_start3A_235 : memref<64xi32, #tpu.memory_space<vmem>>) semaphore(%arg21 : memref<!tpu.dma_semaphore, #tpu.memory_space<semaphore_mem>>)
          } else {
          }
          %dma_wait3A_219 = arith.constant 0 : i32
          %dma_wait3A_220 = tpu.memref_slice %arg13[%add3A_206, %dma_wait3A_219] : memref<32x64xi32, #tpu.memory_space<vmem>> -> memref<1x64xi32, #tpu.memory_space<vmem>>
          %dma_wait3A_221 = tpu.memref_squeeze %dma_wait3A_220 : memref<1x64xi32, #tpu.memory_space<vmem>> -> memref<64xi32, #tpu.memory_space<vmem>>
          %dma_wait3A_222 = arith.constant 0 : i32
          %dma_wait3A_223 = arith.constant 0 : i32
          %dma_wait3A_224 = tpu.memref_slice %arg7[%dma_wait3A_222, %dma_wait3A_223] : memref<10240x128xf32, #tpu.memory_space<hbm>> -> memref<10240x128xf32, #tpu.memory_space<hbm>>
          tpu.wait_indirect_dma semaphore(%arg22 : memref<!tpu.dma_semaphore, #tpu.memory_space<semaphore_mem>>) src(%dma_wait3A_224 : memref<10240x128xf32, #tpu.memory_space<hbm>>) dst(%arg18 : memref<64x128xf32, #tpu.memory_space<vmem>>)
          %dma_start3A_225 = arith.constant 0 : i32
          %dma_start3A_226 = tpu.memref_slice %arg11[%add3A_206, %dma_start3A_225] : memref<32x64xi32, #tpu.memory_space<vmem>> -> memref<1x64xi32, #tpu.memory_space<vmem>>
          %dma_start3A_227 = tpu.memref_squeeze %dma_start3A_226 : memref<1x64xi32, #tpu.memory_space<vmem>> -> memref<64xi32, #tpu.memory_space<vmem>>
          %dma_start3A_228 = arith.constant 0 : i32
          %dma_start3A_229 = arith.constant 0 : i32
          %dma_start3A_230 = tpu.memref_slice %arg10[%dma_start3A_228, %dma_start3A_229] : memref<10240x128xf32, #tpu.memory_space<vmem_shared>> -> memref<10240x128xf32, #tpu.memory_space<vmem_shared>>
          tpu.enqueue_indirect_dma source(%arg18 : memref<64x128xf32, #tpu.memory_space<vmem>>) target(%dma_start3A_230 : memref<10240x128xf32, #tpu.memory_space<vmem_shared>>) offsets(%dma_start3A_227 : memref<64xi32, #tpu.memory_space<vmem>>) semaphore(%arg26 : memref<!tpu.dma_semaphore, #tpu.memory_space<semaphore_mem>>) {add = true}
        }
        %scan3A_62 = arith.constant 8 : i32
        %dma_wait3A = arith.constant 31 : i32
        %dma_wait3A_63 = arith.constant 0 : i32
        %dma_wait3A_64 = tpu.memref_slice %arg11[%dma_wait3A, %dma_wait3A_63] : memref<32x64xi32, #tpu.memory_space<vmem>> -> memref<1x64xi32, #tpu.memory_space<vmem>>
        %dma_wait3A_65 = tpu.memref_squeeze %dma_wait3A_64 : memref<1x64xi32, #tpu.memory_space<vmem>> -> memref<64xi32, #tpu.memory_space<vmem>>
        %dma_wait3A_66 = arith.constant 0 : i32
        %dma_wait3A_67 = arith.constant 0 : i32
        %dma_wait3A_68 = tpu.memref_slice %arg10[%dma_wait3A_66, %dma_wait3A_67] : memref<10240x128xf32, #tpu.memory_space<vmem_shared>> -> memref<10240x128xf32, #tpu.memory_space<vmem_shared>>
        tpu.wait_indirect_dma semaphore(%arg26 : memref<!tpu.dma_semaphore, #tpu.memory_space<semaphore_mem>>) src(%arg18 : memref<64x128xf32, #tpu.memory_space<vmem>>) dst(%dma_wait3A_68 : memref<10240x128xf32, #tpu.memory_space<vmem_shared>>)
        %mul3A_69 = arith.constant 2 : i32
        %mul3A_70 = arith.muli %mul3A_69, %scan3A_25 : i32
        %add3A_71 = arith.constant 1 : i32
        %add3A_72 = arith.addi %mul3A_70, %add3A_71 : i32
        %gt3A_73 = arith.constant 0 : i32
        %gt3A_74 = arith.cmpi sgt, %add3A_72, %gt3A_73 : i32
        %convert_element_type3A_75 = arith.extui %gt3A_74 : i1 to i32
        %cond3A_76 = arith.constant 0 : i32
        %cond3A_77 = arith.cmpi ne, %convert_element_type3A_75, %cond3A_76 : i32
        scf.if %cond3A_77 {
          %mul3A_119 = arith.constant 10 : i32
          %mul3A_120 = arith.muli %arg1, %mul3A_119 : i32
          %add3A_121 = arith.addi %mul3A_120, %add3A_72 : i32
          %dma_wait3A_122 = arith.constant 0 : i32
          %dma_wait3A_123 = arith.constant 0 : i32
          %dma_wait3A_124 = tpu.memref_slice %arg4[%add3A_121, %dma_wait3A_122, %dma_wait3A_123] : memref<160x32x64xi32, #tpu.memory_space<hbm>> -> memref<1x32x64xi32, #tpu.memory_space<hbm>>
          %dma_wait3A_125 = tpu.memref_squeeze %dma_wait3A_124 : memref<1x32x64xi32, #tpu.memory_space<hbm>> -> memref<32x64xi32, #tpu.memory_space<hbm>>
          %dma_wait3A_126 = arith.constant 0 : i32
          %dma_wait3A_127 = arith.constant 0 : i32
          %dma_wait3A_128 = tpu.memref_slice %arg4[%add3A_121, %dma_wait3A_126, %dma_wait3A_127] : memref<160x32x64xi32, #tpu.memory_space<hbm>> -> memref<1x32x64xi32, #tpu.memory_space<hbm>>
          %dma_wait3A_129 = tpu.memref_squeeze %dma_wait3A_128 : memref<1x32x64xi32, #tpu.memory_space<hbm>> -> memref<32x64xi32, #tpu.memory_space<hbm>>
          tpu.wait_dma2 semaphore(%arg27 : memref<!tpu.dma_semaphore, #tpu.memory_space<semaphore_mem>>) src(%dma_wait3A_129 : memref<32x64xi32, #tpu.memory_space<hbm>>) dst(%arg12 : memref<32x64xi32, #tpu.memory_space<vmem>>)
          %mul3A_130 = arith.constant 10 : i32
          %mul3A_131 = arith.muli %arg1, %mul3A_130 : i32
          %add3A_132 = arith.addi %mul3A_131, %add3A_72 : i32
          %dma_wait3A_133 = arith.constant 0 : i32
          %dma_wait3A_134 = arith.constant 0 : i32
          %dma_wait3A_135 = tpu.memref_slice %arg5[%add3A_132, %dma_wait3A_133, %dma_wait3A_134] : memref<160x32x64xi32, #tpu.memory_space<hbm>> -> memref<1x32x64xi32, #tpu.memory_space<hbm>>
          %dma_wait3A_136 = tpu.memref_squeeze %dma_wait3A_135 : memref<1x32x64xi32, #tpu.memory_space<hbm>> -> memref<32x64xi32, #tpu.memory_space<hbm>>
          %dma_wait3A_137 = arith.constant 0 : i32
          %dma_wait3A_138 = arith.constant 0 : i32
          %dma_wait3A_139 = tpu.memref_slice %arg5[%add3A_132, %dma_wait3A_137, %dma_wait3A_138] : memref<160x32x64xi32, #tpu.memory_space<hbm>> -> memref<1x32x64xi32, #tpu.memory_space<hbm>>
          %dma_wait3A_140 = tpu.memref_squeeze %dma_wait3A_139 : memref<1x32x64xi32, #tpu.memory_space<hbm>> -> memref<32x64xi32, #tpu.memory_space<hbm>>
          tpu.wait_dma2 semaphore(%arg28 : memref<!tpu.dma_semaphore, #tpu.memory_space<semaphore_mem>>) src(%dma_wait3A_140 : memref<32x64xi32, #tpu.memory_space<hbm>>) dst(%arg14 : memref<32x64xi32, #tpu.memory_space<vmem>>)
        } else {
        }
        %add3A_78 = arith.constant 1 : i32
        %add3A_79 = arith.addi %add3A_72, %add3A_78 : i32
        %lt3A_80 = arith.constant 10 : i32
        %lt3A_81 = arith.cmpi slt, %add3A_79, %lt3A_80 : i32
        %convert_element_type3A_82 = arith.extui %lt3A_81 : i1 to i32
        %cond3A_83 = arith.constant 0 : i32
        %cond3A_84 = arith.cmpi ne, %convert_element_type3A_82, %cond3A_83 : i32
        scf.if %cond3A_84 {
          %mul3A_119 = arith.constant 10 : i32
          %mul3A_120 = arith.muli %arg1, %mul3A_119 : i32
          %add3A_121 = arith.addi %mul3A_120, %add3A_72 : i32
          %add3A_122 = arith.constant 1 : i32
          %add3A_123 = arith.addi %add3A_121, %add3A_122 : i32
          %dma_start3A_124 = arith.constant 0 : i32
          %dma_start3A_125 = arith.constant 0 : i32
          %dma_start3A_126 = tpu.memref_slice %arg4[%add3A_123, %dma_start3A_124, %dma_start3A_125] : memref<160x32x64xi32, #tpu.memory_space<hbm>> -> memref<1x32x64xi32, #tpu.memory_space<hbm>>
          %dma_start3A_127 = tpu.memref_squeeze %dma_start3A_126 : memref<1x32x64xi32, #tpu.memory_space<hbm>> -> memref<32x64xi32, #tpu.memory_space<hbm>>
          %dma_start3A_128 = arith.constant 0 : i32
          %dma_start3A_129 = arith.constant 0 : i32
          %dma_start3A_130 = tpu.memref_slice %arg4[%add3A_123, %dma_start3A_128, %dma_start3A_129] : memref<160x32x64xi32, #tpu.memory_space<hbm>> -> memref<1x32x64xi32, #tpu.memory_space<hbm>>
          %dma_start3A_131 = tpu.memref_squeeze %dma_start3A_130 : memref<1x32x64xi32, #tpu.memory_space<hbm>> -> memref<32x64xi32, #tpu.memory_space<hbm>>
          tpu.enqueue_dma source(%dma_start3A_131 : memref<32x64xi32, #tpu.memory_space<hbm>>) target(%arg11 : memref<32x64xi32, #tpu.memory_space<vmem>>) target_semaphore(%arg27 : memref<!tpu.dma_semaphore, #tpu.memory_space<semaphore_mem>>)
          %mul3A_132 = arith.constant 10 : i32
          %mul3A_133 = arith.muli %arg1, %mul3A_132 : i32
          %add3A_134 = arith.addi %mul3A_133, %add3A_72 : i32
          %add3A_135 = arith.constant 1 : i32
          %add3A_136 = arith.addi %add3A_134, %add3A_135 : i32
          %dma_start3A_137 = arith.constant 0 : i32
          %dma_start3A_138 = arith.constant 0 : i32
          %dma_start3A_139 = tpu.memref_slice %arg5[%add3A_136, %dma_start3A_137, %dma_start3A_138] : memref<160x32x64xi32, #tpu.memory_space<hbm>> -> memref<1x32x64xi32, #tpu.memory_space<hbm>>
          %dma_start3A_140 = tpu.memref_squeeze %dma_start3A_139 : memref<1x32x64xi32, #tpu.memory_space<hbm>> -> memref<32x64xi32, #tpu.memory_space<hbm>>
          %dma_start3A_141 = arith.constant 0 : i32
          %dma_start3A_142 = arith.constant 0 : i32
          %dma_start3A_143 = tpu.memref_slice %arg5[%add3A_136, %dma_start3A_141, %dma_start3A_142] : memref<160x32x64xi32, #tpu.memory_space<hbm>> -> memref<1x32x64xi32, #tpu.memory_space<hbm>>
          %dma_start3A_144 = tpu.memref_squeeze %dma_start3A_143 : memref<1x32x64xi32, #tpu.memory_space<hbm>> -> memref<32x64xi32, #tpu.memory_space<hbm>>
          tpu.enqueue_dma source(%dma_start3A_144 : memref<32x64xi32, #tpu.memory_space<hbm>>) target(%arg13 : memref<32x64xi32, #tpu.memory_space<vmem>>) target_semaphore(%arg28 : memref<!tpu.dma_semaphore, #tpu.memory_space<semaphore_mem>>)
        } else {
        }
        %dma_start3A_85 = arith.constant 0 : i32
        %dma_start3A_86 = arith.constant 0 : i32
        %dma_start3A_87 = tpu.memref_slice %arg14[%dma_start3A_85, %dma_start3A_86] : memref<32x64xi32, #tpu.memory_space<vmem>> -> memref<1x64xi32, #tpu.memory_space<vmem>>
        %dma_start3A_88 = tpu.memref_squeeze %dma_start3A_87 : memref<1x64xi32, #tpu.memory_space<vmem>> -> memref<64xi32, #tpu.memory_space<vmem>>
        %dma_start3A_89 = arith.constant 0 : i32
        %dma_start3A_90 = arith.constant 0 : i32
        %dma_start3A_91 = tpu.memref_slice %arg7[%dma_start3A_89, %dma_start3A_90] : memref<10240x128xf32, #tpu.memory_space<hbm>> -> memref<10240x128xf32, #tpu.memory_space<hbm>>
        tpu.enqueue_indirect_dma source(%dma_start3A_91 : memref<10240x128xf32, #tpu.memory_space<hbm>>) target(%arg15 : memref<64x128xf32, #tpu.memory_space<vmem>>) offsets(%dma_start3A_88 : memref<64xi32, #tpu.memory_space<vmem>>) semaphore(%arg19 : memref<!tpu.dma_semaphore, #tpu.memory_space<semaphore_mem>>)
        %dma_start3A_92 = arith.constant 1 : i32
        %dma_start3A_93 = arith.constant 0 : i32
        %dma_start3A_94 = tpu.memref_slice %arg14[%dma_start3A_92, %dma_start3A_93] : memref<32x64xi32, #tpu.memory_space<vmem>> -> memref<1x64xi32, #tpu.memory_space<vmem>>
        %dma_start3A_95 = tpu.memref_squeeze %dma_start3A_94 : memref<1x64xi32, #tpu.memory_space<vmem>> -> memref<64xi32, #tpu.memory_space<vmem>>
        %dma_start3A_96 = arith.constant 0 : i32
        %dma_start3A_97 = arith.constant 0 : i32
        %dma_start3A_98 = tpu.memref_slice %arg7[%dma_start3A_96, %dma_start3A_97] : memref<10240x128xf32, #tpu.memory_space<hbm>> -> memref<10240x128xf32, #tpu.memory_space<hbm>>
        tpu.enqueue_indirect_dma source(%dma_start3A_98 : memref<10240x128xf32, #tpu.memory_space<hbm>>) target(%arg16 : memref<64x128xf32, #tpu.memory_space<vmem>>) offsets(%dma_start3A_95 : memref<64xi32, #tpu.memory_space<vmem>>) semaphore(%arg20 : memref<!tpu.dma_semaphore, #tpu.memory_space<semaphore_mem>>)
        %dma_start3A_99 = arith.constant 2 : i32
        %dma_start3A_100 = arith.constant 0 : i32
        %dma_start3A_101 = tpu.memref_slice %arg14[%dma_start3A_99, %dma_start3A_100] : memref<32x64xi32, #tpu.memory_space<vmem>> -> memref<1x64xi32, #tpu.memory_space<vmem>>
        %dma_start3A_102 = tpu.memref_squeeze %dma_start3A_101 : memref<1x64xi32, #tpu.memory_space<vmem>> -> memref<64xi32, #tpu.memory_space<vmem>>
        %dma_start3A_103 = arith.constant 0 : i32
        %dma_start3A_104 = arith.constant 0 : i32
        %dma_start3A_105 = tpu.memref_slice %arg7[%dma_start3A_103, %dma_start3A_104] : memref<10240x128xf32, #tpu.memory_space<hbm>> -> memref<10240x128xf32, #tpu.memory_space<hbm>>
        tpu.enqueue_indirect_dma source(%dma_start3A_105 : memref<10240x128xf32, #tpu.memory_space<hbm>>) target(%arg17 : memref<64x128xf32, #tpu.memory_space<vmem>>) offsets(%dma_start3A_102 : memref<64xi32, #tpu.memory_space<vmem>>) semaphore(%arg21 : memref<!tpu.dma_semaphore, #tpu.memory_space<semaphore_mem>>)
        %scan3A_106 = arith.constant 0 : i32
        %scan3A_107 = arith.constant 0 : i32
        %scan3A_108 = arith.constant 8 : i32
        %scan3A_109 = arith.addi %scan3A_107, %scan3A_108 : i32
        %scan3A_110 = arith.constant 1 : i32
        scf.for %scan3A_119 = %scan3A_107 to %scan3A_109 step %scan3A_110  : i32 {
          %mul3A_120 = arith.constant 4 : i32
          %mul3A_121 = arith.muli %mul3A_120, %scan3A_119 : i32
          %add3A_122 = arith.constant 0 : i32
          %add3A_123 = arith.addi %mul3A_121, %add3A_122 : i32
          %ge3A = arith.constant 1 : i32
          %ge3A_124 = arith.cmpi sge, %add3A_123, %ge3A : i32
          %convert_element_type3A_125 = arith.extui %ge3A_124 : i1 to i32
          %cond3A_126 = arith.constant 0 : i32
          %cond3A_127 = arith.cmpi ne, %convert_element_type3A_125, %cond3A_126 : i32
          scf.if %cond3A_127 {
            %sub3A = arith.constant 1 : i32
            %sub3A_231 = arith.subi %add3A_123, %sub3A : i32
            %dma_wait3A_232 = arith.constant 0 : i32
            %dma_wait3A_233 = tpu.memref_slice %arg12[%sub3A_231, %dma_wait3A_232] : memref<32x64xi32, #tpu.memory_space<vmem>> -> memref<1x64xi32, #tpu.memory_space<vmem>>
            %dma_wait3A_234 = tpu.memref_squeeze %dma_wait3A_233 : memref<1x64xi32, #tpu.memory_space<vmem>> -> memref<64xi32, #tpu.memory_space<vmem>>
            %dma_wait3A_235 = arith.constant 0 : i32
            %dma_wait3A_236 = arith.constant 0 : i32
            %dma_wait3A_237 = tpu.memref_slice %arg10[%dma_wait3A_235, %dma_wait3A_236] : memref<10240x128xf32, #tpu.memory_space<vmem_shared>> -> memref<10240x128xf32, #tpu.memory_space<vmem_shared>>
            tpu.wait_indirect_dma semaphore(%arg26 : memref<!tpu.dma_semaphore, #tpu.memory_space<semaphore_mem>>) src(%arg18 : memref<64x128xf32, #tpu.memory_space<vmem>>) dst(%dma_wait3A_237 : memref<10240x128xf32, #tpu.memory_space<vmem_shared>>)
          } else {
          }
          %add3A_128 = arith.constant 3 : i32
          %add3A_129 = arith.addi %add3A_123, %add3A_128 : i32
          %lt3A_130 = arith.constant 32 : i32
          %lt3A_131 = arith.cmpi slt, %add3A_129, %lt3A_130 : i32
          %convert_element_type3A_132 = arith.extui %lt3A_131 : i1 to i32
          %cond3A_133 = arith.constant 0 : i32
          %cond3A_134 = arith.cmpi ne, %convert_element_type3A_132, %cond3A_133 : i32
          scf.if %cond3A_134 {
            %add3A_231 = arith.constant 3 : i32
            %add3A_232 = arith.addi %add3A_123, %add3A_231 : i32
            %dma_start3A_233 = arith.constant 0 : i32
            %dma_start3A_234 = tpu.memref_slice %arg14[%add3A_232, %dma_start3A_233] : memref<32x64xi32, #tpu.memory_space<vmem>> -> memref<1x64xi32, #tpu.memory_space<vmem>>
            %dma_start3A_235 = tpu.memref_squeeze %dma_start3A_234 : memref<1x64xi32, #tpu.memory_space<vmem>> -> memref<64xi32, #tpu.memory_space<vmem>>
            %dma_start3A_236 = arith.constant 0 : i32
            %dma_start3A_237 = arith.constant 0 : i32
            %dma_start3A_238 = tpu.memref_slice %arg7[%dma_start3A_236, %dma_start3A_237] : memref<10240x128xf32, #tpu.memory_space<hbm>> -> memref<10240x128xf32, #tpu.memory_space<hbm>>
            tpu.enqueue_indirect_dma source(%dma_start3A_238 : memref<10240x128xf32, #tpu.memory_space<hbm>>) target(%arg18 : memref<64x128xf32, #tpu.memory_space<vmem>>) offsets(%dma_start3A_235 : memref<64xi32, #tpu.memory_space<vmem>>) semaphore(%arg22 : memref<!tpu.dma_semaphore, #tpu.memory_space<semaphore_mem>>)
          } else {
          }
          %dma_wait3A_135 = arith.constant 0 : i32
          %dma_wait3A_136 = tpu.memref_slice %arg14[%add3A_123, %dma_wait3A_135] : memref<32x64xi32, #tpu.memory_space<vmem>> -> memref<1x64xi32, #tpu.memory_space<vmem>>
          %dma_wait3A_137 = tpu.memref_squeeze %dma_wait3A_136 : memref<1x64xi32, #tpu.memory_space<vmem>> -> memref<64xi32, #tpu.memory_space<vmem>>
          %dma_wait3A_138 = arith.constant 0 : i32
          %dma_wait3A_139 = arith.constant 0 : i32
          %dma_wait3A_140 = tpu.memref_slice %arg7[%dma_wait3A_138, %dma_wait3A_139] : memref<10240x128xf32, #tpu.memory_space<hbm>> -> memref<10240x128xf32, #tpu.memory_space<hbm>>
          tpu.wait_indirect_dma semaphore(%arg19 : memref<!tpu.dma_semaphore, #tpu.memory_space<semaphore_mem>>) src(%dma_wait3A_140 : memref<10240x128xf32, #tpu.memory_space<hbm>>) dst(%arg15 : memref<64x128xf32, #tpu.memory_space<vmem>>)
          %dma_start3A_141 = arith.constant 0 : i32
          %dma_start3A_142 = tpu.memref_slice %arg12[%add3A_123, %dma_start3A_141] : memref<32x64xi32, #tpu.memory_space<vmem>> -> memref<1x64xi32, #tpu.memory_space<vmem>>
          %dma_start3A_143 = tpu.memref_squeeze %dma_start3A_142 : memref<1x64xi32, #tpu.memory_space<vmem>> -> memref<64xi32, #tpu.memory_space<vmem>>
          %dma_start3A_144 = arith.constant 0 : i32
          %dma_start3A_145 = arith.constant 0 : i32
          %dma_start3A_146 = tpu.memref_slice %arg10[%dma_start3A_144, %dma_start3A_145] : memref<10240x128xf32, #tpu.memory_space<vmem_shared>> -> memref<10240x128xf32, #tpu.memory_space<vmem_shared>>
          tpu.enqueue_indirect_dma source(%arg15 : memref<64x128xf32, #tpu.memory_space<vmem>>) target(%dma_start3A_146 : memref<10240x128xf32, #tpu.memory_space<vmem_shared>>) offsets(%dma_start3A_143 : memref<64xi32, #tpu.memory_space<vmem>>) semaphore(%arg23 : memref<!tpu.dma_semaphore, #tpu.memory_space<semaphore_mem>>) {add = true}
          %mul3A_147 = arith.constant 4 : i32
          %mul3A_148 = arith.muli %mul3A_147, %scan3A_119 : i32
          %add3A_149 = arith.constant 1 : i32
          %add3A_150 = arith.addi %mul3A_148, %add3A_149 : i32
          %ge3A_151 = arith.constant 1 : i32
          %ge3A_152 = arith.cmpi sge, %add3A_150, %ge3A_151 : i32
          %convert_element_type3A_153 = arith.extui %ge3A_152 : i1 to i32
          %cond3A_154 = arith.constant 0 : i32
          %cond3A_155 = arith.cmpi ne, %convert_element_type3A_153, %cond3A_154 : i32
          scf.if %cond3A_155 {
            %sub3A = arith.constant 1 : i32
            %sub3A_231 = arith.subi %add3A_150, %sub3A : i32
            %dma_wait3A_232 = arith.constant 0 : i32
            %dma_wait3A_233 = tpu.memref_slice %arg12[%sub3A_231, %dma_wait3A_232] : memref<32x64xi32, #tpu.memory_space<vmem>> -> memref<1x64xi32, #tpu.memory_space<vmem>>
            %dma_wait3A_234 = tpu.memref_squeeze %dma_wait3A_233 : memref<1x64xi32, #tpu.memory_space<vmem>> -> memref<64xi32, #tpu.memory_space<vmem>>
            %dma_wait3A_235 = arith.constant 0 : i32
            %dma_wait3A_236 = arith.constant 0 : i32
            %dma_wait3A_237 = tpu.memref_slice %arg10[%dma_wait3A_235, %dma_wait3A_236] : memref<10240x128xf32, #tpu.memory_space<vmem_shared>> -> memref<10240x128xf32, #tpu.memory_space<vmem_shared>>
            tpu.wait_indirect_dma semaphore(%arg23 : memref<!tpu.dma_semaphore, #tpu.memory_space<semaphore_mem>>) src(%arg15 : memref<64x128xf32, #tpu.memory_space<vmem>>) dst(%dma_wait3A_237 : memref<10240x128xf32, #tpu.memory_space<vmem_shared>>)
          } else {
          }
          %add3A_156 = arith.constant 3 : i32
          %add3A_157 = arith.addi %add3A_150, %add3A_156 : i32
          %lt3A_158 = arith.constant 32 : i32
          %lt3A_159 = arith.cmpi slt, %add3A_157, %lt3A_158 : i32
          %convert_element_type3A_160 = arith.extui %lt3A_159 : i1 to i32
          %cond3A_161 = arith.constant 0 : i32
          %cond3A_162 = arith.cmpi ne, %convert_element_type3A_160, %cond3A_161 : i32
          scf.if %cond3A_162 {
            %add3A_231 = arith.constant 3 : i32
            %add3A_232 = arith.addi %add3A_150, %add3A_231 : i32
            %dma_start3A_233 = arith.constant 0 : i32
            %dma_start3A_234 = tpu.memref_slice %arg14[%add3A_232, %dma_start3A_233] : memref<32x64xi32, #tpu.memory_space<vmem>> -> memref<1x64xi32, #tpu.memory_space<vmem>>
            %dma_start3A_235 = tpu.memref_squeeze %dma_start3A_234 : memref<1x64xi32, #tpu.memory_space<vmem>> -> memref<64xi32, #tpu.memory_space<vmem>>
            %dma_start3A_236 = arith.constant 0 : i32
            %dma_start3A_237 = arith.constant 0 : i32
            %dma_start3A_238 = tpu.memref_slice %arg7[%dma_start3A_236, %dma_start3A_237] : memref<10240x128xf32, #tpu.memory_space<hbm>> -> memref<10240x128xf32, #tpu.memory_space<hbm>>
            tpu.enqueue_indirect_dma source(%dma_start3A_238 : memref<10240x128xf32, #tpu.memory_space<hbm>>) target(%arg15 : memref<64x128xf32, #tpu.memory_space<vmem>>) offsets(%dma_start3A_235 : memref<64xi32, #tpu.memory_space<vmem>>) semaphore(%arg19 : memref<!tpu.dma_semaphore, #tpu.memory_space<semaphore_mem>>)
          } else {
          }
          %dma_wait3A_163 = arith.constant 0 : i32
          %dma_wait3A_164 = tpu.memref_slice %arg14[%add3A_150, %dma_wait3A_163] : memref<32x64xi32, #tpu.memory_space<vmem>> -> memref<1x64xi32, #tpu.memory_space<vmem>>
          %dma_wait3A_165 = tpu.memref_squeeze %dma_wait3A_164 : memref<1x64xi32, #tpu.memory_space<vmem>> -> memref<64xi32, #tpu.memory_space<vmem>>
          %dma_wait3A_166 = arith.constant 0 : i32
          %dma_wait3A_167 = arith.constant 0 : i32
          %dma_wait3A_168 = tpu.memref_slice %arg7[%dma_wait3A_166, %dma_wait3A_167] : memref<10240x128xf32, #tpu.memory_space<hbm>> -> memref<10240x128xf32, #tpu.memory_space<hbm>>
          tpu.wait_indirect_dma semaphore(%arg20 : memref<!tpu.dma_semaphore, #tpu.memory_space<semaphore_mem>>) src(%dma_wait3A_168 : memref<10240x128xf32, #tpu.memory_space<hbm>>) dst(%arg16 : memref<64x128xf32, #tpu.memory_space<vmem>>)
          %dma_start3A_169 = arith.constant 0 : i32
          %dma_start3A_170 = tpu.memref_slice %arg12[%add3A_150, %dma_start3A_169] : memref<32x64xi32, #tpu.memory_space<vmem>> -> memref<1x64xi32, #tpu.memory_space<vmem>>
          %dma_start3A_171 = tpu.memref_squeeze %dma_start3A_170 : memref<1x64xi32, #tpu.memory_space<vmem>> -> memref<64xi32, #tpu.memory_space<vmem>>
          %dma_start3A_172 = arith.constant 0 : i32
          %dma_start3A_173 = arith.constant 0 : i32
          %dma_start3A_174 = tpu.memref_slice %arg10[%dma_start3A_172, %dma_start3A_173] : memref<10240x128xf32, #tpu.memory_space<vmem_shared>> -> memref<10240x128xf32, #tpu.memory_space<vmem_shared>>
          tpu.enqueue_indirect_dma source(%arg16 : memref<64x128xf32, #tpu.memory_space<vmem>>) target(%dma_start3A_174 : memref<10240x128xf32, #tpu.memory_space<vmem_shared>>) offsets(%dma_start3A_171 : memref<64xi32, #tpu.memory_space<vmem>>) semaphore(%arg24 : memref<!tpu.dma_semaphore, #tpu.memory_space<semaphore_mem>>) {add = true}
          %mul3A_175 = arith.constant 4 : i32
          %mul3A_176 = arith.muli %mul3A_175, %scan3A_119 : i32
          %add3A_177 = arith.constant 2 : i32
          %add3A_178 = arith.addi %mul3A_176, %add3A_177 : i32
          %ge3A_179 = arith.constant 1 : i32
          %ge3A_180 = arith.cmpi sge, %add3A_178, %ge3A_179 : i32
          %convert_element_type3A_181 = arith.extui %ge3A_180 : i1 to i32
          %cond3A_182 = arith.constant 0 : i32
          %cond3A_183 = arith.cmpi ne, %convert_element_type3A_181, %cond3A_182 : i32
          scf.if %cond3A_183 {
            %sub3A = arith.constant 1 : i32
            %sub3A_231 = arith.subi %add3A_178, %sub3A : i32
            %dma_wait3A_232 = arith.constant 0 : i32
            %dma_wait3A_233 = tpu.memref_slice %arg12[%sub3A_231, %dma_wait3A_232] : memref<32x64xi32, #tpu.memory_space<vmem>> -> memref<1x64xi32, #tpu.memory_space<vmem>>
            %dma_wait3A_234 = tpu.memref_squeeze %dma_wait3A_233 : memref<1x64xi32, #tpu.memory_space<vmem>> -> memref<64xi32, #tpu.memory_space<vmem>>
            %dma_wait3A_235 = arith.constant 0 : i32
            %dma_wait3A_236 = arith.constant 0 : i32
            %dma_wait3A_237 = tpu.memref_slice %arg10[%dma_wait3A_235, %dma_wait3A_236] : memref<10240x128xf32, #tpu.memory_space<vmem_shared>> -> memref<10240x128xf32, #tpu.memory_space<vmem_shared>>
            tpu.wait_indirect_dma semaphore(%arg24 : memref<!tpu.dma_semaphore, #tpu.memory_space<semaphore_mem>>) src(%arg16 : memref<64x128xf32, #tpu.memory_space<vmem>>) dst(%dma_wait3A_237 : memref<10240x128xf32, #tpu.memory_space<vmem_shared>>)
          } else {
          }
          %add3A_184 = arith.constant 3 : i32
          %add3A_185 = arith.addi %add3A_178, %add3A_184 : i32
          %lt3A_186 = arith.constant 32 : i32
          %lt3A_187 = arith.cmpi slt, %add3A_185, %lt3A_186 : i32
          %convert_element_type3A_188 = arith.extui %lt3A_187 : i1 to i32
          %cond3A_189 = arith.constant 0 : i32
          %cond3A_190 = arith.cmpi ne, %convert_element_type3A_188, %cond3A_189 : i32
          scf.if %cond3A_190 {
            %add3A_231 = arith.constant 3 : i32
            %add3A_232 = arith.addi %add3A_178, %add3A_231 : i32
            %dma_start3A_233 = arith.constant 0 : i32
            %dma_start3A_234 = tpu.memref_slice %arg14[%add3A_232, %dma_start3A_233] : memref<32x64xi32, #tpu.memory_space<vmem>> -> memref<1x64xi32, #tpu.memory_space<vmem>>
            %dma_start3A_235 = tpu.memref_squeeze %dma_start3A_234 : memref<1x64xi32, #tpu.memory_space<vmem>> -> memref<64xi32, #tpu.memory_space<vmem>>
            %dma_start3A_236 = arith.constant 0 : i32
            %dma_start3A_237 = arith.constant 0 : i32
            %dma_start3A_238 = tpu.memref_slice %arg7[%dma_start3A_236, %dma_start3A_237] : memref<10240x128xf32, #tpu.memory_space<hbm>> -> memref<10240x128xf32, #tpu.memory_space<hbm>>
            tpu.enqueue_indirect_dma source(%dma_start3A_238 : memref<10240x128xf32, #tpu.memory_space<hbm>>) target(%arg16 : memref<64x128xf32, #tpu.memory_space<vmem>>) offsets(%dma_start3A_235 : memref<64xi32, #tpu.memory_space<vmem>>) semaphore(%arg20 : memref<!tpu.dma_semaphore, #tpu.memory_space<semaphore_mem>>)
          } else {
          }
          %dma_wait3A_191 = arith.constant 0 : i32
          %dma_wait3A_192 = tpu.memref_slice %arg14[%add3A_178, %dma_wait3A_191] : memref<32x64xi32, #tpu.memory_space<vmem>> -> memref<1x64xi32, #tpu.memory_space<vmem>>
          %dma_wait3A_193 = tpu.memref_squeeze %dma_wait3A_192 : memref<1x64xi32, #tpu.memory_space<vmem>> -> memref<64xi32, #tpu.memory_space<vmem>>
          %dma_wait3A_194 = arith.constant 0 : i32
          %dma_wait3A_195 = arith.constant 0 : i32
          %dma_wait3A_196 = tpu.memref_slice %arg7[%dma_wait3A_194, %dma_wait3A_195] : memref<10240x128xf32, #tpu.memory_space<hbm>> -> memref<10240x128xf32, #tpu.memory_space<hbm>>
          tpu.wait_indirect_dma semaphore(%arg21 : memref<!tpu.dma_semaphore, #tpu.memory_space<semaphore_mem>>) src(%dma_wait3A_196 : memref<10240x128xf32, #tpu.memory_space<hbm>>) dst(%arg17 : memref<64x128xf32, #tpu.memory_space<vmem>>)
          %dma_start3A_197 = arith.constant 0 : i32
          %dma_start3A_198 = tpu.memref_slice %arg12[%add3A_178, %dma_start3A_197] : memref<32x64xi32, #tpu.memory_space<vmem>> -> memref<1x64xi32, #tpu.memory_space<vmem>>
          %dma_start3A_199 = tpu.memref_squeeze %dma_start3A_198 : memref<1x64xi32, #tpu.memory_space<vmem>> -> memref<64xi32, #tpu.memory_space<vmem>>
          %dma_start3A_200 = arith.constant 0 : i32
          %dma_start3A_201 = arith.constant 0 : i32
          %dma_start3A_202 = tpu.memref_slice %arg10[%dma_start3A_200, %dma_start3A_201] : memref<10240x128xf32, #tpu.memory_space<vmem_shared>> -> memref<10240x128xf32, #tpu.memory_space<vmem_shared>>
          tpu.enqueue_indirect_dma source(%arg17 : memref<64x128xf32, #tpu.memory_space<vmem>>) target(%dma_start3A_202 : memref<10240x128xf32, #tpu.memory_space<vmem_shared>>) offsets(%dma_start3A_199 : memref<64xi32, #tpu.memory_space<vmem>>) semaphore(%arg25 : memref<!tpu.dma_semaphore, #tpu.memory_space<semaphore_mem>>) {add = true}
          %mul3A_203 = arith.constant 4 : i32
          %mul3A_204 = arith.muli %mul3A_203, %scan3A_119 : i32
          %add3A_205 = arith.constant 3 : i32
          %add3A_206 = arith.addi %mul3A_204, %add3A_205 : i32
          %ge3A_207 = arith.constant 1 : i32
          %ge3A_208 = arith.cmpi sge, %add3A_206, %ge3A_207 : i32
          %convert_element_type3A_209 = arith.extui %ge3A_208 : i1 to i32
          %cond3A_210 = arith.constant 0 : i32
          %cond3A_211 = arith.cmpi ne, %convert_element_type3A_209, %cond3A_210 : i32
          scf.if %cond3A_211 {
            %sub3A = arith.constant 1 : i32
            %sub3A_231 = arith.subi %add3A_206, %sub3A : i32
            %dma_wait3A_232 = arith.constant 0 : i32
            %dma_wait3A_233 = tpu.memref_slice %arg12[%sub3A_231, %dma_wait3A_232] : memref<32x64xi32, #tpu.memory_space<vmem>> -> memref<1x64xi32, #tpu.memory_space<vmem>>
            %dma_wait3A_234 = tpu.memref_squeeze %dma_wait3A_233 : memref<1x64xi32, #tpu.memory_space<vmem>> -> memref<64xi32, #tpu.memory_space<vmem>>
            %dma_wait3A_235 = arith.constant 0 : i32
            %dma_wait3A_236 = arith.constant 0 : i32
            %dma_wait3A_237 = tpu.memref_slice %arg10[%dma_wait3A_235, %dma_wait3A_236] : memref<10240x128xf32, #tpu.memory_space<vmem_shared>> -> memref<10240x128xf32, #tpu.memory_space<vmem_shared>>
            tpu.wait_indirect_dma semaphore(%arg25 : memref<!tpu.dma_semaphore, #tpu.memory_space<semaphore_mem>>) src(%arg17 : memref<64x128xf32, #tpu.memory_space<vmem>>) dst(%dma_wait3A_237 : memref<10240x128xf32, #tpu.memory_space<vmem_shared>>)
          } else {
          }
          %add3A_212 = arith.constant 3 : i32
          %add3A_213 = arith.addi %add3A_206, %add3A_212 : i32
          %lt3A_214 = arith.constant 32 : i32
          %lt3A_215 = arith.cmpi slt, %add3A_213, %lt3A_214 : i32
          %convert_element_type3A_216 = arith.extui %lt3A_215 : i1 to i32
          %cond3A_217 = arith.constant 0 : i32
          %cond3A_218 = arith.cmpi ne, %convert_element_type3A_216, %cond3A_217 : i32
          scf.if %cond3A_218 {
            %add3A_231 = arith.constant 3 : i32
            %add3A_232 = arith.addi %add3A_206, %add3A_231 : i32
            %dma_start3A_233 = arith.constant 0 : i32
            %dma_start3A_234 = tpu.memref_slice %arg14[%add3A_232, %dma_start3A_233] : memref<32x64xi32, #tpu.memory_space<vmem>> -> memref<1x64xi32, #tpu.memory_space<vmem>>
            %dma_start3A_235 = tpu.memref_squeeze %dma_start3A_234 : memref<1x64xi32, #tpu.memory_space<vmem>> -> memref<64xi32, #tpu.memory_space<vmem>>
            %dma_start3A_236 = arith.constant 0 : i32
            %dma_start3A_237 = arith.constant 0 : i32
            %dma_start3A_238 = tpu.memref_slice %arg7[%dma_start3A_236, %dma_start3A_237] : memref<10240x128xf32, #tpu.memory_space<hbm>> -> memref<10240x128xf32, #tpu.memory_space<hbm>>
            tpu.enqueue_indirect_dma source(%dma_start3A_238 : memref<10240x128xf32, #tpu.memory_space<hbm>>) target(%arg17 : memref<64x128xf32, #tpu.memory_space<vmem>>) offsets(%dma_start3A_235 : memref<64xi32, #tpu.memory_space<vmem>>) semaphore(%arg21 : memref<!tpu.dma_semaphore, #tpu.memory_space<semaphore_mem>>)
          } else {
          }
          %dma_wait3A_219 = arith.constant 0 : i32
          %dma_wait3A_220 = tpu.memref_slice %arg14[%add3A_206, %dma_wait3A_219] : memref<32x64xi32, #tpu.memory_space<vmem>> -> memref<1x64xi32, #tpu.memory_space<vmem>>
          %dma_wait3A_221 = tpu.memref_squeeze %dma_wait3A_220 : memref<1x64xi32, #tpu.memory_space<vmem>> -> memref<64xi32, #tpu.memory_space<vmem>>
          %dma_wait3A_222 = arith.constant 0 : i32
          %dma_wait3A_223 = arith.constant 0 : i32
          %dma_wait3A_224 = tpu.memref_slice %arg7[%dma_wait3A_222, %dma_wait3A_223] : memref<10240x128xf32, #tpu.memory_space<hbm>> -> memref<10240x128xf32, #tpu.memory_space<hbm>>
          tpu.wait_indirect_dma semaphore(%arg22 : memref<!tpu.dma_semaphore, #tpu.memory_space<semaphore_mem>>) src(%dma_wait3A_224 : memref<10240x128xf32, #tpu.memory_space<hbm>>) dst(%arg18 : memref<64x128xf32, #tpu.memory_space<vmem>>)
          %dma_start3A_225 = arith.constant 0 : i32
          %dma_start3A_226 = tpu.memref_slice %arg12[%add3A_206, %dma_start3A_225] : memref<32x64xi32, #tpu.memory_space<vmem>> -> memref<1x64xi32, #tpu.memory_space<vmem>>
          %dma_start3A_227 = tpu.memref_squeeze %dma_start3A_226 : memref<1x64xi32, #tpu.memory_space<vmem>> -> memref<64xi32, #tpu.memory_space<vmem>>
          %dma_start3A_228 = arith.constant 0 : i32
          %dma_start3A_229 = arith.constant 0 : i32
          %dma_start3A_230 = tpu.memref_slice %arg10[%dma_start3A_228, %dma_start3A_229] : memref<10240x128xf32, #tpu.memory_space<vmem_shared>> -> memref<10240x128xf32, #tpu.memory_space<vmem_shared>>
          tpu.enqueue_indirect_dma source(%arg18 : memref<64x128xf32, #tpu.memory_space<vmem>>) target(%dma_start3A_230 : memref<10240x128xf32, #tpu.memory_space<vmem_shared>>) offsets(%dma_start3A_227 : memref<64xi32, #tpu.memory_space<vmem>>) semaphore(%arg26 : memref<!tpu.dma_semaphore, #tpu.memory_space<semaphore_mem>>) {add = true}
        }
        %scan3A_111 = arith.constant 8 : i32
        %dma_wait3A_112 = arith.constant 31 : i32
        %dma_wait3A_113 = arith.constant 0 : i32
        %dma_wait3A_114 = tpu.memref_slice %arg12[%dma_wait3A_112, %dma_wait3A_113] : memref<32x64xi32, #tpu.memory_space<vmem>> -> memref<1x64xi32, #tpu.memory_space<vmem>>
        %dma_wait3A_115 = tpu.memref_squeeze %dma_wait3A_114 : memref<1x64xi32, #tpu.memory_space<vmem>> -> memref<64xi32, #tpu.memory_space<vmem>>
        %dma_wait3A_116 = arith.constant 0 : i32
        %dma_wait3A_117 = arith.constant 0 : i32
        %dma_wait3A_118 = tpu.memref_slice %arg10[%dma_wait3A_116, %dma_wait3A_117] : memref<10240x128xf32, #tpu.memory_space<vmem_shared>> -> memref<10240x128xf32, #tpu.memory_space<vmem_shared>>
        tpu.wait_indirect_dma semaphore(%arg26 : memref<!tpu.dma_semaphore, #tpu.memory_space<semaphore_mem>>) src(%arg18 : memref<64x128xf32, #tpu.memory_space<vmem>>) dst(%dma_wait3A_118 : memref<10240x128xf32, #tpu.memory_space<vmem_shared>>)
      }
      %scan3A_21 = arith.constant 5 : i32
      %barrier3A_22 = arith.constant 0 : index
      tpu.barrier barrier_id(%barrier3A_22)
      %mul3A_23 = arith.constant 640 : i32
      %mul3A_24 = arith.muli %arg1, %mul3A_23 : i32
      "tpu.region"() ({
        %run_scoped3A = tpu.sem_alloc : memref<!tpu.dma_semaphore, #tpu.memory_space<semaphore_mem>>
        %dma_start3A = arith.constant 0 : i32
        %dma_start3A_25 = tpu.memref_slice %arg9[%mul3A_24, %dma_start3A] : memref<10240x128xf32, #tpu.memory_space<hbm>> -> memref<640x128xf32, #tpu.memory_space<hbm>>
        %dma_start3A_26 = arith.constant 0 : i32
        %dma_start3A_27 = tpu.memref_slice %arg10[%mul3A_24, %dma_start3A_26] : memref<10240x128xf32, #tpu.memory_space<vmem_shared>> -> memref<640x128xf32, #tpu.memory_space<vmem_shared>>
        tpu.enqueue_dma source(%dma_start3A_27 : memref<640x128xf32, #tpu.memory_space<vmem_shared>>) target(%dma_start3A_25 : memref<640x128xf32, #tpu.memory_space<hbm>>) target_semaphore(%run_scoped3A : memref<!tpu.dma_semaphore, #tpu.memory_space<semaphore_mem>>)
        %dma_wait3A = arith.constant 0 : i32
        %dma_wait3A_28 = tpu.memref_slice %arg9[%mul3A_24, %dma_wait3A] : memref<10240x128xf32, #tpu.memory_space<hbm>> -> memref<640x128xf32, #tpu.memory_space<hbm>>
        %dma_wait3A_29 = arith.constant 0 : i32
        %dma_wait3A_30 = tpu.memref_slice %arg10[%mul3A_24, %dma_wait3A_29] : memref<10240x128xf32, #tpu.memory_space<vmem_shared>> -> memref<640x128xf32, #tpu.memory_space<vmem_shared>>
        tpu.wait_dma2 semaphore(%run_scoped3A : memref<!tpu.dma_semaphore, #tpu.memory_space<semaphore_mem>>) src(%dma_wait3A_30 : memref<640x128xf32, #tpu.memory_space<vmem_shared>>) dst(%dma_wait3A_28 : memref<640x128xf32, #tpu.memory_space<hbm>>)
        tpu.yield
      }) : () -> ()
    } else {
    }
    return
  }
}

module attributes {stable_mosaic.version = 14 : i64} {
  func.func @_p2_body(%arg0: i32, %arg1: memref<2000x128xf32, #tpu.memory_space<vmem>>, %arg2: memref<2000x128xf32, #tpu.memory_space<vmem>>, %arg3: memref<128x128xf32, #tpu.memory_space<vmem>>, %arg4: memref<1x128xf32, #tpu.memory_space<vmem>>, %arg5: memref<1x128xf32, #tpu.memory_space<vmem>>, %arg6: memref<128x128xf32, #tpu.memory_space<vmem>>, %arg7: memref<1x128xf32, #tpu.memory_space<vmem>>, %arg8: memref<1x1xf32, #tpu.memory_space<vmem>>, %arg9: memref<1x1xf32, #tpu.memory_space<vmem>>) attributes {dimension_semantics = [#tpu.dimension_semantics<arbitrary>], iteration_bounds = array<i64: 5>, scalar_prefetch = 0 : i64, scratch_operands = 0 : i64, tpu.core_type = #tpu.core_type<tc>, window_params = [{transform_indices = @transform_0, window_bounds = array<i64: 2000, 128>}, {transform_indices = @transform_1, window_bounds = array<i64: 2000, 128>}, {pipeline_mode = #tpu.pipeline_mode<synchronous>, transform_indices = @transform_2, window_bounds = array<i64: 128, 128>}, {pipeline_mode = #tpu.pipeline_mode<synchronous>, transform_indices = @transform_3, window_bounds = array<i64: 1, 128>}, {pipeline_mode = #tpu.pipeline_mode<synchronous>, transform_indices = @transform_4, window_bounds = array<i64: 1, 128>}, {pipeline_mode = #tpu.pipeline_mode<synchronous>, transform_indices = @transform_5, window_bounds = array<i64: 128, 128>}, {pipeline_mode = #tpu.pipeline_mode<synchronous>, transform_indices = @transform_6, window_bounds = array<i64: 1, 128>}, {pipeline_mode = #tpu.pipeline_mode<synchronous>, transform_indices = @transform_7, window_bounds = array<i64: 1, 1>}, {pipeline_mode = #tpu.pipeline_mode<synchronous>, transform_indices = @transform_8, window_bounds = array<i64: 1, 1>}]} {
    %get3A = arith.constant 0 : index
    %get3A_0 = arith.constant 0 : index
    %get3A_1 = vector.load %arg7[%get3A, %get3A_0] : memref<1x128xf32, #tpu.memory_space<vmem>>, vector<1x128xf32>
    %neg3A = arith.constant 0.000000e+00 : f32
    %neg3A_2 = vector.broadcast %neg3A : f32 to vector<1x128xf32>
    %neg3A_3 = arith.subf %neg3A_2, %get3A_1 : vector<1x128xf32>
    %mul3A = arith.constant 9.99999974E-5 : f32
    %mul3A_4 = vector.broadcast %mul3A : f32 to vector<1x128xf32>
    %mul3A_5 = arith.mulf %neg3A_3, %mul3A_4 : vector<1x128xf32>
    %exp3A = math.exp %mul3A_5 : vector<1x128xf32>
    %add3A = arith.constant 1.000000e+00 : f32
    %add3A_6 = vector.broadcast %add3A : f32 to vector<1x128xf32>
    %add3A_7 = arith.addf %add3A_6, %exp3A : vector<1x128xf32>
    %div3A = arith.constant 1.000000e+00 : f32
    %div3A_8 = vector.broadcast %div3A : f32 to vector<1x128xf32>
    %div3A_9 = arith.divf %div3A_8, %add3A_7 : vector<1x128xf32>
    %get3A_10 = arith.constant 0 : index
    %get3A_11 = arith.constant 0 : index
    %get3A_12 = vector.load %arg1[%get3A_10, %get3A_11] : memref<2000x128xf32, #tpu.memory_space<vmem>>, vector<2000x128xf32>
    %get3A_13 = arith.constant 0 : index
    %get3A_14 = arith.constant 0 : index
    %get3A_15 = vector.load %arg3[%get3A_13, %get3A_14] : memref<128x128xf32, #tpu.memory_space<vmem>>, vector<128x128xf32>
    %dot_general3A = arith.constant dense<0.000000e+00> : vector<2000x128xf32>
    %dot_general3A_16 = tpu.matmul %get3A_12, %get3A_15, %dot_general3A {dimension_numbers = #tpu.dot_dimension_numbers<[1], [0], [0], [1], [0, 0, 1, 1], [], []>, transpose_lhs_hint = false} : vector<2000x128xf32>, vector<128x128xf32>, vector<2000x128xf32> -> vector<2000x128xf32>
    %get3A_17 = arith.constant 0 : index
    %get3A_18 = arith.constant 0 : index
    %get3A_19 = vector.load %arg4[%get3A_17, %get3A_18] : memref<1x128xf32, #tpu.memory_space<vmem>>, vector<1x128xf32>
    %add3A_20 = vector.broadcast %get3A_19 : vector<1x128xf32> to vector<2000x128xf32>
    %add3A_21 = arith.addf %dot_general3A_16, %add3A_20 : vector<2000x128xf32>
    %gt3A = arith.constant 0.000000e+00 : f32
    %gt3A_22 = vector.broadcast %gt3A : f32 to vector<2000x128xf32>
    %gt3A_23 = arith.cmpf ogt, %add3A_21, %gt3A_22 : vector<2000x128xf32>
    %get3A_24 = arith.constant 0 : index
    %get3A_25 = arith.constant 0 : index
    %get3A_26 = vector.load %arg5[%get3A_24, %get3A_25] : memref<1x128xf32, #tpu.memory_space<vmem>>, vector<1x128xf32>
    %mul3A_27 = vector.broadcast %get3A_26 : vector<1x128xf32> to vector<2000x128xf32>
    %mul3A_28 = arith.mulf %mul3A_27, %add3A_21 : vector<2000x128xf32>
    %select_n3A = arith.select %gt3A_23, %add3A_21, %mul3A_28 : vector<2000x128xi1>, vector<2000x128xf32>
    %get3A_29 = arith.constant 0 : index
    %get3A_30 = arith.constant 0 : index
    %get3A_31 = vector.load %arg6[%get3A_29, %get3A_30] : memref<128x128xf32, #tpu.memory_space<vmem>>, vector<128x128xf32>
    %dot_general3A_32 = arith.constant dense<0.000000e+00> : vector<2000x128xf32>
    %dot_general3A_33 = tpu.matmul %select_n3A, %get3A_31, %dot_general3A_32 {dimension_numbers = #tpu.dot_dimension_numbers<[1], [0], [0], [1], [0, 0, 1, 1], [], []>, transpose_lhs_hint = false} : vector<2000x128xf32>, vector<128x128xf32>, vector<2000x128xf32> -> vector<2000x128xf32>
    %mul3A_34 = vector.broadcast %div3A_9 : vector<1x128xf32> to vector<2000x128xf32>
    %mul3A_35 = arith.mulf %dot_general3A_33, %mul3A_34 : vector<2000x128xf32>
    %reduce_sum3A = arith.constant dense<0.000000e+00> : vector<2000xf32>
    %reduce_sum3A_36 = vector.multi_reduction <add>, %mul3A_35, %reduce_sum3A [1] : vector<2000x128xf32> to vector<2000xf32>
    %broadcast_in_dim3A = vector.shape_cast %reduce_sum3A_36 : vector<2000xf32> to vector<2000x1xf32>
    %get3A_37 = arith.constant 0 : index
    %get3A_38 = arith.constant 0 : index
    %get3A_39 = vector.load %arg8[%get3A_37, %get3A_38] : memref<1x1xf32, #tpu.memory_space<vmem>>, vector<1x1xf32>
    %get3A_40 = vector.extract %get3A_39[0, 0] : f32 from vector<1x1xf32>
    %add3A_41 = vector.broadcast %get3A_40 : f32 to vector<2000x1xf32>
    %add3A_42 = arith.addf %broadcast_in_dim3A, %add3A_41 : vector<2000x1xf32>
    %get3A_43 = arith.constant 0 : index
    %get3A_44 = arith.constant 0 : index
    %get3A_45 = vector.load %arg2[%get3A_43, %get3A_44] : memref<2000x128xf32, #tpu.memory_space<vmem>>, vector<2000x128xf32>
    %get3A_46 = arith.constant 0 : index
    %get3A_47 = arith.constant 0 : index
    %get3A_48 = vector.load %arg3[%get3A_46, %get3A_47] : memref<128x128xf32, #tpu.memory_space<vmem>>, vector<128x128xf32>
    %dot_general3A_49 = arith.constant dense<0.000000e+00> : vector<2000x128xf32>
    %dot_general3A_50 = tpu.matmul %get3A_45, %get3A_48, %dot_general3A_49 {dimension_numbers = #tpu.dot_dimension_numbers<[1], [0], [0], [1], [0, 0, 1, 1], [], []>, transpose_lhs_hint = false} : vector<2000x128xf32>, vector<128x128xf32>, vector<2000x128xf32> -> vector<2000x128xf32>
    %get3A_51 = arith.constant 0 : index
    %get3A_52 = arith.constant 0 : index
    %get3A_53 = vector.load %arg4[%get3A_51, %get3A_52] : memref<1x128xf32, #tpu.memory_space<vmem>>, vector<1x128xf32>
    %add3A_54 = vector.broadcast %get3A_53 : vector<1x128xf32> to vector<2000x128xf32>
    %add3A_55 = arith.addf %dot_general3A_50, %add3A_54 : vector<2000x128xf32>
    %gt3A_56 = arith.constant 0.000000e+00 : f32
    %gt3A_57 = vector.broadcast %gt3A_56 : f32 to vector<2000x128xf32>
    %gt3A_58 = arith.cmpf ogt, %add3A_55, %gt3A_57 : vector<2000x128xf32>
    %get3A_59 = arith.constant 0 : index
    %get3A_60 = arith.constant 0 : index
    %get3A_61 = vector.load %arg5[%get3A_59, %get3A_60] : memref<1x128xf32, #tpu.memory_space<vmem>>, vector<1x128xf32>
    %mul3A_62 = vector.broadcast %get3A_61 : vector<1x128xf32> to vector<2000x128xf32>
    %mul3A_63 = arith.mulf %mul3A_62, %add3A_55 : vector<2000x128xf32>
    %select_n3A_64 = arith.select %gt3A_58, %add3A_55, %mul3A_63 : vector<2000x128xi1>, vector<2000x128xf32>
    %get3A_65 = arith.constant 0 : index
    %get3A_66 = arith.constant 0 : index
    %get3A_67 = vector.load %arg6[%get3A_65, %get3A_66] : memref<128x128xf32, #tpu.memory_space<vmem>>, vector<128x128xf32>
    %dot_general3A_68 = arith.constant dense<0.000000e+00> : vector<2000x128xf32>
    %dot_general3A_69 = tpu.matmul %select_n3A_64, %get3A_67, %dot_general3A_68 {dimension_numbers = #tpu.dot_dimension_numbers<[1], [0], [0], [1], [0, 0, 1, 1], [], []>, transpose_lhs_hint = false} : vector<2000x128xf32>, vector<128x128xf32>, vector<2000x128xf32> -> vector<2000x128xf32>
    %mul3A_70 = vector.broadcast %div3A_9 : vector<1x128xf32> to vector<2000x128xf32>
    %mul3A_71 = arith.mulf %dot_general3A_69, %mul3A_70 : vector<2000x128xf32>
    %reduce_sum3A_72 = arith.constant dense<0.000000e+00> : vector<2000xf32>
    %reduce_sum3A_73 = vector.multi_reduction <add>, %mul3A_71, %reduce_sum3A_72 [1] : vector<2000x128xf32> to vector<2000xf32>
    %broadcast_in_dim3A_74 = vector.shape_cast %reduce_sum3A_73 : vector<2000xf32> to vector<2000x1xf32>
    %get3A_75 = arith.constant 0 : index
    %get3A_76 = arith.constant 0 : index
    %get3A_77 = vector.load %arg8[%get3A_75, %get3A_76] : memref<1x1xf32, #tpu.memory_space<vmem>>, vector<1x1xf32>
    %get3A_78 = vector.extract %get3A_77[0, 0] : f32 from vector<1x1xf32>
    %add3A_79 = vector.broadcast %get3A_78 : f32 to vector<2000x1xf32>
    %add3A_80 = arith.addf %broadcast_in_dim3A_74, %add3A_79 : vector<2000x1xf32>
    %max3A = arith.constant 0.000000e+00 : f32
    %max3A_81 = vector.broadcast %max3A : f32 to vector<2000x1xf32>
    %max3A_82 = arith.maximumf %add3A_42, %max3A_81 : vector<2000x1xf32>
    %sub3A = arith.subf %max3A_82, %add3A_42 : vector<2000x1xf32>
    %abs3A = math.absf %add3A_42 : vector<2000x1xf32>
    %neg3A_83 = arith.constant 0.000000e+00 : f32
    %neg3A_84 = vector.broadcast %neg3A_83 : f32 to vector<2000x1xf32>
    %neg3A_85 = arith.subf %neg3A_84, %abs3A : vector<2000x1xf32>
    %exp3A_86 = math.exp %neg3A_85 : vector<2000x1xf32>
    %add3A_87 = arith.constant 1.000000e+00 : f32
    %add3A_88 = vector.broadcast %add3A_87 : f32 to vector<2000x1xf32>
    %add3A_89 = arith.addf %add3A_88, %exp3A_86 : vector<2000x1xf32>
    %log3A = math.log %add3A_89 : vector<2000x1xf32>
    %add3A_90 = arith.addf %sub3A, %log3A : vector<2000x1xf32>
    %max3A_91 = arith.constant 0.000000e+00 : f32
    %max3A_92 = vector.broadcast %max3A_91 : f32 to vector<2000x1xf32>
    %max3A_93 = arith.maximumf %add3A_80, %max3A_92 : vector<2000x1xf32>
    %abs3A_94 = math.absf %add3A_80 : vector<2000x1xf32>
    %neg3A_95 = arith.constant 0.000000e+00 : f32
    %neg3A_96 = vector.broadcast %neg3A_95 : f32 to vector<2000x1xf32>
    %neg3A_97 = arith.subf %neg3A_96, %abs3A_94 : vector<2000x1xf32>
    %exp3A_98 = math.exp %neg3A_97 : vector<2000x1xf32>
    %add3A_99 = arith.constant 1.000000e+00 : f32
    %add3A_100 = vector.broadcast %add3A_99 : f32 to vector<2000x1xf32>
    %add3A_101 = arith.addf %add3A_100, %exp3A_98 : vector<2000x1xf32>
    %log3A_102 = math.log %add3A_101 : vector<2000x1xf32>
    %add3A_103 = arith.addf %max3A_93, %log3A_102 : vector<2000x1xf32>
    %reduce_sum3A_104 = vector.shape_cast %add3A_90 : vector<2000x1xf32> to vector<1x2000x1xf32>
    %reduce_sum3A_105 = arith.constant dense<0.000000e+00> : vector<1xf32>
    %reduce_sum3A_106 = vector.multi_reduction <add>, %reduce_sum3A_104, %reduce_sum3A_105 [1, 2] : vector<1x2000x1xf32> to vector<1xf32>
    %reduce_sum3A_107 = vector.shape_cast %reduce_sum3A_106 : vector<1xf32> to vector<1x1x1xf32>
    %reduce_sum3A_108 = vector.extract %reduce_sum3A_107[0, 0, 0] : f32 from vector<1x1x1xf32>
    %broadcast_in_dim3A_109 = vector.broadcast %reduce_sum3A_108 : f32 to vector<1x1xf32>
    %reduce_sum3A_110 = vector.shape_cast %add3A_103 : vector<2000x1xf32> to vector<1x2000x1xf32>
    %reduce_sum3A_111 = arith.constant dense<0.000000e+00> : vector<1xf32>
    %reduce_sum3A_112 = vector.multi_reduction <add>, %reduce_sum3A_110, %reduce_sum3A_111 [1, 2] : vector<1x2000x1xf32> to vector<1xf32>
    %reduce_sum3A_113 = vector.shape_cast %reduce_sum3A_112 : vector<1xf32> to vector<1x1x1xf32>
    %reduce_sum3A_114 = vector.extract %reduce_sum3A_113[0, 0, 0] : f32 from vector<1x1x1xf32>
    %broadcast_in_dim3A_115 = vector.broadcast %reduce_sum3A_114 : f32 to vector<1x1xf32>
    %add3A_116 = arith.addf %broadcast_in_dim3A_109, %broadcast_in_dim3A_115 : vector<1x1xf32>
    %mul3A_117 = arith.constant 5.000000e-05 : f32
    %mul3A_118 = vector.broadcast %mul3A_117 : f32 to vector<1x1xf32>
    %mul3A_119 = arith.mulf %add3A_116, %mul3A_118 : vector<1x1xf32>
    %eq3A = arith.constant 0 : i32
    %eq3A_120 = arith.cmpi eq, %arg0, %eq3A : i32
    %convert_element_type3A = arith.extui %eq3A_120 : i1 to i32
    %cond3A = arith.constant 0 : i32
    %cond3A_121 = arith.cmpi ne, %convert_element_type3A, %cond3A : i32
    scf.if %cond3A_121 {
      %broadcast_in_dim3A_128 = arith.constant 0.000000e+00 : f32
      %broadcast_in_dim3A_129 = vector.broadcast %broadcast_in_dim3A_128 : f32 to vector<1x1xf32>
      %swap3A_130 = arith.constant 0 : index
      %swap3A_131 = arith.constant 0 : index
      %swap3A_132 = vector.load %arg9[%swap3A_130, %swap3A_131] : memref<1x1xf32, #tpu.memory_space<vmem>>, vector<1x1xf32>
      tpu.vector_store %arg9[%swap3A_130, %swap3A_131], %broadcast_in_dim3A_129 {strides = array<i32>} : memref<1x1xf32, #tpu.memory_space<vmem>>, vector<1x1xf32>,
    } else {
    }
    %get3A_122 = arith.constant 0 : index
    %get3A_123 = arith.constant 0 : index
    %get3A_124 = vector.load %arg9[%get3A_122, %get3A_123] : memref<1x1xf32, #tpu.memory_space<vmem>>, vector<1x1xf32>
    %add3A_125 = arith.addf %get3A_124, %mul3A_119 : vector<1x1xf32>
    %swap3A = arith.constant 0 : index
    %swap3A_126 = arith.constant 0 : index
    %swap3A_127 = vector.load %arg9[%swap3A, %swap3A_126] : memref<1x1xf32, #tpu.memory_space<vmem>>, vector<1x1xf32>
    tpu.vector_store %arg9[%swap3A, %swap3A_126], %add3A_125 {strides = array<i32>} : memref<1x1xf32, #tpu.memory_space<vmem>>, vector<1x1xf32>,
    return
  }
  func.func @transform_0(%arg0: i32) -> (i32, i32) {
    %c0_i32 = arith.constant 0 : i32
    %c0_i32_0 = arith.constant 0 : i32
    return %arg0, %c0_i32 : i32, i32
  }
  func.func @transform_1(%arg0: i32) -> (i32, i32) {
    %c0_i32 = arith.constant 0 : i32
    %c0_i32_0 = arith.constant 0 : i32
    return %arg0, %c0_i32 : i32, i32
  }
  func.func @transform_2(%arg0: i32) -> (i32, i32) {
    %c0_i32 = arith.constant 0 : i32
    %c0_i32_0 = arith.constant 0 : i32
    %c0_i32_1 = arith.constant 0 : i32
    return %c0_i32, %c0_i32_0 : i32, i32
  }
  func.func @transform_3(%arg0: i32) -> (i32, i32) {
    %c0_i32 = arith.constant 0 : i32
    %c0_i32_0 = arith.constant 0 : i32
    %c0_i32_1 = arith.constant 0 : i32
    return %c0_i32, %c0_i32_0 : i32, i32
  }
  func.func @transform_4(%arg0: i32) -> (i32, i32) {
    %c0_i32 = arith.constant 0 : i32
    %c0_i32_0 = arith.constant 0 : i32
    %c0_i32_1 = arith.constant 0 : i32
    return %c0_i32, %c0_i32_0 : i32, i32
  }
  func.func @transform_5(%arg0: i32) -> (i32, i32) {
    %c0_i32 = arith.constant 0 : i32
    %c0_i32_0 = arith.constant 0 : i32
    %c0_i32_1 = arith.constant 0 : i32
    return %c0_i32, %c0_i32_0 : i32, i32
  }
  func.func @transform_6(%arg0: i32) -> (i32, i32) {
    %c0_i32 = arith.constant 0 : i32
    %c0_i32_0 = arith.constant 0 : i32
    %c0_i32_1 = arith.constant 0 : i32
    return %c0_i32, %c0_i32_0 : i32, i32
  }
  func.func @transform_7(%arg0: i32) -> (i32, i32) {
    %c0_i32 = arith.constant 0 : i32
    %c0_i32_0 = arith.constant 0 : i32
    %c0_i32_1 = arith.constant 0 : i32
    return %c0_i32, %c0_i32_0 : i32, i32
  }
  func.func @transform_8(%arg0: i32) -> (i32, i32) {
    %c0_i32 = arith.constant 0 : i32
    %c0_i32_0 = arith.constant 0 : i32
    %c0_i32_1 = arith.constant 0 : i32
    return %c0_i32, %c0_i32_0 : i32, i32
  }
}

module attributes {stable_mosaic.version = 14 : i64} {
  func.func @_p1_body(%arg0: i32, %arg1: memref<2000x128xf32, #tpu.memory_space<vmem>>, %arg2: memref<128x128xf32, #tpu.memory_space<vmem>>, %arg3: memref<1x128xf32, #tpu.memory_space<vmem>>, %arg4: memref<1x128xf32, #tpu.memory_space<vmem>>, %arg5: memref<1x128xf32, #tpu.memory_space<vmem>>) attributes {dimension_semantics = [#tpu.dimension_semantics<arbitrary>], iteration_bounds = array<i64: 5>, scalar_prefetch = 0 : i64, scratch_operands = 0 : i64, tpu.core_type = #tpu.core_type<tc>, window_params = [{transform_indices = @transform_0, window_bounds = array<i64: 2000, 128>}, {pipeline_mode = #tpu.pipeline_mode<synchronous>, transform_indices = @transform_1, window_bounds = array<i64: 128, 128>}, {pipeline_mode = #tpu.pipeline_mode<synchronous>, transform_indices = @transform_2, window_bounds = array<i64: 1, 128>}, {pipeline_mode = #tpu.pipeline_mode<synchronous>, transform_indices = @transform_3, window_bounds = array<i64: 1, 128>}, {pipeline_mode = #tpu.pipeline_mode<synchronous>, transform_indices = @transform_4, window_bounds = array<i64: 1, 128>}]} {
    %get3A = arith.constant 0 : index
    %get3A_0 = arith.constant 0 : index
    %get3A_1 = vector.load %arg1[%get3A, %get3A_0] : memref<2000x128xf32, #tpu.memory_space<vmem>>, vector<2000x128xf32>
    %get3A_2 = arith.constant 0 : index
    %get3A_3 = arith.constant 0 : index
    %get3A_4 = vector.load %arg2[%get3A_2, %get3A_3] : memref<128x128xf32, #tpu.memory_space<vmem>>, vector<128x128xf32>
    %dot_general3A = arith.constant dense<0.000000e+00> : vector<2000x128xf32>
    %dot_general3A_5 = tpu.matmul %get3A_1, %get3A_4, %dot_general3A {dimension_numbers = #tpu.dot_dimension_numbers<[1], [0], [0], [1], [0, 0, 1, 1], [], []>, transpose_lhs_hint = false} : vector<2000x128xf32>, vector<128x128xf32>, vector<2000x128xf32> -> vector<2000x128xf32>
    %get3A_6 = arith.constant 0 : index
    %get3A_7 = arith.constant 0 : index
    %get3A_8 = vector.load %arg3[%get3A_6, %get3A_7] : memref<1x128xf32, #tpu.memory_space<vmem>>, vector<1x128xf32>
    %add3A = vector.broadcast %get3A_8 : vector<1x128xf32> to vector<2000x128xf32>
    %add3A_9 = arith.addf %dot_general3A_5, %add3A : vector<2000x128xf32>
    %gt3A = arith.constant 0.000000e+00 : f32
    %gt3A_10 = vector.broadcast %gt3A : f32 to vector<2000x128xf32>
    %gt3A_11 = arith.cmpf ogt, %add3A_9, %gt3A_10 : vector<2000x128xf32>
    %get3A_12 = arith.constant 0 : index
    %get3A_13 = arith.constant 0 : index
    %get3A_14 = vector.load %arg4[%get3A_12, %get3A_13] : memref<1x128xf32, #tpu.memory_space<vmem>>, vector<1x128xf32>
    %mul3A = vector.broadcast %get3A_14 : vector<1x128xf32> to vector<2000x128xf32>
    %mul3A_15 = arith.mulf %mul3A, %add3A_9 : vector<2000x128xf32>
    %select_n3A = arith.select %gt3A_11, %add3A_9, %mul3A_15 : vector<2000x128xi1>, vector<2000x128xf32>
    %reduce_sum3A = arith.constant dense<0.000000e+00> : vector<128xf32>
    %reduce_sum3A_16 = vector.multi_reduction <add>, %select_n3A, %reduce_sum3A [0] : vector<2000x128xf32> to vector<128xf32>
    %broadcast_in_dim3A = vector.shape_cast %reduce_sum3A_16 : vector<128xf32> to vector<1x128xf32>
    %eq3A = arith.constant 0 : i32
    %eq3A_17 = arith.cmpi eq, %arg0, %eq3A : i32
    %convert_element_type3A = arith.extui %eq3A_17 : i1 to i32
    %cond3A = arith.constant 0 : i32
    %cond3A_18 = arith.cmpi ne, %convert_element_type3A, %cond3A : i32
    scf.if %cond3A_18 {
      %broadcast_in_dim3A_25 = arith.constant 0.000000e+00 : f32
      %broadcast_in_dim3A_26 = vector.broadcast %broadcast_in_dim3A_25 : f32 to vector<1x128xf32>
      %swap3A_27 = arith.constant 0 : index
      %swap3A_28 = arith.constant 0 : index
      %swap3A_29 = vector.load %arg5[%swap3A_27, %swap3A_28] : memref<1x128xf32, #tpu.memory_space<vmem>>, vector<1x128xf32>
      tpu.vector_store %arg5[%swap3A_27, %swap3A_28], %broadcast_in_dim3A_26 {strides = array<i32>} : memref<1x128xf32, #tpu.memory_space<vmem>>, vector<1x128xf32>,
    } else {
    }
    %get3A_19 = arith.constant 0 : index
    %get3A_20 = arith.constant 0 : index
    %get3A_21 = vector.load %arg5[%get3A_19, %get3A_20] : memref<1x128xf32, #tpu.memory_space<vmem>>, vector<1x128xf32>
    %add3A_22 = arith.addf %get3A_21, %broadcast_in_dim3A : vector<1x128xf32>
    %swap3A = arith.constant 0 : index
    %swap3A_23 = arith.constant 0 : index
    %swap3A_24 = vector.load %arg5[%swap3A, %swap3A_23] : memref<1x128xf32, #tpu.memory_space<vmem>>, vector<1x128xf32>
    tpu.vector_store %arg5[%swap3A, %swap3A_23], %add3A_22 {strides = array<i32>} : memref<1x128xf32, #tpu.memory_space<vmem>>, vector<1x128xf32>,
    return
  }
  func.func @transform_0(%arg0: i32) -> (i32, i32) {
    %c0_i32 = arith.constant 0 : i32
    %c0_i32_0 = arith.constant 0 : i32
    return %arg0, %c0_i32 : i32, i32
  }
  func.func @transform_1(%arg0: i32) -> (i32, i32) {
    %c0_i32 = arith.constant 0 : i32
    %c0_i32_0 = arith.constant 0 : i32
    %c0_i32_1 = arith.constant 0 : i32
    return %c0_i32, %c0_i32_0 : i32, i32
  }
  func.func @transform_2(%arg0: i32) -> (i32, i32) {
    %c0_i32 = arith.constant 0 : i32
    %c0_i32_0 = arith.constant 0 : i32
    %c0_i32_1 = arith.constant 0 : i32
    return %c0_i32, %c0_i32_0 : i32, i32
  }
  func.func @transform_3(%arg0: i32) -> (i32, i32) {
    %c0_i32 = arith.constant 0 : i32
    %c0_i32_0 = arith.constant 0 : i32
    %c0_i32_1 = arith.constant 0 : i32
    return %c0_i32, %c0_i32_0 : i32, i32
  }
  func.func @transform_4(%arg0: i32) -> (i32, i32) {
    %c0_i32 = arith.constant 0 : i32
    %c0_i32_0 = arith.constant 0 : i32
    %c0_i32_1 = arith.constant 0 : i32
    return %c0_i32, %c0_i32_0 : i32, i32
  }
}

</mosaic_0001>

<sc_bundles>
// kernel: kernel.5.cloned.1.call-start
scs
__scs_entry_jumppad:
0x0: {  	(pc) =	sbr.rel $0x88, $3  }
0x1: {  	(tag) =	ssettag $0x0;
	lr =	simm.s32 $0x1  }
0x2: {  	[smem:$0x3F99] =	sst lr;
	_ =	strace $0xD0000000  }
0x3: {  	_ = 	snop  }
0x4: {  	_ = 	snop  }
0x5: {  	_ = 	snop  }
0x6: {  	_ = 	snop  }
0x7: {  	_ = 	snop  }
__scs_overlays_trampoline_lowered:
0x8: {  	[smem:$0x3FA8] =	sst s0  }
0x9: {  	[smem:$0x3FA9] =	sst s1  }
0xa: {  	[smem:$0x3FAA] =	sst s2  }
0xb: {  	[smem:$0x3FAB] =	sst s3  }
0xc: {  	[smem:$0x3FAC] =	sst s4  }
0xd: {  	[smem:$0x3FAD] =	sst s5  }
0xe: {  	[smem:$0x3FAE] =	sst s6  }
0xf: {  	[smem:$0x3FAF] =	sst s7  }
0x10: {  	[smem:$0x3FB0] =	sst s8  }
0x11: {  	[smem:$0x3FB1] =	sst s9;
	s0 =	simm.s32 @!p0 $0x0  }
0x12: {  	s1 =	sld [smem:$0x3F97];
	s0 =	simm.s32 @p0 $0x1  }
0x13: {  	[smem:$0x3FB2] =	sst s0;
	s0 =	simm.s32 @!p1 $0x0  }
0x14: {  	s2 =	sld [smem:$0x3F96];
	s0 =	simm.s32 @p1 $0x1  }
0x15: {  	[smem:$0x3FB3] =	sst s0;
	s0 =	simm.s32 @!p2 $0x0  }
0x16: {  	s3 =	sld [smem:$0x3FDB];
	s0 =	simm.s32 @p2 $0x1  }
0x17: {  	s4 =	simm.s32 $0x1BF5;
	[smem:$0x3FB5] =	sst s0  }
0x18: {  	s0 =	sld [smem:$0x3F98];
	_ =	swait.ge [sflag:s4], $0x0  }
0x19: {  	s7 =	sld [smem:$0x3F99]  }
0x1a: {  	s8 =	sadd.s32 $0xFFFFE003, lr  }
0x1b: {  	s9 =	sadd.s32 $0xFFFFFEF7, lr;
	s5 =	simm.s32 $0xFFFFFFFF;
	p2 =	slt.u32 s8, $0xFFFFF086  }
0x1c: {  	p1 =	slt.u32 s9, $0xF7A;
	s5 =	simm.s32 @!p2 $0x0  }
0x1d: {  	s5 =	simm.s32 @p1 $0x1;
	p0 =	seq.s32 s7, s2  }
0x1e: {  	s7 =	smul.u32 @!p0 $0xF7A, s2;
	p2 =	seq.s32 @!p0 s5, $0x0  }
0x1f: {  	s9 =	smul.u32 $0xF7A, s1;
	s8 =	simm.s32 @!p0 $0x1BF5;
	p2 =	por !p2, p0  }
0x20: {  	[sflag:s8] =	ssyncset.s32 @!p0 $0xFFFFF086;
	s6 =	sadd.s32 @!p0 s3, s7;
	s7 =	simm.s32 @!p0 $0x108  }
0x21: {  	s3 =	sadd.s32 s3, s9;
	s6 =	sadd.s32 @!p0 $0x88, s6;
	s7 =	simm.s32 @p2 $0x1082  }
0x22: {  	[simem:s7], [sflag:s8] =	dma.local @!p0 [hbm:s6], $0xF7A  }
0x23: {  	s9 =	sor.u32 $0xD0000000, s2;
	s6 =	simm.s32 $0x108;
	_ =	swait.ge @!p0 [sflag:s8], $0x0  }
0x24: {  	s3 =	sadd.s32 $0x88, s3;
	s6 =	simm.s32 @!p1 $0x1082;
	[sflag:s4] =	ssyncset.s32 $0xFFFFF086  }
0x25: {  	[simem:s6], [sflag:s4] =	dma.local [hbm:s3], $0xF7A  }
0x26: {  	[smem:$0x3F99] =	sst s1;
	(tag) =	ssettag s2;
	_ =	strace s9  }
0x27: {  	s1 =	sld [smem:$0x3FA9]  }
0x28: {  	s2 =	sld [smem:$0x3FAA]  }
0x29: {  	s4 =	sld [smem:$0x3FAC]  }
0x2a: {  	p0 =	seq.s32 s5, $0x0;
	s5 =	sld [smem:$0x3FAD]  }
0x2b: {  	s6 =	sld [smem:$0x3FAE]  }
0x2c: {  	s7 =	sld [smem:$0x3FAF]  }
0x2d: {  	s3 =	simm.s32 $0x108;
	s8 =	sld [smem:$0x3FB0]  }
0x2e: {  	s3 =	simm.s32 @!p0 $0x1082;
	s9 =	sld [smem:$0x3FB1]  }
0x2f: {  	lr =	sadd.s32 s0, s3;
	s0 =	sld [smem:$0x3FA8]  }
0x30: {  	s3 =	sld [smem:$0x3FAB]  }
0x31: {  	[smem:$0x3FB4] =	sst s10  }
0x32: {  	s10 =	sld [smem:$0x3FB2];
	_ =	sdelay $0x3  }
0x33: {  	p0 =	seq.s32 s10, $0x1;
	s10 =	sld [smem:$0x3FB4];
	_ =	sdelay $0x3  }
0x34: {  	[smem:$0x3FB4] =	sst s10  }
0x35: {  	s10 =	sld [smem:$0x3FB3];
	_ =	sdelay $0x3  }
0x36: {  	p1 =	seq.s32 s10, $0x1;
	s10 =	sld [smem:$0x3FB4];
	_ =	sdelay $0x3  }
0x37: {  	[smem:$0x3FB4] =	sst s10  }
0x38: {  	s10 =	sld [smem:$0x3FB5]  }
0x39: {  	_ = 	snop;
	(pc) =	sbr.ind lr, $3  }
0x3a: {  	_ = 	snop  }
0x3b: {  	_ = 	snop  }
0x3c: {  	p2 =	seq.s32 s10, $0x1;
	s10 =	sld [smem:$0x3FB4]  }
0x3d: {  	_ =	shalt  }
0x3e: {  	_ =	shalt  }
0x3f: {  	_ =	shalt  }
0x40: {  	_ =	shalt  }
0x41: {  	_ =	shalt  }
0x42: {  	_ =	shalt  }
0x43: {  	_ =	shalt  }
0x44: {  	_ =	shalt  }
0x45: {  	_ =	shalt  }
0x46: {  	_ =	shalt  }
0x47: {  	_ =	shalt  }
0x48: {  	_ =	shalt  }
0x49: {  	_ =	shalt  }
0x4a: {  	_ =	shalt  }
0x4b: {  	_ =	shalt  }
0x4c: {  	_ =	shalt  }
0x4d: {  	_ =	shalt  }
0x4e: {  	_ =	shalt  }
0x4f: {  	_ =	shalt  }
0x50: {  	_ =	shalt  }
0x51: {  	_ =	shalt  }
0x52: {  	_ =	shalt  }
0x53: {  	_ =	shalt  }
0x54: {  	_ =	shalt  }
0x55: {  	_ =	shalt  }
0x56: {  	_ =	shalt  }
0x57: {  	_ =	shalt  }
0x58: {  	_ =	shalt  }
0x59: {  	_ =	shalt  }
0x5a: {  	_ =	shalt  }
0x5b: {  	_ =	shalt  }
0x5c: {  	_ =	shalt  }
0x5d: {  	_ =	shalt  }
0x5e: {  	_ =	shalt  }
0x5f: {  	_ =	shalt  }
0x60: {  	_ =	shalt  }
0x61: {  	_ =	shalt  }
0x62: {  	_ =	shalt  }
0x63: {  	_ =	shalt  }
0x64: {  	_ =	shalt  }
0x65: {  	_ =	shalt  }
0x66: {  	_ =	shalt  }
0x67: {  	_ =	shalt  }
0x68: {  	_ =	shalt  }
0x69: {  	_ =	shalt  }
0x6a: {  	_ =	shalt  }
0x6b: {  	_ =	shalt  }
0x6c: {  	_ =	shalt  }
0x6d: {  	_ =	shalt  }
0x6e: {  	_ =	shalt  }
0x6f: {  	_ =	shalt  }
0x70: {  	_ =	shalt  }
0x71: {  	_ =	shalt  }
0x72: {  	_ =	shalt  }
0x73: {  	_ =	shalt  }
0x74: {  	_ =	shalt  }
0x75: {  	_ =	shalt  }
0x76: {  	_ =	shalt  }
0x77: {  	_ =	shalt  }
0x78: {  	_ =	shalt  }
0x79: {  	_ =	shalt  }
0x7a: {  	_ =	shalt  }
0x7b: {  	_ =	shalt  }
0x7c: {  	_ =	shalt  }
0x7d: {  	_ =	shalt  }
0x7e: {  	_ =	shalt  }
0x7f: {  	_ =	shalt  }
0x80: {  	_ =	shalt  }
0x81: {  	_ =	shalt  }
0x82: {  	_ =	shalt  }
0x83: {  	_ =	shalt  }
0x84: {  	_ =	shalt  }
0x85: {  	_ =	shalt  }
0x86: {  	_ =	shalt  }
0x87: {  	_ =	shalt  }
.Lfunc_end0:
.L_simem_size_0:
called_computation_lowered:
.L_overlay_start_0:
0x88: {  	s2 =	sld [smem:$0x3FD9]  }
0x89: {  	s3 =	sld [smem:$0x3FFE];
	_ =	sdelay $0x1  }
0x8a: {  	s1 =	srdreg.scid  }
0x8b: {  	s0 =	sand.u32 $0x1, s1  }
0x8c: {  	s16 =	sshll.u32 s0, $0xA;
	s2 =	sadd.s32 s3, s2  }
0x8d: {  	s2 =	sadd.s32 s2, s16  }
0x8e: {  	[smem:$0x3FC0] =	sst s2  }
0x8f: {  	_ = 	snop  }
0x90: {  	(tm) =	ssettm $0x1  }
0x91: {  	s17 =	sld [smem:$0x3FFB];
	_ =	sdelay $0x3  }
0x92: {  	_ =	strace s17  }
0x93: {  	s2 =	sld [smem:$0x3FFC];
	_ =	sdelay $0x3  }
0x94: {  	_ =	strace s2  }
0x95: {  	s2 =	sld [smem:$0x3FFD];
	_ =	sdelay $0x3  }
0x96: {  	_ =	strace s2  }
0x97: {  	_ =	strace $0x8FFFFFFF  }
0x98: {  	s18 =	sld [smem:$0x3FDB];
	_ =	sdelay $0x1  }
0x99: {  	s19 =	simm.s32 $_scs_section_size  }
0x9a: {  	s4 =	simm.s32 $_size__tile_overlayer_lowered;
	s5 =	simm.s32 $_tile_overlayer_lowered  }
0x9b: {  	s22 =	simm.s32 $0x1BFF;
	s21 =	sshll.u32 s5, $0x1;
	s2 =	sadd.s32 s19, s18  }
0x9c: {  	s6 =	simm.s32 $0x0;
	s20 =	sshll.u32 s4, $0x1;
	s4 =	sadd.s32 s21, s2  }
0x9d: {  	[timem:s6], [sflag:s22] =	dma.local [hbm:s4], s20  }
0x9e: {  	_ =	swait.ge [sflag:s22], s20  }
0x9f: {  	s3 =	ssub.s32 $0x0, s20;
	[sflag:s22] =	ssyncset.done $0x0  }
0xa0: {  	[sflag:s22] =	ssyncadd.s32 s3;
	_ =	sdelay $0x1  }
0xa1: {  	s23 =	simm.s32 $0x1B8B  }
0xa2: {  	_ =	swait.ge [sflag:s23], $0x1  }
0xa3: {  	[sflag:s23] =	ssyncset.done $0x0  }
0xa4: {  	s25 =	simm.s32 $0x1B8E;
	s24 =	sld [smem:$0x3FFE];
	[sflag:s23] =	ssyncadd.s32 $0xFFFFFFFF  }
0xa5: {  	s26 =	simm.s32 $execute0_lowered;
	[smem:$0x3FD2] =	sst s25  }
0xa6: {  	s4 =	sshll.u32 s26, $0x1;
	_ =	strace $0x80000046;
	[dreg:$0x1] =	wrdreg $0xFFFFFFFF  }
0xa7: {  	s28 =	simm.s32 $_size_execute0_lowered;
	s2 =	sadd.s32 s2, s4;
	[dreg:$0x0] =	wrdreg $0x0  }
0xa8: {  	s4 =	sshll.u32 s28, $0x1;
	[dreg:$0x2] =	wrdreg s2  }
0xa9: {  	[dreg:$0x3] =	wrdreg s4  }
0xaa: {  	[dreg:$0x4] =	wrdreg $0xC0  }
0xab: {  	_ =	task [dreg:s6], $0x5FFFF  }
0xac: {  	[dreg:$0x1] =	wrdreg $0xFFFFFFFF  }
0xad: {  	[dreg:$0x0] =	wrdreg $0x60  }
0xae: {  	[dreg:$0x2] =	wrdreg s24  }
0xaf: {  	[dreg:$0x3] =	wrdreg $0x0  }
0xb0: {  	[dreg:$0x4] =	wrdreg $0x9  }
0xb1: {  	_ =	task.clear_ibuf [dreg:s6], $0x5FFFF;
	_ =	strace $0x90000046  }
0xb2: {  	s29 =	simm.s32 $0x9;
	_ =	strace $0x80000048  }
0xb3: {  	_ =	swait.ge [sflag:s29], $0x1  }
0xb4: {  	[sflag:s29] =	ssyncadd.s32 $0xFFFFFFFF  }
0xb5: {  	_ =	strace $0x90000048  }
0xb6: {  	_ =	sfence  }
0xb7: {  	s30 =	sld [smem:$0x0];
	_ =	sdelay $0x2  }
0xb8: {  	s31 =	sshll.u32 s1, $0xD;
	s1 =	sshrl.u32 s1, $0x2  }
0xb9: {  	s3 =	sand.u32 $0x4000, s31;
	s1 =	sadd.s32 s1, s30  }
0xba: {  	s0 =	sor.u32 s3, s0;
	s1 =	sshll.u32 s1, $0x11  }
0xbb: {  	s0 =	sor.u32 s1, s0  }
0xbc: {  	s0 =	sadd.s32 $0x8F2B, s0  }
0xbd: {  	[sflag:s0] =	ssyncadd.remote.s32 $0x1  }
0xbe: {  	_ =	sfence.sel $0xFFFF  }
0xbf: {  	[dreg:$0x0] =	wrdreg $0xFFFFFFFF;
	(pc) =	sbr.abs _section_cstart, $3  }
0xc0: {  	[dreg:$0x1] =	wrdreg $0xFFFFFFFF  }
0xc1: {  	_ =	task.clear_ibuf [dreg:s6], $0x2FFFF;
	_ =	strace $0x9FFFFFFF  }
0xc2: {  	(tm) =	ssettm $0x7FFFFFFF  }
0xc3: {  	_ =	shalt  }
tec
execute0_lowered:
.L_overlay_start_1:
0x0: {  	(tag) =	ssettag $0x1  }
0x1: {  	s0 =	rddreg [dreg:$0x0]  }
0x2: {  	s2 =	rddreg [dreg:$0x1];
	s14 =	simm.s32 $0x0  }
0x3: {  	s12 =	stileid.u32;
	s3 =	srdreg.scid;
	s29 =	simm.s32 $0x5  }
0x4: {  	s28 =	simm.s32 $0x3;
	[smem:$0x7FF] =	sst s14;
	s4 =	sadd.s32 $0x2A400, s0  }
0x5: {  	s1 =	sshll.u32 s12, $0x8;
	s5 =	sadd.s32 $0x1400, s0;
	s9 =	smul.u32 $0x50000, s12  }
0x6: {  	s6 =	sadd.s32 $0x15400, s0;
	s7 =	sadd.s32 $0x52400, s0;
	s11 =	smul.u32 $0x14000, s12  }
0x7: {  	s3 =	sand.u32 $0x1, s3;
	s8 =	sadd.s32 $0x54C00, s0;
	s13 =	smul.u32 $0x2800, s12  }
0x8: {  	s10 =	sadd.s32 $0x7CC00, s0;
	s26 =	sshll.u32 s12, $0x6;
	s22 =	smul.u32 $0x1400, s12  }
0x9: {  	_ =	strace $0x80000047;
	s1 =	sadd.s32 s1, s0;
	[dreg:$0x4] =	wrdreg s7  }
0xa: {  	s23 =	ssub.s32 $0x2, s3;
	[dreg:$0x5] =	wrdreg s10;
	s0 =	sadd.s32 $0xA4C00, s0  }
0xb: {  	p0 =	seq.s32 s3, $0x0;
	s3 =	simm.s32 $0x4;
	[dreg:$0x6] =	wrdreg s0  }
0xc: {  	s31 =	sshrl.u32 s11, $0x3;
	s1 =	sadd.s32 $0x29400, s1;
	[dreg:$0xa] =	wrdreg s13  }
0xd: {  	s11 =	sor.u32 $0x1C0B, s26;
	s26 =	sadd.s32 s8, s13;
	[dreg:$0x9] =	wrdreg s1  }
0xe: {  	s24 =	sshrl.u32 s23, $0x1;
	s25 =	sshrl.u32 s9, $0x2;
	[dreg:$0x15] =	wrdreg s26  }
0xf: {  	s13 =	simm.s32 $0x15000;
	s7 =	sadd.s32 s25, s2;
	[dreg:$0x8] =	wrdreg s11  }
0x10: {  	s0 =	ssub.s32 s23, s24;
	s24 =	sadd.s32 s5, s22;
	[dreg:$0x7] =	wrdreg s7  }
0x11: {  	s9 =	simm.s32 $0x17000;
	s25 =	sadd.s32 s6, s22;
	[dreg:$0x13] =	wrdreg s24  }
0x12: {  	s10 =	sadd.s32 s8, s31;
	s31 =	sadd.s32 $0x400, s26;
	[dreg:$0x14] =	wrdreg s25  }
0x13: {  	s23 =	smul.u32 $0xA, s12;
	s15 =	sadd.s32 $0x800, s10;
	[dreg:$0x17] =	wrdreg s31  }
0x14: {  	s22 =	simm.s32 $0x1;
	s16 =	sadd.s32 $0xC00, s10;
	[dreg:$0xb] =	wrdreg s15  }
0x15: {  	s12 =	simm.s32 $0x7;
	s17 =	sadd.s32 $0x1000, s10;
	[dreg:$0xc] =	wrdreg s16  }
0x16: {  	s26 =	simm.s32 $0x9;
	s18 =	sadd.s32 $0x1400, s10;
	[dreg:$0xd] =	wrdreg s17  }
0x17: {  	s19 =	sadd.s32 $0x1800, s10;
	s20 =	sadd.s32 $0x1C00, s10;
	[dreg:$0xe] =	wrdreg s18  }
0x18: {  	s21 =	sadd.s32 $0x2000, s10;
	s1 =	sadd.s32 $0x2400, s10;
	[dreg:$0xf] =	wrdreg s19  }
0x19: {  	s0 =	smax.u32 s0, $0x1;
	s10 =	simm.s32 $0x18000;
	[dreg:$0x10] =	wrdreg s20  }
.Ltmp0:
0x1a: {  	s7 =	simm.s32 $0x2;
	[dreg:$0x11] =	wrdreg s21;
	(pc) =	sbr.rel .LBB2_1-.Ltmp0, $4  }
0x1b: {  	s24 =	simm.s32 $0x6;
	s25 =	simm.s32 $0xA;
	[dreg:$0x12] =	wrdreg s1  }
0x1c: {  	[dreg:$0x16] =	wrdreg s0;
	s30 =	sor.u32 $0x1, s23;
	s16 =	simm.s32 $0xB  }
0x1d: {  	s0 =	simm.s32 $0x14000;
	s15 =	simm.s32 $0x40;
	s17 =	simm.s32 $0x1A000  }
0x1e: {  	s19 =	simm.s32 $0x1C000;
	s21 =	simm.s32 $0x1E000;
	s18 =	simm.s32 $0x8  }
.LBB2_16:
0x1f: {  	s11 =	rddreg [dreg:$0xa];
	[bflag:$0x0] =	sbarrier.arrive $0xFFFF  }
0x20: {  	s1 =	sadd.s32 s1, s11;
	s11 =	rddreg [dreg:$0x8]  }
0x21: {  	s16 =	rddreg [dreg:$0x18]  }
0x22: {  	[hbm:s1], [sflag:s11] =	dma.local [spmem:s16], $0x2800  }
0x23: {  	s16 =	simm.s32 $0xB  }
0x24: {  	_ =	swait.ge [sflag:s16], $0x2800  }
0x25: {  	s14 =	sadd.s32 $0x1, s14;
	s31 =	rddreg [dreg:$0x16]  }
0x26: {  	p1 =	sne.s32 s14, s31  }
.Ltmp1:
0x27: {  	_ = 	snop;
	(pc) =	sbr.rel @!p1 .LBB2_17-.Ltmp1, $3  }
0x28: {  	_ =	sdelay $0x1  }
0x29: {  	[sflag:s16] =	ssyncset.done $0x0  }
0x2a: {  	[sflag:s16] =	ssyncadd.s32 $0xFFFFD800  }
.LBB2_1:
0x2b: {  	[dreg:$0x3] =	wrdreg s14  }
0x2c: {  	s1 =	rddreg [dreg:$0x7]  }
0x2d: {  	s31 =	rddreg [dreg:$0x4];
	s20 =	sshrl.u32 s1, $0x3  }
.Ltmp2:
0x2e: {  	[dreg:$0x18] =	wrdreg s20;
	(pc) =	sbr.rel @!p0 .LBB2_2-.Ltmp2, $4  }
0x2f: {  	[spmem:s20], [sflag:s11] =	dma.local [hbm:s31], $0x2800  }
0x30: {  	_ =	swait.ge [sflag:s16], $0x2800  }
0x31: {  	[sflag:s16] =	ssyncset.done $0x0  }
0x32: {  	[sflag:s16] =	ssyncadd.s32 $0xFFFFD800  }
0x33: {  	[bflag:$0x0] =	sbarrier.arrive $0xFFFF  }
0x34: {  	s1 =	simm.s32 $0x0;
	s11 =	rddreg [dreg:$0x13]  }
0x35: {  	[tilespmem:s0], [sflag:$0xB] =	stream.linear.gather [hbm4b:s11+s1], $0x1000, $0x38;
	v63 =	vld [tilespmem:$0x0]  }
0x36: {  	_ =	swait.ge [sflag:s16], $0x1000  }
0x37: {  	[sflag:s16] =	ssyncset.done $0x0  }
0x38: {  	s14 =	simm.s32 $0x16000;
	s20 =	rddreg [dreg:$0x14];
	[sflag:s16] =	ssyncadd.s32 $0xFFFFF000  }
0x39: {  	[tilespmem:s14], [sflag:$0xB] =	stream.linear.gather [hbm4b:s20+s1], $0x1000, $0x38;
	v63 =	vld [tilespmem:$0x0]  }
0x3a: {  	_ =	swait.ge [sflag:s16], $0x1000  }
0x3b: {  	[sflag:s16] =	ssyncset.done $0x0  }
0x3c: {  	s31 =	simm.s32 $0x0;
	[sflag:s16] =	ssyncadd.s32 $0xFFFFF000  }
.LBB2_10:
0x3d: {  	p1 =	seq.s32 s31, $0x0  }
0x3e: {  	s11 =	simm.s32 @!p1 $0x9  }
0x3f: {  	_ =	swait.ge @!p1 [sflag:s11], $0x1000  }
0x40: {  	s20 =	sshll.u32 s31, $0x1;
	[sflag:s11] =	ssyncset.done @!p1 $0x0  }
0x41: {  	s16 =	sadd.s32 s23, s20;
	[sflag:s11] =	ssyncadd.s32 @!p1 $0xFFFFF000;
	s11 =	simm.s32 @!p1 $0xA  }
0x42: {  	s16 =	sshll.u32 s16, $0x9;
	_ =	swait.ge @!p1 [sflag:s11], $0x1000  }
0x43: {  	s16 =	sor.u32 $0x200, s16;
	[sflag:s11] =	ssyncset.done @!p1 $0x0  }
0x44: {  	s14 =	sadd.s32 s5, s16;
	[sflag:s11] =	ssyncadd.s32 @!p1 $0xFFFFF000  }
0x45: {  	[tilespmem:s13], [sflag:$0x9] =	stream.linear.gather [hbm4b:s14+s1], $0x1000, $0x38;
	v63 =	vld [tilespmem:$0x0]  }
0x46: {  	s14 =	sadd.s32 s6, s16  }
0x47: {  	[tilespmem:s9], [sflag:$0xA] =	stream.linear.gather [hbm4b:s14+s1], $0x1000, $0x38;
	v63 =	vld [tilespmem:$0x0]  }
0x48: {  	s16 =	simm.s32 $0x16000  }
0x49: {  	[tilespmem:s10], [sflag:$0x1] =	stream.indirect.gather [hbm4b:s4+s15], $0x80, s16, s15, $0xb8;
	v63 =	vld [tilespmem:$0x0]  }
0x4a: {  	s14 =	simm.s32 $0x16080  }
0x4b: {  	[tilespmem:s17], [sflag:$0x2] =	stream.indirect.gather [hbm4b:s4+s15], $0x80, s14, s15, $0xb8;
	v63 =	vld [tilespmem:$0x0]  }
0x4c: {  	s16 =	simm.s32 $0x16100  }
0x4d: {  	[tilespmem:s19], [sflag:$0x3] =	stream.indirect.gather [hbm4b:s4+s15], $0x80, s16, s15, $0xb8;
	v63 =	vld [tilespmem:$0x0]  }
0x4e: {  	s14 =	simm.s32 $0x16180  }
0x4f: {  	[tilespmem:s21], [sflag:$0x4] =	stream.indirect.gather [hbm4b:s4+s15], $0x80, s14, s15, $0xb8;
	v63 =	vld [tilespmem:$0x0]  }
0x50: {  	_ =	swait.ge [sflag:s22], $0x2000  }
0x51: {  	[sflag:s22] =	ssyncset.done $0x0  }
0x52: {  	[sflag:s22] =	ssyncadd.s32 $0xFFFFE000  }
0x53: {  	[spmem:s2] =	stream.indirect.scatter.add.f32 [tilespmem:s10], [sflag:$0x5], $0x80, s0, s15, $0xb8;
	v63 =	vld [tilespmem:$0x0]  }
0x54: {  	_ =	swait.ge [sflag:s29], $0x2000  }
0x55: {  	[sflag:s29] =	ssyncset.done $0x0  }
0x56: {  	s16 =	simm.s32 $0x16200;
	[sflag:s29] =	ssyncadd.s32 $0xFFFFE000  }
0x57: {  	[tilespmem:s10], [sflag:$0x1] =	stream.indirect.gather [hbm4b:s4+s15], $0x80, s16, s15, $0xb8;
	v63 =	vld [tilespmem:$0x0]  }
0x58: {  	_ =	swait.ge [sflag:s7], $0x2000  }
0x59: {  	[sflag:s7] =	ssyncset.done $0x0  }
0x5a: {  	s14 =	simm.s32 $0x14080;
	[sflag:s7] =	ssyncadd.s32 $0xFFFFE000  }
0x5b: {  	[spmem:s2] =	stream.indirect.scatter.add.f32 [tilespmem:s17], [sflag:$0x6], $0x80, s14, s15, $0xb8;
	v63 =	vld [tilespmem:$0x0]  }
0x5c: {  	_ =	swait.ge [sflag:s24], $0x2000  }
0x5d: {  	[sflag:s24] =	ssyncset.done $0x0  }
0x5e: {  	s16 =	simm.s32 $0x16280;
	[sflag:s24] =	ssyncadd.s32 $0xFFFFE000  }
0x5f: {  	[tilespmem:s17], [sflag:$0x2] =	stream.indirect.gather [hbm4b:s4+s15], $0x80, s16, s15, $0xb8;
	v63 =	vld [tilespmem:$0x0]  }
0x60: {  	_ =	swait.ge [sflag:s28], $0x2000  }
0x61: {  	[sflag:s28] =	ssyncset.done $0x0  }
0x62: {  	s14 =	simm.s32 $0x14100;
	[sflag:s28] =	ssyncadd.s32 $0xFFFFE000  }
0x63: {  	[spmem:s2] =	stream.indirect.scatter.add.f32 [tilespmem:s19], [sflag:$0x7], $0x80, s14, s15, $0xb8;
	v63 =	vld [tilespmem:$0x0]  }
0x64: {  	_ =	swait.ge [sflag:s12], $0x2000  }
0x65: {  	[sflag:s12] =	ssyncset.done $0x0  }
0x66: {  	s16 =	simm.s32 $0x16300;
	[sflag:s12] =	ssyncadd.s32 $0xFFFFE000  }
0x67: {  	[tilespmem:s19], [sflag:$0x3] =	stream.indirect.gather [hbm4b:s4+s15], $0x80, s16, s15, $0xb8;
	v63 =	vld [tilespmem:$0x0]  }
0x68: {  	_ =	swait.ge [sflag:s3], $0x2000  }
0x69: {  	[sflag:s3] =	ssyncset.done $0x0  }
0x6a: {  	s14 =	simm.s32 $0x14180;
	[sflag:s3] =	ssyncadd.s32 $0xFFFFE000  }
0x6b: {  	[spmem:s2] =	stream.indirect.scatter.add.f32 [tilespmem:s21], [sflag:$0x8], $0x80, s14, s15, $0xb8;
	v63 =	vld [tilespmem:$0x0]  }
0x6c: {  	_ =	swait.ge [sflag:s18], $0x2000  }
0x6d: {  	[sflag:s18] =	ssyncset.done $0x0  }
0x6e: {  	s16 =	simm.s32 $0x16380;
	[sflag:s18] =	ssyncadd.s32 $0xFFFFE000  }
0x6f: {  	[tilespmem:s21], [sflag:$0x4] =	stream.indirect.gather [hbm4b:s4+s15], $0x80, s16, s15, $0xb8;
	v63 =	vld [tilespmem:$0x0]  }
0x70: {  	_ =	swait.ge [sflag:s22], $0x2000  }
0x71: {  	[sflag:s22] =	ssyncset.done $0x0  }
0x72: {  	s14 =	simm.s32 $0x14200;
	[sflag:s22] =	ssyncadd.s32 $0xFFFFE000  }
0x73: {  	[spmem:s2] =	stream.indirect.scatter.add.f32 [tilespmem:s10], [sflag:$0x5], $0x80, s14, s15, $0xb8;
	v63 =	vld [tilespmem:$0x0]  }
0x74: {  	_ =	swait.ge [sflag:s29], $0x2000  }
0x75: {  	[sflag:s29] =	ssyncset.done $0x0  }
0x76: {  	s16 =	simm.s32 $0x16400;
	[sflag:s29] =	ssyncadd.s32 $0xFFFFE000  }
0x77: {  	[tilespmem:s10], [sflag:$0x1] =	stream.indirect.gather [hbm4b:s4+s15], $0x80, s16, s15, $0xb8;
	v63 =	vld [tilespmem:$0x0]  }
0x78: {  	_ =	swait.ge [sflag:s7], $0x2000  }
0x79: {  	[sflag:s7] =	ssyncset.done $0x0  }
0x7a: {  	s14 =	simm.s32 $0x14280;
	[sflag:s7] =	ssyncadd.s32 $0xFFFFE000  }
0x7b: {  	[spmem:s2] =	stream.indirect.scatter.add.f32 [tilespmem:s17], [sflag:$0x6], $0x80, s14, s15, $0xb8;
	v63 =	vld [tilespmem:$0x0]  }
0x7c: {  	_ =	swait.ge [sflag:s24], $0x2000  }
0x7d: {  	[sflag:s24] =	ssyncset.done $0x0  }
0x7e: {  	s16 =	simm.s32 $0x16480;
	[sflag:s24] =	ssyncadd.s32 $0xFFFFE000  }
0x7f: {  	[tilespmem:s17], [sflag:$0x2] =	stream.indirect.gather [hbm4b:s4+s15], $0x80, s16, s15, $0xb8;
	v63 =	vld [tilespmem:$0x0]  }
0x80: {  	_ =	swait.ge [sflag:s28], $0x2000  }
0x81: {  	[sflag:s28] =	ssyncset.done $0x0  }
0x82: {  	s14 =	simm.s32 $0x14300;
	[sflag:s28] =	ssyncadd.s32 $0xFFFFE000  }
0x83: {  	[spmem:s2] =	stream.indirect.scatter.add.f32 [tilespmem:s19], [sflag:$0x7], $0x80, s14, s15, $0xb8;
	v63 =	vld [tilespmem:$0x0]  }
0x84: {  	_ =	swait.ge [sflag:s12], $0x2000  }
0x85: {  	[sflag:s12] =	ssyncset.done $0x0  }
0x86: {  	s16 =	simm.s32 $0x16500;
	[sflag:s12] =	ssyncadd.s32 $0xFFFFE000  }
0x87: {  	[tilespmem:s19], [sflag:$0x3] =	stream.indirect.gather [hbm4b:s4+s15], $0x80, s16, s15, $0xb8;
	v63 =	vld [tilespmem:$0x0]  }
0x88: {  	_ =	swait.ge [sflag:s3], $0x2000  }
0x89: {  	[sflag:s3] =	ssyncset.done $0x0  }
0x8a: {  	s11 =	simm.s32 $0x800;
	s16 =	simm.s32 $0x14380;
	[sflag:s3] =	ssyncadd.s32 $0xFFFFE000  }
.LBB2_11:
0x8b: {  	[spmem:s2] =	stream.indirect.scatter.add.f32 [tilespmem:s21], [sflag:$0x8], $0x80, s16, s15, $0xb8;
	v63 =	vld [tilespmem:$0x0]  }
0x8c: {  	s16 =	smov.u32 s11  }
0x8d: {  	p1 =	sne.s32 s11, $0x2800;
	s11 =	sadd.s32 $0x800, s11;
	_ =	swait.ge [sflag:s18], $0x2000  }
0x8e: {  	s16 =	sshra.s32 s16, $0x2;
	[sflag:s18] =	ssyncset.done $0x0  }
0x8f: {  	s14 =	sadd.s32 $0x16380, s16;
	[sflag:s18] =	ssyncadd.s32 $0xFFFFE000  }
0x90: {  	[tilespmem:s21], [sflag:$0x4] =	stream.indirect.gather [hbm4b:s4+s15], $0x80, s14, s15, $0xb8;
	v63 =	vld [tilespmem:$0x0]  }
0x91: {  	_ =	swait.ge [sflag:s22], $0x2000  }
0x92: {  	[sflag:s22] =	ssyncset.done $0x0  }
0x93: {  	s14 =	sadd.s32 $0x14200, s16;
	[sflag:s22] =	ssyncadd.s32 $0xFFFFE000  }
0x94: {  	[spmem:s2] =	stream.indirect.scatter.add.f32 [tilespmem:s10], [sflag:$0x5], $0x80, s14, s15, $0xb8;
	v63 =	vld [tilespmem:$0x0]  }
0x95: {  	_ =	swait.ge [sflag:s29], $0x2000  }
0x96: {  	[sflag:s29] =	ssyncset.done $0x0  }
0x97: {  	s14 =	sadd.s32 $0x16400, s16;
	[sflag:s29] =	ssyncadd.s32 $0xFFFFE000  }
0x98: {  	[tilespmem:s10], [sflag:$0x1] =	stream.indirect.gather [hbm4b:s4+s15], $0x80, s14, s15, $0xb8;
	v63 =	vld [tilespmem:$0x0]  }
0x99: {  	_ =	swait.ge [sflag:s7], $0x2000  }
0x9a: {  	[sflag:s7] =	ssyncset.done $0x0  }
0x9b: {  	s14 =	sadd.s32 $0x14280, s16;
	[sflag:s7] =	ssyncadd.s32 $0xFFFFE000  }
0x9c: {  	[spmem:s2] =	stream.indirect.scatter.add.f32 [tilespmem:s17], [sflag:$0x6], $0x80, s14, s15, $0xb8;
	v63 =	vld [tilespmem:$0x0]  }
0x9d: {  	_ =	swait.ge [sflag:s24], $0x2000  }
0x9e: {  	[sflag:s24] =	ssyncset.done $0x0  }
0x9f: {  	s14 =	sadd.s32 $0x16480, s16;
	[sflag:s24] =	ssyncadd.s32 $0xFFFFE000  }
0xa0: {  	[tilespmem:s17], [sflag:$0x2] =	stream.indirect.gather [hbm4b:s4+s15], $0x80, s14, s15, $0xb8;
	v63 =	vld [tilespmem:$0x0]  }
0xa1: {  	_ =	swait.ge [sflag:s28], $0x2000  }
0xa2: {  	[sflag:s28] =	ssyncset.done $0x0  }
0xa3: {  	s14 =	sadd.s32 $0x14300, s16;
	[sflag:s28] =	ssyncadd.s32 $0xFFFFE000  }
0xa4: {  	[spmem:s2] =	stream.indirect.scatter.add.f32 [tilespmem:s19], [sflag:$0x7], $0x80, s14, s15, $0xb8;
	v63 =	vld [tilespmem:$0x0]  }
0xa5: {  	_ =	swait.ge [sflag:s12], $0x2000  }
0xa6: {  	[sflag:s12] =	ssyncset.done $0x0  }
.Ltmp3:
0xa7: {  	s14 =	sadd.s32 $0x16500, s16;
	[sflag:s12] =	ssyncadd.s32 $0xFFFFE000;
	(pc) =	sbr.rel @p1 .LBB2_11-.Ltmp3, $4  }
0xa8: {  	[tilespmem:s19], [sflag:$0x3] =	stream.indirect.gather [hbm4b:s4+s15], $0x80, s14, s15, $0xb8;
	v63 =	vld [tilespmem:$0x0]  }
0xa9: {  	_ =	swait.ge [sflag:s3], $0x2000  }
0xaa: {  	[sflag:s3] =	ssyncset.done $0x0  }
0xab: {  	s16 =	sadd.s32 $0x14380, s16;
	[sflag:s3] =	ssyncadd.s32 $0xFFFFE000  }
0xac: {  	[spmem:s2] =	stream.indirect.scatter.add.f32 [tilespmem:s21], [sflag:$0x8], $0x80, s16, s15, $0xb8;
	v63 =	vld [tilespmem:$0x0]  }
0xad: {  	_ =	swait.ge [sflag:s18], $0x2000  }
0xae: {  	[sflag:s18] =	ssyncset.done $0x0  }
0xaf: {  	s11 =	simm.s32 $0x16F80;
	[sflag:s18] =	ssyncadd.s32 $0xFFFFE000  }
0xb0: {  	[tilespmem:s21], [sflag:$0x4] =	stream.indirect.gather [hbm4b:s4+s15], $0x80, s11, s15, $0xb8;
	v63 =	vld [tilespmem:$0x0]  }
0xb1: {  	_ =	swait.ge [sflag:s22], $0x2000  }
0xb2: {  	[sflag:s22] =	ssyncset.done $0x0  }
0xb3: {  	s14 =	simm.s32 $0x14E00;
	[sflag:s22] =	ssyncadd.s32 $0xFFFFE000  }
0xb4: {  	[spmem:s2] =	stream.indirect.scatter.add.f32 [tilespmem:s10], [sflag:$0x5], $0x80, s14, s15, $0xb8;
	v63 =	vld [tilespmem:$0x0]  }
0xb5: {  	_ =	swait.ge [sflag:s29], $0x2000  }
0xb6: {  	[sflag:s29] =	ssyncset.done $0x0  }
0xb7: {  	[sflag:s29] =	ssyncadd.s32 $0xFFFFE000  }
0xb8: {  	_ =	swait.ge [sflag:s7], $0x2000  }
0xb9: {  	[sflag:s7] =	ssyncset.done $0x0  }
0xba: {  	s16 =	simm.s32 $0x14E80;
	[sflag:s7] =	ssyncadd.s32 $0xFFFFE000  }
0xbb: {  	[spmem:s2] =	stream.indirect.scatter.add.f32 [tilespmem:s17], [sflag:$0x6], $0x80, s16, s15, $0xb8;
	v63 =	vld [tilespmem:$0x0]  }
0xbc: {  	_ =	swait.ge [sflag:s24], $0x2000  }
0xbd: {  	[sflag:s24] =	ssyncset.done $0x0  }
0xbe: {  	[sflag:s24] =	ssyncadd.s32 $0xFFFFE000  }
0xbf: {  	_ =	swait.ge [sflag:s28], $0x2000  }
0xc0: {  	[sflag:s28] =	ssyncset.done $0x0  }
0xc1: {  	s14 =	simm.s32 $0x14F00;
	[sflag:s28] =	ssyncadd.s32 $0xFFFFE000  }
0xc2: {  	[spmem:s2] =	stream.indirect.scatter.add.f32 [tilespmem:s19], [sflag:$0x7], $0x80, s14, s15, $0xb8;
	v63 =	vld [tilespmem:$0x0]  }
0xc3: {  	_ =	swait.ge [sflag:s12], $0x2000  }
0xc4: {  	[sflag:s12] =	ssyncset.done $0x0  }
0xc5: {  	[sflag:s12] =	ssyncadd.s32 $0xFFFFE000  }
0xc6: {  	_ =	swait.ge [sflag:s3], $0x2000  }
0xc7: {  	[sflag:s3] =	ssyncset.done $0x0  }
0xc8: {  	s16 =	simm.s32 $0x14F80;
	[sflag:s3] =	ssyncadd.s32 $0xFFFFE000  }
0xc9: {  	[spmem:s2] =	stream.indirect.scatter.add.f32 [tilespmem:s21], [sflag:$0x8], $0x80, s16, s15, $0xb8;
	v63 =	vld [tilespmem:$0x0]  }
0xca: {  	_ =	swait.ge [sflag:s18], $0x2000  }
0xcb: {  	[sflag:s18] =	ssyncset.done $0x0  }
0xcc: {  	[sflag:s18] =	ssyncadd.s32 $0xFFFFE000  }
0xcd: {  	_ =	swait.ge [sflag:s26], $0x1000  }
0xce: {  	p1 =	seq.s32 s31, $0x4;
	[sflag:s26] =	ssyncset.done $0x0  }
0xcf: {  	s11 =	sadd.s32 @!p1 s20, s30;
	[sflag:s26] =	ssyncadd.s32 $0xFFFFF000  }
0xd0: {  	s11 =	sshll.u32 @!p1 s11, $0x9;
	_ =	swait.ge [sflag:s25], $0x1000  }
0xd1: {  	s20 =	simm.s32 @!p1 $0x14000;
	s11 =	sadd.s32 @!p1 $0x200, s11;
	[sflag:s25] =	ssyncset.done $0x0  }
0xd2: {  	s14 =	sadd.s32 @!p1 s5, s11;
	s16 =	simm.s32 @!p1 $0x0;
	[sflag:s25] =	ssyncadd.s32 $0xFFFFF000  }
0xd3: {  	[tilespmem:s20], [sflag:$0x9] =	stream.linear.gather @!p1 [hbm4b:s14+s16], $0x1000, $0x38;
	v63 =	vld [tilespmem:$0x0]  }
0xd4: {  	s11 =	sadd.s32 @!p1 s6, s11;
	s14 =	simm.s32 @!p1 $0x16000  }
0xd5: {  	[tilespmem:s14], [sflag:$0xA] =	stream.linear.gather @!p1 [hbm4b:s11+s16], $0x1000, $0x38;
	v63 =	vld [tilespmem:$0x0]  }
0xd6: {  	_ = 	snop  }
0xd7: {  	[tilespmem:s10], [sflag:$0x1] =	stream.indirect.gather [hbm4b:s4+s15], $0x80, s9, s15, $0xb8;
	v63 =	vld [tilespmem:$0x0]  }
0xd8: {  	s20 =	simm.s32 $0x17080  }
0xd9: {  	[tilespmem:s17], [sflag:$0x2] =	stream.indirect.gather [hbm4b:s4+s15], $0x80, s20, s15, $0xb8;
	v63 =	vld [tilespmem:$0x0]  }
0xda: {  	s14 =	simm.s32 $0x17100  }
0xdb: {  	[tilespmem:s19], [sflag:$0x3] =	stream.indirect.gather [hbm4b:s4+s15], $0x80, s14, s15, $0xb8;
	v63 =	vld [tilespmem:$0x0]  }
0xdc: {  	s16 =	simm.s32 $0x17180  }
0xdd: {  	[tilespmem:s21], [sflag:$0x4] =	stream.indirect.gather [hbm4b:s4+s15], $0x80, s16, s15, $0xb8;
	v63 =	vld [tilespmem:$0x0]  }
0xde: {  	_ =	swait.ge [sflag:s22], $0x2000  }
0xdf: {  	[sflag:s22] =	ssyncset.done $0x0  }
0xe0: {  	[sflag:s22] =	ssyncadd.s32 $0xFFFFE000  }
0xe1: {  	[spmem:s2] =	stream.indirect.scatter.add.f32 [tilespmem:s10], [sflag:$0x5], $0x80, s13, s15, $0xb8;
	v63 =	vld [tilespmem:$0x0]  }
0xe2: {  	_ =	swait.ge [sflag:s29], $0x2000  }
0xe3: {  	[sflag:s29] =	ssyncset.done $0x0  }
0xe4: {  	s20 =	simm.s32 $0x17200;
	[sflag:s29] =	ssyncadd.s32 $0xFFFFE000  }
0xe5: {  	[tilespmem:s10], [sflag:$0x1] =	stream.indirect.gather [hbm4b:s4+s15], $0x80, s20, s15, $0xb8;
	v63 =	vld [tilespmem:$0x0]  }
0xe6: {  	_ =	swait.ge [sflag:s7], $0x2000  }
0xe7: {  	[sflag:s7] =	ssyncset.done $0x0  }
0xe8: {  	s14 =	simm.s32 $0x15080;
	[sflag:s7] =	ssyncadd.s32 $0xFFFFE000  }
0xe9: {  	[spmem:s2] =	stream.indirect.scatter.add.f32 [tilespmem:s17], [sflag:$0x6], $0x80, s14, s15, $0xb8;
	v63 =	vld [tilespmem:$0x0]  }
0xea: {  	_ =	swait.ge [sflag:s24], $0x2000  }
0xeb: {  	[sflag:s24] =	ssyncset.done $0x0  }
0xec: {  	s16 =	simm.s32 $0x17280;
	[sflag:s24] =	ssyncadd.s32 $0xFFFFE000  }
0xed: {  	[tilespmem:s17], [sflag:$0x2] =	stream.indirect.gather [hbm4b:s4+s15], $0x80, s16, s15, $0xb8;
	v63 =	vld [tilespmem:$0x0]  }
0xee: {  	_ =	swait.ge [sflag:s28], $0x2000  }
0xef: {  	[sflag:s28] =	ssyncset.done $0x0  }
0xf0: {  	s20 =	simm.s32 $0x15100;
	[sflag:s28] =	ssyncadd.s32 $0xFFFFE000  }
0xf1: {  	[spmem:s2] =	stream.indirect.scatter.add.f32 [tilespmem:s19], [sflag:$0x7], $0x80, s20, s15, $0xb8;
	v63 =	vld [tilespmem:$0x0]  }
0xf2: {  	_ =	swait.ge [sflag:s12], $0x2000  }
0xf3: {  	[sflag:s12] =	ssyncset.done $0x0  }
0xf4: {  	s14 =	simm.s32 $0x17300;
	[sflag:s12] =	ssyncadd.s32 $0xFFFFE000  }
0xf5: {  	[tilespmem:s19], [sflag:$0x3] =	stream.indirect.gather [hbm4b:s4+s15], $0x80, s14, s15, $0xb8;
	v63 =	vld [tilespmem:$0x0]  }
0xf6: {  	_ =	swait.ge [sflag:s3], $0x2000  }
0xf7: {  	[sflag:s3] =	ssyncset.done $0x0  }
0xf8: {  	s16 =	simm.s32 $0x15180;
	[sflag:s3] =	ssyncadd.s32 $0xFFFFE000  }
0xf9: {  	[spmem:s2] =	stream.indirect.scatter.add.f32 [tilespmem:s21], [sflag:$0x8], $0x80, s16, s15, $0xb8;
	v63 =	vld [tilespmem:$0x0]  }
0xfa: {  	_ =	swait.ge [sflag:s18], $0x2000  }
0xfb: {  	[sflag:s18] =	ssyncset.done $0x0  }
0xfc: {  	s20 =	simm.s32 $0x17380;
	[sflag:s18] =	ssyncadd.s32 $0xFFFFE000  }
0xfd: {  	[tilespmem:s21], [sflag:$0x4] =	stream.indirect.gather [hbm4b:s4+s15], $0x80, s20, s15, $0xb8;
	v63 =	vld [tilespmem:$0x0]  }
0xfe: {  	_ =	swait.ge [sflag:s22], $0x2000  }
0xff: {  	[sflag:s22] =	ssyncset.done $0x0  }
0x100: {  	s14 =	simm.s32 $0x15200;
	[sflag:s22] =	ssyncadd.s32 $0xFFFFE000  }
0x101: {  	[spmem:s2] =	stream.indirect.scatter.add.f32 [tilespmem:s10], [sflag:$0x5], $0x80, s14, s15, $0xb8;
	v63 =	vld [tilespmem:$0x0]  }
0x102: {  	_ =	swait.ge [sflag:s29], $0x2000  }
0x103: {  	[sflag:s29] =	ssyncset.done $0x0  }
0x104: {  	s16 =	simm.s32 $0x17400;
	[sflag:s29] =	ssyncadd.s32 $0xFFFFE000  }
0x105: {  	[tilespmem:s10], [sflag:$0x1] =	stream.indirect.gather [hbm4b:s4+s15], $0x80, s16, s15, $0xb8;
	v63 =	vld [tilespmem:$0x0]  }
0x106: {  	_ =	swait.ge [sflag:s7], $0x2000  }
0x107: {  	[sflag:s7] =	ssyncset.done $0x0  }
0x108: {  	s20 =	simm.s32 $0x15280;
	[sflag:s7] =	ssyncadd.s32 $0xFFFFE000  }
0x109: {  	[spmem:s2] =	stream.indirect.scatter.add.f32 [tilespmem:s17], [sflag:$0x6], $0x80, s20, s15, $0xb8;
	v63 =	vld [tilespmem:$0x0]  }
0x10a: {  	_ =	swait.ge [sflag:s24], $0x2000  }
0x10b: {  	[sflag:s24] =	ssyncset.done $0x0  }
0x10c: {  	s14 =	simm.s32 $0x17480;
	[sflag:s24] =	ssyncadd.s32 $0xFFFFE000  }
0x10d: {  	[tilespmem:s17], [sflag:$0x2] =	stream.indirect.gather [hbm4b:s4+s15], $0x80, s14, s15, $0xb8;
	v63 =	vld [tilespmem:$0x0]  }
0x10e: {  	_ =	swait.ge [sflag:s28], $0x2000  }
0x10f: {  	[sflag:s28] =	ssyncset.done $0x0  }
0x110: {  	s16 =	simm.s32 $0x15300;
	[sflag:s28] =	ssyncadd.s32 $0xFFFFE000  }
0x111: {  	[spmem:s2] =	stream.indirect.scatter.add.f32 [tilespmem:s19], [sflag:$0x7], $0x80, s16, s15, $0xb8;
	v63 =	vld [tilespmem:$0x0]  }
0x112: {  	_ =	swait.ge [sflag:s12], $0x2000  }
0x113: {  	[sflag:s12] =	ssyncset.done $0x0  }
0x114: {  	s20 =	simm.s32 $0x17500;
	[sflag:s12] =	ssyncadd.s32 $0xFFFFE000  }
0x115: {  	[tilespmem:s19], [sflag:$0x3] =	stream.indirect.gather [hbm4b:s4+s15], $0x80, s20, s15, $0xb8;
	v63 =	vld [tilespmem:$0x0]  }
0x116: {  	_ =	swait.ge [sflag:s3], $0x2000  }
0x117: {  	[sflag:s3] =	ssyncset.done $0x0  }
0x118: {  	s11 =	simm.s32 $0x800;
	s16 =	simm.s32 $0x15380;
	[sflag:s3] =	ssyncadd.s32 $0xFFFFE000  }
.LBB2_13:
0x119: {  	[spmem:s2] =	stream.indirect.scatter.add.f32 [tilespmem:s21], [sflag:$0x8], $0x80, s16, s15, $0xb8;
	v63 =	vld [tilespmem:$0x0]  }
0x11a: {  	s14 =	smov.u32 s11  }
0x11b: {  	p1 =	sne.s32 s11, $0x2800;
	s11 =	sadd.s32 $0x800, s11;
	_ =	swait.ge [sflag:s18], $0x2000  }
0x11c: {  	s16 =	sshra.s32 s14, $0x2;
	[sflag:s18] =	ssyncset.done $0x0  }
0x11d: {  	s14 =	sadd.s32 $0x17380, s16;
	[sflag:s18] =	ssyncadd.s32 $0xFFFFE000  }
0x11e: {  	[tilespmem:s21], [sflag:$0x4] =	stream.indirect.gather [hbm4b:s4+s15], $0x80, s14, s15, $0xb8;
	v63 =	vld [tilespmem:$0x0]  }
0x11f: {  	_ =	swait.ge [sflag:s22], $0x2000  }
0x120: {  	[sflag:s22] =	ssyncset.done $0x0  }
0x121: {  	s14 =	sadd.s32 $0x15200, s16;
	[sflag:s22] =	ssyncadd.s32 $0xFFFFE000  }
0x122: {  	[spmem:s2] =	stream.indirect.scatter.add.f32 [tilespmem:s10], [sflag:$0x5], $0x80, s14, s15, $0xb8;
	v63 =	vld [tilespmem:$0x0]  }
0x123: {  	_ =	swait.ge [sflag:s29], $0x2000  }
0x124: {  	[sflag:s29] =	ssyncset.done $0x0  }
0x125: {  	s14 =	sadd.s32 $0x17400, s16;
	[sflag:s29] =	ssyncadd.s32 $0xFFFFE000  }
0x126: {  	[tilespmem:s10], [sflag:$0x1] =	stream.indirect.gather [hbm4b:s4+s15], $0x80, s14, s15, $0xb8;
	v63 =	vld [tilespmem:$0x0]  }
0x127: {  	_ =	swait.ge [sflag:s7], $0x2000  }
0x128: {  	[sflag:s7] =	ssyncset.done $0x0  }
0x129: {  	s14 =	sadd.s32 $0x15280, s16;
	[sflag:s7] =	ssyncadd.s32 $0xFFFFE000  }
0x12a: {  	[spmem:s2] =	stream.indirect.scatter.add.f32 [tilespmem:s17], [sflag:$0x6], $0x80, s14, s15, $0xb8;
	v63 =	vld [tilespmem:$0x0]  }
0x12b: {  	_ =	swait.ge [sflag:s24], $0x2000  }
0x12c: {  	[sflag:s24] =	ssyncset.done $0x0  }
0x12d: {  	s14 =	sadd.s32 $0x17480, s16;
	[sflag:s24] =	ssyncadd.s32 $0xFFFFE000  }
0x12e: {  	[tilespmem:s17], [sflag:$0x2] =	stream.indirect.gather [hbm4b:s4+s15], $0x80, s14, s15, $0xb8;
	v63 =	vld [tilespmem:$0x0]  }
0x12f: {  	_ =	swait.ge [sflag:s28], $0x2000  }
0x130: {  	[sflag:s28] =	ssyncset.done $0x0  }
0x131: {  	s14 =	sadd.s32 $0x15300, s16;
	[sflag:s28] =	ssyncadd.s32 $0xFFFFE000  }
0x132: {  	[spmem:s2] =	stream.indirect.scatter.add.f32 [tilespmem:s19], [sflag:$0x7], $0x80, s14, s15, $0xb8;
	v63 =	vld [tilespmem:$0x0]  }
0x133: {  	_ =	swait.ge [sflag:s12], $0x2000  }
0x134: {  	[sflag:s12] =	ssyncset.done $0x0  }
.Ltmp4:
0x135: {  	s14 =	sadd.s32 $0x17500, s16;
	[sflag:s12] =	ssyncadd.s32 $0xFFFFE000;
	(pc) =	sbr.rel @p1 .LBB2_13-.Ltmp4, $4  }
0x136: {  	[tilespmem:s19], [sflag:$0x3] =	stream.indirect.gather [hbm4b:s4+s15], $0x80, s14, s15, $0xb8;
	v63 =	vld [tilespmem:$0x0]  }
0x137: {  	_ =	swait.ge [sflag:s3], $0x2000  }
0x138: {  	[sflag:s3] =	ssyncset.done $0x0  }
0x139: {  	s16 =	sadd.s32 $0x15380, s16;
	[sflag:s3] =	ssyncadd.s32 $0xFFFFE000  }
0x13a: {  	[spmem:s2] =	stream.indirect.scatter.add.f32 [tilespmem:s21], [sflag:$0x8], $0x80, s16, s15, $0xb8;
	v63 =	vld [tilespmem:$0x0]  }
0x13b: {  	_ =	swait.ge [sflag:s18], $0x2000  }
0x13c: {  	[sflag:s18] =	ssyncset.done $0x0  }
0x13d: {  	s11 =	simm.s32 $0x17F80;
	[sflag:s18] =	ssyncadd.s32 $0xFFFFE000  }
0x13e: {  	[tilespmem:s21], [sflag:$0x4] =	stream.indirect.gather [hbm4b:s4+s15], $0x80, s11, s15, $0xb8;
	v63 =	vld [tilespmem:$0x0]  }
0x13f: {  	_ =	swait.ge [sflag:s22], $0x2000  }
0x140: {  	[sflag:s22] =	ssyncset.done $0x0  }
0x141: {  	s20 =	simm.s32 $0x15E00;
	[sflag:s22] =	ssyncadd.s32 $0xFFFFE000  }
0x142: {  	[spmem:s2] =	stream.indirect.scatter.add.f32 [tilespmem:s10], [sflag:$0x5], $0x80, s20, s15, $0xb8;
	v63 =	vld [tilespmem:$0x0]  }
0x143: {  	_ =	swait.ge [sflag:s29], $0x2000  }
0x144: {  	[sflag:s29] =	ssyncset.done $0x0  }
0x145: {  	[sflag:s29] =	ssyncadd.s32 $0xFFFFE000  }
0x146: {  	_ =	swait.ge [sflag:s7], $0x2000  }
0x147: {  	[sflag:s7] =	ssyncset.done $0x0  }
0x148: {  	s14 =	simm.s32 $0x15E80;
	[sflag:s7] =	ssyncadd.s32 $0xFFFFE000  }
0x149: {  	[spmem:s2] =	stream.indirect.scatter.add.f32 [tilespmem:s17], [sflag:$0x6], $0x80, s14, s15, $0xb8;
	v63 =	vld [tilespmem:$0x0]  }
0x14a: {  	_ =	swait.ge [sflag:s24], $0x2000  }
0x14b: {  	[sflag:s24] =	ssyncset.done $0x0  }
0x14c: {  	[sflag:s24] =	ssyncadd.s32 $0xFFFFE000  }
0x14d: {  	_ =	swait.ge [sflag:s28], $0x2000  }
0x14e: {  	[sflag:s28] =	ssyncset.done $0x0  }
0x14f: {  	s16 =	simm.s32 $0x15F00;
	[sflag:s28] =	ssyncadd.s32 $0xFFFFE000  }
0x150: {  	[spmem:s2] =	stream.indirect.scatter.add.f32 [tilespmem:s19], [sflag:$0x7], $0x80, s16, s15, $0xb8;
	v63 =	vld [tilespmem:$0x0]  }
0x151: {  	_ =	swait.ge [sflag:s12], $0x2000  }
0x152: {  	[sflag:s12] =	ssyncset.done $0x0  }
0x153: {  	[sflag:s12] =	ssyncadd.s32 $0xFFFFE000  }
0x154: {  	s31 =	sadd.s32 $0x1, s31;
	_ =	swait.ge [sflag:s3], $0x2000  }
0x155: {  	p1 =	seq.s32 s31, $0x5;
	[sflag:s3] =	ssyncset.done $0x0  }
.Ltmp5:
0x156: {  	s20 =	simm.s32 $0x15F80;
	[sflag:s3] =	ssyncadd.s32 $0xFFFFE000;
	(pc) =	sbr.rel @!p1 .LBB2_10-.Ltmp5, $4  }
0x157: {  	[spmem:s2] =	stream.indirect.scatter.add.f32 [tilespmem:s21], [sflag:$0x8], $0x80, s20, s15, $0xb8;
	v63 =	vld [tilespmem:$0x0]  }
0x158: {  	_ =	swait.ge [sflag:s18], $0x2000  }
0x159: {  	[sflag:s18] =	ssyncset.done $0x0  }
0x15a: {  	[sflag:s18] =	ssyncadd.s32 $0xFFFFE000  }
.Ltmp6:
0x15b: {  	(pc) =	sbr.rel .LBB2_16-.Ltmp6, $3  }
0x15c: {  	_ =	sdelay $0x1  }
0x15d: {  	s1 =	rddreg [dreg:$0x5]  }
0x15e: {  	s14 =	rddreg [dreg:$0x3]  }
.LBB2_2:
0x15f: {  	s1 =	simm.s32 $0x0;
	s11 =	rddreg [dreg:$0x9]  }
0x160: {  	[tilespmem:s0], [sflag:$0xB] =	stream.linear.gather [hbm4b:s11+s1], $0x500, $0x38;
	v63 =	vld [tilespmem:$0x0]  }
0x161: {  	_ =	swait.ge [sflag:s16], $0x500  }
0x162: {  	[sflag:s16] =	ssyncset.done $0x0  }
0x163: {  	[sflag:s16] =	ssyncadd.s32 $0xFFFFFB00  }
0x164: {  	[tilespmem:s10], [sflag:$0x1] =	stream.indirect.gather [hbm4b:s4+s15], $0x80, s0, s15, $0xb8;
	v63 =	vld [tilespmem:$0x0]  }
0x165: {  	s20 =	simm.s32 $0x14080  }
0x166: {  	[tilespmem:s17], [sflag:$0x2] =	stream.indirect.gather [hbm4b:s4+s15], $0x80, s20, s15, $0xb8;
	v63 =	vld [tilespmem:$0x0]  }
0x167: {  	_ =	swait.ge [sflag:s22], $0x2000  }
0x168: {  	[sflag:s22] =	ssyncset.done $0x0  }
0x169: {  	s14 =	rddreg [dreg:$0x15];
	[sflag:s22] =	ssyncadd.s32 $0xFFFFE000  }
0x16a: {  	[hbm4b:s14+s1] =	stream.linear.scatter [tilespmem:s10], [sflag:$0x5], $0x2000, $0x38;
	v63 =	vld [tilespmem:$0x0]  }
0x16b: {  	_ =	swait.ge [sflag:s29], $0x2000  }
0x16c: {  	[sflag:s29] =	ssyncset.done $0x0  }
0x16d: {  	s20 =	simm.s32 $0x14100;
	[sflag:s29] =	ssyncadd.s32 $0xFFFFE000  }
0x16e: {  	[tilespmem:s10], [sflag:$0x1] =	stream.indirect.gather [hbm4b:s4+s15], $0x80, s20, s15, $0xb8;
	v63 =	vld [tilespmem:$0x0]  }
0x16f: {  	_ =	swait.ge [sflag:s7], $0x2000  }
0x170: {  	[sflag:s7] =	ssyncset.done $0x0  }
0x171: {  	s14 =	rddreg [dreg:$0x17];
	[sflag:s7] =	ssyncadd.s32 $0xFFFFE000  }
0x172: {  	[hbm4b:s14+s1] =	stream.linear.scatter [tilespmem:s17], [sflag:$0x6], $0x2000, $0x38;
	v63 =	vld [tilespmem:$0x0]  }
0x173: {  	_ =	swait.ge [sflag:s24], $0x2000  }
0x174: {  	[sflag:s24] =	ssyncset.done $0x0  }
0x175: {  	s20 =	simm.s32 $0x14180;
	[sflag:s24] =	ssyncadd.s32 $0xFFFFE000  }
0x176: {  	[tilespmem:s17], [sflag:$0x2] =	stream.indirect.gather [hbm4b:s4+s15], $0x80, s20, s15, $0xb8;
	v63 =	vld [tilespmem:$0x0]  }
0x177: {  	_ =	swait.ge [sflag:s22], $0x2000  }
0x178: {  	[sflag:s22] =	ssyncset.done $0x0  }
0x179: {  	s14 =	rddreg [dreg:$0xb];
	[sflag:s22] =	ssyncadd.s32 $0xFFFFE000  }
0x17a: {  	[hbm4b:s14+s1] =	stream.linear.scatter [tilespmem:s10], [sflag:$0x5], $0x2000, $0x38;
	v63 =	vld [tilespmem:$0x0]  }
0x17b: {  	_ =	swait.ge [sflag:s29], $0x2000  }
0x17c: {  	[sflag:s29] =	ssyncset.done $0x0  }
0x17d: {  	s20 =	simm.s32 $0x14200;
	[sflag:s29] =	ssyncadd.s32 $0xFFFFE000  }
0x17e: {  	[tilespmem:s10], [sflag:$0x1] =	stream.indirect.gather [hbm4b:s4+s15], $0x80, s20, s15, $0xb8;
	v63 =	vld [tilespmem:$0x0]  }
0x17f: {  	_ =	swait.ge [sflag:s7], $0x2000  }
0x180: {  	[sflag:s7] =	ssyncset.done $0x0  }
0x181: {  	s14 =	rddreg [dreg:$0xc];
	[sflag:s7] =	ssyncadd.s32 $0xFFFFE000  }
0x182: {  	[hbm4b:s14+s1] =	stream.linear.scatter [tilespmem:s17], [sflag:$0x6], $0x2000, $0x38;
	v63 =	vld [tilespmem:$0x0]  }
0x183: {  	_ =	swait.ge [sflag:s24], $0x2000  }
0x184: {  	[sflag:s24] =	ssyncset.done $0x0  }
0x185: {  	s20 =	simm.s32 $0x14280;
	[sflag:s24] =	ssyncadd.s32 $0xFFFFE000  }
0x186: {  	[tilespmem:s17], [sflag:$0x2] =	stream.indirect.gather [hbm4b:s4+s15], $0x80, s20, s15, $0xb8;
	v63 =	vld [tilespmem:$0x0]  }
0x187: {  	_ =	swait.ge [sflag:s22], $0x2000  }
0x188: {  	[sflag:s22] =	ssyncset.done $0x0  }
0x189: {  	s14 =	rddreg [dreg:$0xd];
	[sflag:s22] =	ssyncadd.s32 $0xFFFFE000  }
0x18a: {  	[hbm4b:s14+s1] =	stream.linear.scatter [tilespmem:s10], [sflag:$0x5], $0x2000, $0x38;
	v63 =	vld [tilespmem:$0x0]  }
0x18b: {  	_ =	swait.ge [sflag:s29], $0x2000  }
0x18c: {  	[sflag:s29] =	ssyncset.done $0x0  }
0x18d: {  	s20 =	simm.s32 $0x14300;
	[sflag:s29] =	ssyncadd.s32 $0xFFFFE000  }
0x18e: {  	[tilespmem:s10], [sflag:$0x1] =	stream.indirect.gather [hbm4b:s4+s15], $0x80, s20, s15, $0xb8;
	v63 =	vld [tilespmem:$0x0]  }
0x18f: {  	_ =	swait.ge [sflag:s7], $0x2000  }
0x190: {  	[sflag:s7] =	ssyncset.done $0x0  }
0x191: {  	s14 =	rddreg [dreg:$0xe];
	[sflag:s7] =	ssyncadd.s32 $0xFFFFE000  }
0x192: {  	[hbm4b:s14+s1] =	stream.linear.scatter [tilespmem:s17], [sflag:$0x6], $0x2000, $0x38;
	v63 =	vld [tilespmem:$0x0]  }
0x193: {  	_ =	swait.ge [sflag:s24], $0x2000  }
0x194: {  	[sflag:s24] =	ssyncset.done $0x0  }
0x195: {  	s20 =	simm.s32 $0x14380;
	[sflag:s24] =	ssyncadd.s32 $0xFFFFE000  }
0x196: {  	[tilespmem:s17], [sflag:$0x2] =	stream.indirect.gather [hbm4b:s4+s15], $0x80, s20, s15, $0xb8;
	v63 =	vld [tilespmem:$0x0]  }
0x197: {  	_ =	swait.ge [sflag:s22], $0x2000  }
0x198: {  	[sflag:s22] =	ssyncset.done $0x0  }
0x199: {  	s14 =	rddreg [dreg:$0xf];
	[sflag:s22] =	ssyncadd.s32 $0xFFFFE000  }
0x19a: {  	[hbm4b:s14+s1] =	stream.linear.scatter [tilespmem:s10], [sflag:$0x5], $0x2000, $0x38;
	v63 =	vld [tilespmem:$0x0]  }
0x19b: {  	_ =	swait.ge [sflag:s29], $0x2000  }
0x19c: {  	[sflag:s29] =	ssyncset.done $0x0  }
0x19d: {  	s20 =	simm.s32 $0x14400;
	[sflag:s29] =	ssyncadd.s32 $0xFFFFE000  }
0x19e: {  	[tilespmem:s10], [sflag:$0x1] =	stream.indirect.gather [hbm4b:s4+s15], $0x80, s20, s15, $0xb8;
	v63 =	vld [tilespmem:$0x0]  }
0x19f: {  	_ =	swait.ge [sflag:s7], $0x2000  }
0x1a0: {  	[sflag:s7] =	ssyncset.done $0x0  }
0x1a1: {  	s14 =	rddreg [dreg:$0x10];
	[sflag:s7] =	ssyncadd.s32 $0xFFFFE000  }
0x1a2: {  	[hbm4b:s14+s1] =	stream.linear.scatter [tilespmem:s17], [sflag:$0x6], $0x2000, $0x38;
	v63 =	vld [tilespmem:$0x0]  }
0x1a3: {  	_ =	swait.ge [sflag:s24], $0x2000  }
0x1a4: {  	[sflag:s24] =	ssyncset.done $0x0  }
0x1a5: {  	s20 =	simm.s32 $0x14480;
	[sflag:s24] =	ssyncadd.s32 $0xFFFFE000  }
0x1a6: {  	[tilespmem:s17], [sflag:$0x2] =	stream.indirect.gather [hbm4b:s4+s15], $0x80, s20, s15, $0xb8;
	v63 =	vld [tilespmem:$0x0]  }
0x1a7: {  	_ =	swait.ge [sflag:s22], $0x2000  }
0x1a8: {  	[sflag:s22] =	ssyncset.done $0x0  }
0x1a9: {  	s14 =	rddreg [dreg:$0x11];
	[sflag:s22] =	ssyncadd.s32 $0xFFFFE000  }
0x1aa: {  	[hbm4b:s14+s1] =	stream.linear.scatter [tilespmem:s10], [sflag:$0x5], $0x2000, $0x38;
	v63 =	vld [tilespmem:$0x0]  }
0x1ab: {  	_ =	swait.ge [sflag:s29], $0x2000  }
0x1ac: {  	[sflag:s29] =	ssyncset.done $0x0  }
0x1ad: {  	[sflag:s29] =	ssyncadd.s32 $0xFFFFE000  }
0x1ae: {  	_ =	swait.ge [sflag:s7], $0x2000  }
0x1af: {  	[sflag:s7] =	ssyncset.done $0x0  }
0x1b0: {  	s20 =	rddreg [dreg:$0x12];
	[sflag:s7] =	ssyncadd.s32 $0xFFFFE000  }
0x1b1: {  	[hbm4b:s20+s1] =	stream.linear.scatter [tilespmem:s17], [sflag:$0x6], $0x2000, $0x38;
	v63 =	vld [tilespmem:$0x0]  }
0x1b2: {  	_ =	swait.ge [sflag:s24], $0x2000  }
0x1b3: {  	[sflag:s24] =	ssyncset.done $0x0  }
0x1b4: {  	[sflag:s24] =	ssyncadd.s32 $0xFFFFE000  }
0x1b5: {  	[bflag:$0x0] =	sbarrier.arrive $0xFFFF  }
0x1b6: {  	s14 =	rddreg [dreg:$0x13]  }
0x1b7: {  	[tilespmem:s0], [sflag:$0xB] =	stream.linear.gather [hbm4b:s14+s1], $0x1000, $0x38;
	v63 =	vld [tilespmem:$0x0]  }
0x1b8: {  	_ =	swait.ge [sflag:s16], $0x1000  }
0x1b9: {  	[sflag:s16] =	ssyncset.done $0x0  }
0x1ba: {  	s14 =	simm.s32 $0x16000;
	s20 =	rddreg [dreg:$0x14];
	[sflag:s16] =	ssyncadd.s32 $0xFFFFF000  }
0x1bb: {  	[tilespmem:s14], [sflag:$0xB] =	stream.linear.gather [hbm4b:s20+s1], $0x1000, $0x38;
	v63 =	vld [tilespmem:$0x0]  }
0x1bc: {  	_ =	swait.ge [sflag:s16], $0x1000  }
0x1bd: {  	[sflag:s16] =	ssyncset.done $0x0  }
0x1be: {  	s31 =	simm.s32 $0x0;
	[sflag:s16] =	ssyncadd.s32 $0xFFFFF000  }
.LBB2_3:
0x1bf: {  	p1 =	seq.s32 s31, $0x0  }
0x1c0: {  	s11 =	simm.s32 @!p1 $0x9  }
0x1c1: {  	_ =	swait.ge @!p1 [sflag:s11], $0x1000  }
0x1c2: {  	s20 =	sshll.u32 s31, $0x1;
	[sflag:s11] =	ssyncset.done @!p1 $0x0  }
0x1c3: {  	s14 =	sadd.s32 s23, s20;
	[sflag:s11] =	ssyncadd.s32 @!p1 $0xFFFFF000;
	s11 =	simm.s32 @!p1 $0xA  }
0x1c4: {  	s14 =	sshll.u32 s14, $0x9;
	_ =	swait.ge @!p1 [sflag:s11], $0x1000  }
0x1c5: {  	s14 =	sor.u32 $0x200, s14;
	[sflag:s11] =	ssyncset.done @!p1 $0x0  }
0x1c6: {  	s16 =	sadd.s32 s5, s14;
	[sflag:s11] =	ssyncadd.s32 @!p1 $0xFFFFF000  }
0x1c7: {  	[tilespmem:s13], [sflag:$0x9] =	stream.linear.gather [hbm4b:s16+s1], $0x1000, $0x38;
	v63 =	vld [tilespmem:$0x0]  }
0x1c8: {  	s14 =	sadd.s32 s6, s14  }
0x1c9: {  	[tilespmem:s9], [sflag:$0xA] =	stream.linear.gather [hbm4b:s14+s1], $0x1000, $0x38;
	v63 =	vld [tilespmem:$0x0]  }
0x1ca: {  	s16 =	simm.s32 $0x16000  }
0x1cb: {  	[tilespmem:s10], [sflag:$0x1] =	stream.indirect.gather [hbm4b:s8+s15], $0x80, s16, s15, $0xb8;
	v63 =	vld [tilespmem:$0x0]  }
0x1cc: {  	s14 =	simm.s32 $0x16080  }
0x1cd: {  	[tilespmem:s17], [sflag:$0x2] =	stream.indirect.gather [hbm4b:s8+s15], $0x80, s14, s15, $0xb8;
	v63 =	vld [tilespmem:$0x0]  }
0x1ce: {  	s16 =	simm.s32 $0x16100  }
0x1cf: {  	[tilespmem:s19], [sflag:$0x3] =	stream.indirect.gather [hbm4b:s8+s15], $0x80, s16, s15, $0xb8;
	v63 =	vld [tilespmem:$0x0]  }
0x1d0: {  	s14 =	simm.s32 $0x16180  }
0x1d1: {  	[tilespmem:s21], [sflag:$0x4] =	stream.indirect.gather [hbm4b:s8+s15], $0x80, s14, s15, $0xb8;
	v63 =	vld [tilespmem:$0x0]  }
0x1d2: {  	_ =	swait.ge [sflag:s22], $0x2000  }
0x1d3: {  	[sflag:s22] =	ssyncset.done $0x0  }
0x1d4: {  	[sflag:s22] =	ssyncadd.s32 $0xFFFFE000  }
0x1d5: {  	[spmem:s2] =	stream.indirect.scatter.add.f32 [tilespmem:s10], [sflag:$0x5], $0x80, s0, s15, $0xb8;
	v63 =	vld [tilespmem:$0x0]  }
0x1d6: {  	_ =	swait.ge [sflag:s29], $0x2000  }
0x1d7: {  	[sflag:s29] =	ssyncset.done $0x0  }
0x1d8: {  	s16 =	simm.s32 $0x16200;
	[sflag:s29] =	ssyncadd.s32 $0xFFFFE000  }
0x1d9: {  	[tilespmem:s10], [sflag:$0x1] =	stream.indirect.gather [hbm4b:s8+s15], $0x80, s16, s15, $0xb8;
	v63 =	vld [tilespmem:$0x0]  }
0x1da: {  	_ =	swait.ge [sflag:s7], $0x2000  }
0x1db: {  	[sflag:s7] =	ssyncset.done $0x0  }
0x1dc: {  	s14 =	simm.s32 $0x14080;
	[sflag:s7] =	ssyncadd.s32 $0xFFFFE000  }
0x1dd: {  	[spmem:s2] =	stream.indirect.scatter.add.f32 [tilespmem:s17], [sflag:$0x6], $0x80, s14, s15, $0xb8;
	v63 =	vld [tilespmem:$0x0]  }
0x1de: {  	_ =	swait.ge [sflag:s24], $0x2000  }
0x1df: {  	[sflag:s24] =	ssyncset.done $0x0  }
0x1e0: {  	s16 =	simm.s32 $0x16280;
	[sflag:s24] =	ssyncadd.s32 $0xFFFFE000  }
0x1e1: {  	[tilespmem:s17], [sflag:$0x2] =	stream.indirect.gather [hbm4b:s8+s15], $0x80, s16, s15, $0xb8;
	v63 =	vld [tilespmem:$0x0]  }
0x1e2: {  	_ =	swait.ge [sflag:s28], $0x2000  }
0x1e3: {  	[sflag:s28] =	ssyncset.done $0x0  }
0x1e4: {  	s14 =	simm.s32 $0x14100;
	[sflag:s28] =	ssyncadd.s32 $0xFFFFE000  }
0x1e5: {  	[spmem:s2] =	stream.indirect.scatter.add.f32 [tilespmem:s19], [sflag:$0x7], $0x80, s14, s15, $0xb8;
	v63 =	vld [tilespmem:$0x0]  }
0x1e6: {  	_ =	swait.ge [sflag:s12], $0x2000  }
0x1e7: {  	[sflag:s12] =	ssyncset.done $0x0  }
0x1e8: {  	s16 =	simm.s32 $0x16300;
	[sflag:s12] =	ssyncadd.s32 $0xFFFFE000  }
0x1e9: {  	[tilespmem:s19], [sflag:$0x3] =	stream.indirect.gather [hbm4b:s8+s15], $0x80, s16, s15, $0xb8;
	v63 =	vld [tilespmem:$0x0]  }
0x1ea: {  	_ =	swait.ge [sflag:s3], $0x2000  }
0x1eb: {  	[sflag:s3] =	ssyncset.done $0x0  }
0x1ec: {  	s14 =	simm.s32 $0x14180;
	[sflag:s3] =	ssyncadd.s32 $0xFFFFE000  }
0x1ed: {  	[spmem:s2] =	stream.indirect.scatter.add.f32 [tilespmem:s21], [sflag:$0x8], $0x80, s14, s15, $0xb8;
	v63 =	vld [tilespmem:$0x0]  }
0x1ee: {  	_ =	swait.ge [sflag:s18], $0x2000  }
0x1ef: {  	[sflag:s18] =	ssyncset.done $0x0  }
0x1f0: {  	s16 =	simm.s32 $0x16380;
	[sflag:s18] =	ssyncadd.s32 $0xFFFFE000  }
0x1f1: {  	[tilespmem:s21], [sflag:$0x4] =	stream.indirect.gather [hbm4b:s8+s15], $0x80, s16, s15, $0xb8;
	v63 =	vld [tilespmem:$0x0]  }
0x1f2: {  	_ =	swait.ge [sflag:s22], $0x2000  }
0x1f3: {  	[sflag:s22] =	ssyncset.done $0x0  }
0x1f4: {  	s14 =	simm.s32 $0x14200;
	[sflag:s22] =	ssyncadd.s32 $0xFFFFE000  }
0x1f5: {  	[spmem:s2] =	stream.indirect.scatter.add.f32 [tilespmem:s10], [sflag:$0x5], $0x80, s14, s15, $0xb8;
	v63 =	vld [tilespmem:$0x0]  }
0x1f6: {  	_ =	swait.ge [sflag:s29], $0x2000  }
0x1f7: {  	[sflag:s29] =	ssyncset.done $0x0  }
0x1f8: {  	s16 =	simm.s32 $0x16400;
	[sflag:s29] =	ssyncadd.s32 $0xFFFFE000  }
0x1f9: {  	[tilespmem:s10], [sflag:$0x1] =	stream.indirect.gather [hbm4b:s8+s15], $0x80, s16, s15, $0xb8;
	v63 =	vld [tilespmem:$0x0]  }
0x1fa: {  	_ =	swait.ge [sflag:s7], $0x2000  }
0x1fb: {  	[sflag:s7] =	ssyncset.done $0x0  }
0x1fc: {  	s14 =	simm.s32 $0x14280;
	[sflag:s7] =	ssyncadd.s32 $0xFFFFE000  }
0x1fd: {  	[spmem:s2] =	stream.indirect.scatter.add.f32 [tilespmem:s17], [sflag:$0x6], $0x80, s14, s15, $0xb8;
	v63 =	vld [tilespmem:$0x0]  }
0x1fe: {  	_ =	swait.ge [sflag:s24], $0x2000  }
0x1ff: {  	[sflag:s24] =	ssyncset.done $0x0  }
0x200: {  	s16 =	simm.s32 $0x16480;
	[sflag:s24] =	ssyncadd.s32 $0xFFFFE000  }
0x201: {  	[tilespmem:s17], [sflag:$0x2] =	stream.indirect.gather [hbm4b:s8+s15], $0x80, s16, s15, $0xb8;
	v63 =	vld [tilespmem:$0x0]  }
0x202: {  	_ =	swait.ge [sflag:s28], $0x2000  }
0x203: {  	[sflag:s28] =	ssyncset.done $0x0  }
0x204: {  	s14 =	simm.s32 $0x14300;
	[sflag:s28] =	ssyncadd.s32 $0xFFFFE000  }
0x205: {  	[spmem:s2] =	stream.indirect.scatter.add.f32 [tilespmem:s19], [sflag:$0x7], $0x80, s14, s15, $0xb8;
	v63 =	vld [tilespmem:$0x0]  }
0x206: {  	_ =	swait.ge [sflag:s12], $0x2000  }
0x207: {  	[sflag:s12] =	ssyncset.done $0x0  }
0x208: {  	s16 =	simm.s32 $0x16500;
	[sflag:s12] =	ssyncadd.s32 $0xFFFFE000  }
0x209: {  	[tilespmem:s19], [sflag:$0x3] =	stream.indirect.gather [hbm4b:s8+s15], $0x80, s16, s15, $0xb8;
	v63 =	vld [tilespmem:$0x0]  }
0x20a: {  	_ =	swait.ge [sflag:s3], $0x2000  }
0x20b: {  	[sflag:s3] =	ssyncset.done $0x0  }
0x20c: {  	s11 =	simm.s32 $0x800;
	s16 =	simm.s32 $0x14380;
	[sflag:s3] =	ssyncadd.s32 $0xFFFFE000  }
.LBB2_4:
0x20d: {  	[spmem:s2] =	stream.indirect.scatter.add.f32 [tilespmem:s21], [sflag:$0x8], $0x80, s16, s15, $0xb8;
	v63 =	vld [tilespmem:$0x0]  }
0x20e: {  	s14 =	smov.u32 s11  }
0x20f: {  	p1 =	sne.s32 s11, $0x2800;
	s11 =	sadd.s32 $0x800, s11;
	_ =	swait.ge [sflag:s18], $0x2000  }
0x210: {  	s16 =	sshra.s32 s14, $0x2;
	[sflag:s18] =	ssyncset.done $0x0  }
0x211: {  	s14 =	sadd.s32 $0x16380, s16;
	[sflag:s18] =	ssyncadd.s32 $0xFFFFE000  }
0x212: {  	[tilespmem:s21], [sflag:$0x4] =	stream.indirect.gather [hbm4b:s8+s15], $0x80, s14, s15, $0xb8;
	v63 =	vld [tilespmem:$0x0]  }
0x213: {  	_ =	swait.ge [sflag:s22], $0x2000  }
0x214: {  	[sflag:s22] =	ssyncset.done $0x0  }
0x215: {  	s14 =	sadd.s32 $0x14200, s16;
	[sflag:s22] =	ssyncadd.s32 $0xFFFFE000  }
0x216: {  	[spmem:s2] =	stream.indirect.scatter.add.f32 [tilespmem:s10], [sflag:$0x5], $0x80, s14, s15, $0xb8;
	v63 =	vld [tilespmem:$0x0]  }
0x217: {  	_ =	swait.ge [sflag:s29], $0x2000  }
0x218: {  	[sflag:s29] =	ssyncset.done $0x0  }
0x219: {  	s14 =	sadd.s32 $0x16400, s16;
	[sflag:s29] =	ssyncadd.s32 $0xFFFFE000  }
0x21a: {  	[tilespmem:s10], [sflag:$0x1] =	stream.indirect.gather [hbm4b:s8+s15], $0x80, s14, s15, $0xb8;
	v63 =	vld [tilespmem:$0x0]  }
0x21b: {  	_ =	swait.ge [sflag:s7], $0x2000  }
0x21c: {  	[sflag:s7] =	ssyncset.done $0x0  }
0x21d: {  	s14 =	sadd.s32 $0x14280, s16;
	[sflag:s7] =	ssyncadd.s32 $0xFFFFE000  }
0x21e: {  	[spmem:s2] =	stream.indirect.scatter.add.f32 [tilespmem:s17], [sflag:$0x6], $0x80, s14, s15, $0xb8;
	v63 =	vld [tilespmem:$0x0]  }
0x21f: {  	_ =	swait.ge [sflag:s24], $0x2000  }
0x220: {  	[sflag:s24] =	ssyncset.done $0x0  }
0x221: {  	s14 =	sadd.s32 $0x16480, s16;
	[sflag:s24] =	ssyncadd.s32 $0xFFFFE000  }
0x222: {  	[tilespmem:s17], [sflag:$0x2] =	stream.indirect.gather [hbm4b:s8+s15], $0x80, s14, s15, $0xb8;
	v63 =	vld [tilespmem:$0x0]  }
0x223: {  	_ =	swait.ge [sflag:s28], $0x2000  }
0x224: {  	[sflag:s28] =	ssyncset.done $0x0  }
0x225: {  	s14 =	sadd.s32 $0x14300, s16;
	[sflag:s28] =	ssyncadd.s32 $0xFFFFE000  }
0x226: {  	[spmem:s2] =	stream.indirect.scatter.add.f32 [tilespmem:s19], [sflag:$0x7], $0x80, s14, s15, $0xb8;
	v63 =	vld [tilespmem:$0x0]  }
0x227: {  	_ =	swait.ge [sflag:s12], $0x2000  }
0x228: {  	[sflag:s12] =	ssyncset.done $0x0  }
.Ltmp7:
0x229: {  	s14 =	sadd.s32 $0x16500, s16;
	[sflag:s12] =	ssyncadd.s32 $0xFFFFE000;
	(pc) =	sbr.rel @p1 .LBB2_4-.Ltmp7, $4  }
0x22a: {  	[tilespmem:s19], [sflag:$0x3] =	stream.indirect.gather [hbm4b:s8+s15], $0x80, s14, s15, $0xb8;
	v63 =	vld [tilespmem:$0x0]  }
0x22b: {  	_ =	swait.ge [sflag:s3], $0x2000  }
0x22c: {  	[sflag:s3] =	ssyncset.done $0x0  }
0x22d: {  	s16 =	sadd.s32 $0x14380, s16;
	[sflag:s3] =	ssyncadd.s32 $0xFFFFE000  }
0x22e: {  	[spmem:s2] =	stream.indirect.scatter.add.f32 [tilespmem:s21], [sflag:$0x8], $0x80, s16, s15, $0xb8;
	v63 =	vld [tilespmem:$0x0]  }
0x22f: {  	_ =	swait.ge [sflag:s18], $0x2000  }
0x230: {  	[sflag:s18] =	ssyncset.done $0x0  }
0x231: {  	s11 =	simm.s32 $0x16F80;
	[sflag:s18] =	ssyncadd.s32 $0xFFFFE000  }
0x232: {  	[tilespmem:s21], [sflag:$0x4] =	stream.indirect.gather [hbm4b:s8+s15], $0x80, s11, s15, $0xb8;
	v63 =	vld [tilespmem:$0x0]  }
0x233: {  	_ =	swait.ge [sflag:s22], $0x2000  }
0x234: {  	[sflag:s22] =	ssyncset.done $0x0  }
0x235: {  	s14 =	simm.s32 $0x14E00;
	[sflag:s22] =	ssyncadd.s32 $0xFFFFE000  }
0x236: {  	[spmem:s2] =	stream.indirect.scatter.add.f32 [tilespmem:s10], [sflag:$0x5], $0x80, s14, s15, $0xb8;
	v63 =	vld [tilespmem:$0x0]  }
0x237: {  	_ =	swait.ge [sflag:s29], $0x2000  }
0x238: {  	[sflag:s29] =	ssyncset.done $0x0  }
0x239: {  	[sflag:s29] =	ssyncadd.s32 $0xFFFFE000  }
0x23a: {  	_ =	swait.ge [sflag:s7], $0x2000  }
0x23b: {  	[sflag:s7] =	ssyncset.done $0x0  }
0x23c: {  	s16 =	simm.s32 $0x14E80;
	[sflag:s7] =	ssyncadd.s32 $0xFFFFE000  }
0x23d: {  	[spmem:s2] =	stream.indirect.scatter.add.f32 [tilespmem:s17], [sflag:$0x6], $0x80, s16, s15, $0xb8;
	v63 =	vld [tilespmem:$0x0]  }
0x23e: {  	_ =	swait.ge [sflag:s24], $0x2000  }
0x23f: {  	[sflag:s24] =	ssyncset.done $0x0  }
0x240: {  	[sflag:s24] =	ssyncadd.s32 $0xFFFFE000  }
0x241: {  	_ =	swait.ge [sflag:s28], $0x2000  }
0x242: {  	[sflag:s28] =	ssyncset.done $0x0  }
0x243: {  	s14 =	simm.s32 $0x14F00;
	[sflag:s28] =	ssyncadd.s32 $0xFFFFE000  }
0x244: {  	[spmem:s2] =	stream.indirect.scatter.add.f32 [tilespmem:s19], [sflag:$0x7], $0x80, s14, s15, $0xb8;
	v63 =	vld [tilespmem:$0x0]  }
0x245: {  	_ =	swait.ge [sflag:s12], $0x2000  }
0x246: {  	[sflag:s12] =	ssyncset.done $0x0  }
0x247: {  	[sflag:s12] =	ssyncadd.s32 $0xFFFFE000  }
0x248: {  	_ =	swait.ge [sflag:s3], $0x2000  }
0x249: {  	[sflag:s3] =	ssyncset.done $0x0  }
0x24a: {  	s16 =	simm.s32 $0x14F80;
	[sflag:s3] =	ssyncadd.s32 $0xFFFFE000  }
0x24b: {  	[spmem:s2] =	stream.indirect.scatter.add.f32 [tilespmem:s21], [sflag:$0x8], $0x80, s16, s15, $0xb8;
	v63 =	vld [tilespmem:$0x0]  }
0x24c: {  	_ =	swait.ge [sflag:s18], $0x2000  }
0x24d: {  	[sflag:s18] =	ssyncset.done $0x0  }
0x24e: {  	[sflag:s18] =	ssyncadd.s32 $0xFFFFE000  }
0x24f: {  	_ =	swait.ge [sflag:s26], $0x1000  }
0x250: {  	p1 =	seq.s32 s31, $0x4;
	[sflag:s26] =	ssyncset.done $0x0  }
0x251: {  	s11 =	sadd.s32 @!p1 s20, s30;
	[sflag:s26] =	ssyncadd.s32 $0xFFFFF000  }
0x252: {  	s11 =	sshll.u32 @!p1 s11, $0x9;
	_ =	swait.ge [sflag:s25], $0x1000  }
0x253: {  	s20 =	simm.s32 @!p1 $0x14000;
	s11 =	sadd.s32 @!p1 $0x200, s11;
	[sflag:s25] =	ssyncset.done $0x0  }
0x254: {  	s14 =	sadd.s32 @!p1 s5, s11;
	s16 =	simm.s32 @!p1 $0x0;
	[sflag:s25] =	ssyncadd.s32 $0xFFFFF000  }
0x255: {  	[tilespmem:s20], [sflag:$0x9] =	stream.linear.gather @!p1 [hbm4b:s14+s16], $0x1000, $0x38;
	v63 =	vld [tilespmem:$0x0]  }
0x256: {  	s11 =	sadd.s32 @!p1 s6, s11;
	s14 =	simm.s32 @!p1 $0x16000  }
0x257: {  	[tilespmem:s14], [sflag:$0xA] =	stream.linear.gather @!p1 [hbm4b:s11+s16], $0x1000, $0x38;
	v63 =	vld [tilespmem:$0x0]  }
0x258: {  	_ = 	snop  }
0x259: {  	[tilespmem:s10], [sflag:$0x1] =	stream.indirect.gather [hbm4b:s8+s15], $0x80, s9, s15, $0xb8;
	v63 =	vld [tilespmem:$0x0]  }
0x25a: {  	s20 =	simm.s32 $0x17080  }
0x25b: {  	[tilespmem:s17], [sflag:$0x2] =	stream.indirect.gather [hbm4b:s8+s15], $0x80, s20, s15, $0xb8;
	v63 =	vld [tilespmem:$0x0]  }
0x25c: {  	s14 =	simm.s32 $0x17100  }
0x25d: {  	[tilespmem:s19], [sflag:$0x3] =	stream.indirect.gather [hbm4b:s8+s15], $0x80, s14, s15, $0xb8;
	v63 =	vld [tilespmem:$0x0]  }
0x25e: {  	s16 =	simm.s32 $0x17180  }
0x25f: {  	[tilespmem:s21], [sflag:$0x4] =	stream.indirect.gather [hbm4b:s8+s15], $0x80, s16, s15, $0xb8;
	v63 =	vld [tilespmem:$0x0]  }
0x260: {  	_ =	swait.ge [sflag:s22], $0x2000  }
0x261: {  	[sflag:s22] =	ssyncset.done $0x0  }
0x262: {  	[sflag:s22] =	ssyncadd.s32 $0xFFFFE000  }
0x263: {  	[spmem:s2] =	stream.indirect.scatter.add.f32 [tilespmem:s10], [sflag:$0x5], $0x80, s13, s15, $0xb8;
	v63 =	vld [tilespmem:$0x0]  }
0x264: {  	_ =	swait.ge [sflag:s29], $0x2000  }
0x265: {  	[sflag:s29] =	ssyncset.done $0x0  }
0x266: {  	s20 =	simm.s32 $0x17200;
	[sflag:s29] =	ssyncadd.s32 $0xFFFFE000  }
0x267: {  	[tilespmem:s10], [sflag:$0x1] =	stream.indirect.gather [hbm4b:s8+s15], $0x80, s20, s15, $0xb8;
	v63 =	vld [tilespmem:$0x0]  }
0x268: {  	_ =	swait.ge [sflag:s7], $0x2000  }
0x269: {  	[sflag:s7] =	ssyncset.done $0x0  }
0x26a: {  	s14 =	simm.s32 $0x15080;
	[sflag:s7] =	ssyncadd.s32 $0xFFFFE000  }
0x26b: {  	[spmem:s2] =	stream.indirect.scatter.add.f32 [tilespmem:s17], [sflag:$0x6], $0x80, s14, s15, $0xb8;
	v63 =	vld [tilespmem:$0x0]  }
0x26c: {  	_ =	swait.ge [sflag:s24], $0x2000  }
0x26d: {  	[sflag:s24] =	ssyncset.done $0x0  }
0x26e: {  	s16 =	simm.s32 $0x17280;
	[sflag:s24] =	ssyncadd.s32 $0xFFFFE000  }
0x26f: {  	[tilespmem:s17], [sflag:$0x2] =	stream.indirect.gather [hbm4b:s8+s15], $0x80, s16, s15, $0xb8;
	v63 =	vld [tilespmem:$0x0]  }
0x270: {  	_ =	swait.ge [sflag:s28], $0x2000  }
0x271: {  	[sflag:s28] =	ssyncset.done $0x0  }
0x272: {  	s20 =	simm.s32 $0x15100;
	[sflag:s28] =	ssyncadd.s32 $0xFFFFE000  }
0x273: {  	[spmem:s2] =	stream.indirect.scatter.add.f32 [tilespmem:s19], [sflag:$0x7], $0x80, s20, s15, $0xb8;
	v63 =	vld [tilespmem:$0x0]  }
0x274: {  	_ =	swait.ge [sflag:s12], $0x2000  }
0x275: {  	[sflag:s12] =	ssyncset.done $0x0  }
0x276: {  	s14 =	simm.s32 $0x17300;
	[sflag:s12] =	ssyncadd.s32 $0xFFFFE000  }
0x277: {  	[tilespmem:s19], [sflag:$0x3] =	stream.indirect.gather [hbm4b:s8+s15], $0x80, s14, s15, $0xb8;
	v63 =	vld [tilespmem:$0x0]  }
0x278: {  	_ =	swait.ge [sflag:s3], $0x2000  }
0x279: {  	[sflag:s3] =	ssyncset.done $0x0  }
0x27a: {  	s16 =	simm.s32 $0x15180;
	[sflag:s3] =	ssyncadd.s32 $0xFFFFE000  }
0x27b: {  	[spmem:s2] =	stream.indirect.scatter.add.f32 [tilespmem:s21], [sflag:$0x8], $0x80, s16, s15, $0xb8;
	v63 =	vld [tilespmem:$0x0]  }
0x27c: {  	_ =	swait.ge [sflag:s18], $0x2000  }
0x27d: {  	[sflag:s18] =	ssyncset.done $0x0  }
0x27e: {  	s20 =	simm.s32 $0x17380;
	[sflag:s18] =	ssyncadd.s32 $0xFFFFE000  }
0x27f: {  	[tilespmem:s21], [sflag:$0x4] =	stream.indirect.gather [hbm4b:s8+s15], $0x80, s20, s15, $0xb8;
	v63 =	vld [tilespmem:$0x0]  }
0x280: {  	_ =	swait.ge [sflag:s22], $0x2000  }
0x281: {  	[sflag:s22] =	ssyncset.done $0x0  }
0x282: {  	s14 =	simm.s32 $0x15200;
	[sflag:s22] =	ssyncadd.s32 $0xFFFFE000  }
0x283: {  	[spmem:s2] =	stream.indirect.scatter.add.f32 [tilespmem:s10], [sflag:$0x5], $0x80, s14, s15, $0xb8;
	v63 =	vld [tilespmem:$0x0]  }
0x284: {  	_ =	swait.ge [sflag:s29], $0x2000  }
0x285: {  	[sflag:s29] =	ssyncset.done $0x0  }
0x286: {  	s16 =	simm.s32 $0x17400;
	[sflag:s29] =	ssyncadd.s32 $0xFFFFE000  }
0x287: {  	[tilespmem:s10], [sflag:$0x1] =	stream.indirect.gather [hbm4b:s8+s15], $0x80, s16, s15, $0xb8;
	v63 =	vld [tilespmem:$0x0]  }
0x288: {  	_ =	swait.ge [sflag:s7], $0x2000  }
0x289: {  	[sflag:s7] =	ssyncset.done $0x0  }
0x28a: {  	s20 =	simm.s32 $0x15280;
	[sflag:s7] =	ssyncadd.s32 $0xFFFFE000  }
0x28b: {  	[spmem:s2] =	stream.indirect.scatter.add.f32 [tilespmem:s17], [sflag:$0x6], $0x80, s20, s15, $0xb8;
	v63 =	vld [tilespmem:$0x0]  }
0x28c: {  	_ =	swait.ge [sflag:s24], $0x2000  }
0x28d: {  	[sflag:s24] =	ssyncset.done $0x0  }
0x28e: {  	s14 =	simm.s32 $0x17480;
	[sflag:s24] =	ssyncadd.s32 $0xFFFFE000  }
0x28f: {  	[tilespmem:s17], [sflag:$0x2] =	stream.indirect.gather [hbm4b:s8+s15], $0x80, s14, s15, $0xb8;
	v63 =	vld [tilespmem:$0x0]  }
0x290: {  	_ =	swait.ge [sflag:s28], $0x2000  }
0x291: {  	[sflag:s28] =	ssyncset.done $0x0  }
0x292: {  	s16 =	simm.s32 $0x15300;
	[sflag:s28] =	ssyncadd.s32 $0xFFFFE000  }
0x293: {  	[spmem:s2] =	stream.indirect.scatter.add.f32 [tilespmem:s19], [sflag:$0x7], $0x80, s16, s15, $0xb8;
	v63 =	vld [tilespmem:$0x0]  }
0x294: {  	_ =	swait.ge [sflag:s12], $0x2000  }
0x295: {  	[sflag:s12] =	ssyncset.done $0x0  }
0x296: {  	s20 =	simm.s32 $0x17500;
	[sflag:s12] =	ssyncadd.s32 $0xFFFFE000  }
0x297: {  	[tilespmem:s19], [sflag:$0x3] =	stream.indirect.gather [hbm4b:s8+s15], $0x80, s20, s15, $0xb8;
	v63 =	vld [tilespmem:$0x0]  }
0x298: {  	_ =	swait.ge [sflag:s3], $0x2000  }
0x299: {  	[sflag:s3] =	ssyncset.done $0x0  }
0x29a: {  	s11 =	simm.s32 $0x800;
	s16 =	simm.s32 $0x15380;
	[sflag:s3] =	ssyncadd.s32 $0xFFFFE000  }
.LBB2_6:
0x29b: {  	[spmem:s2] =	stream.indirect.scatter.add.f32 [tilespmem:s21], [sflag:$0x8], $0x80, s16, s15, $0xb8;
	v63 =	vld [tilespmem:$0x0]  }
0x29c: {  	s14 =	smov.u32 s11  }
0x29d: {  	p1 =	sne.s32 s11, $0x2800;
	s11 =	sadd.s32 $0x800, s11;
	_ =	swait.ge [sflag:s18], $0x2000  }
0x29e: {  	s16 =	sshra.s32 s14, $0x2;
	[sflag:s18] =	ssyncset.done $0x0  }
0x29f: {  	s14 =	sadd.s32 $0x17380, s16;
	[sflag:s18] =	ssyncadd.s32 $0xFFFFE000  }
0x2a0: {  	[tilespmem:s21], [sflag:$0x4] =	stream.indirect.gather [hbm4b:s8+s15], $0x80, s14, s15, $0xb8;
	v63 =	vld [tilespmem:$0x0]  }
0x2a1: {  	_ =	swait.ge [sflag:s22], $0x2000  }
0x2a2: {  	[sflag:s22] =	ssyncset.done $0x0  }
0x2a3: {  	s14 =	sadd.s32 $0x15200, s16;
	[sflag:s22] =	ssyncadd.s32 $0xFFFFE000  }
0x2a4: {  	[spmem:s2] =	stream.indirect.scatter.add.f32 [tilespmem:s10], [sflag:$0x5], $0x80, s14, s15, $0xb8;
	v63 =	vld [tilespmem:$0x0]  }
0x2a5: {  	_ =	swait.ge [sflag:s29], $0x2000  }
0x2a6: {  	[sflag:s29] =	ssyncset.done $0x0  }
0x2a7: {  	s14 =	sadd.s32 $0x17400, s16;
	[sflag:s29] =	ssyncadd.s32 $0xFFFFE000  }
0x2a8: {  	[tilespmem:s10], [sflag:$0x1] =	stream.indirect.gather [hbm4b:s8+s15], $0x80, s14, s15, $0xb8;
	v63 =	vld [tilespmem:$0x0]  }
0x2a9: {  	_ =	swait.ge [sflag:s7], $0x2000  }
0x2aa: {  	[sflag:s7] =	ssyncset.done $0x0  }
0x2ab: {  	s14 =	sadd.s32 $0x15280, s16;
	[sflag:s7] =	ssyncadd.s32 $0xFFFFE000  }
0x2ac: {  	[spmem:s2] =	stream.indirect.scatter.add.f32 [tilespmem:s17], [sflag:$0x6], $0x80, s14, s15, $0xb8;
	v63 =	vld [tilespmem:$0x0]  }
0x2ad: {  	_ =	swait.ge [sflag:s24], $0x2000  }
0x2ae: {  	[sflag:s24] =	ssyncset.done $0x0  }
0x2af: {  	s14 =	sadd.s32 $0x17480, s16;
	[sflag:s24] =	ssyncadd.s32 $0xFFFFE000  }
0x2b0: {  	[tilespmem:s17], [sflag:$0x2] =	stream.indirect.gather [hbm4b:s8+s15], $0x80, s14, s15, $0xb8;
	v63 =	vld [tilespmem:$0x0]  }
0x2b1: {  	_ =	swait.ge [sflag:s28], $0x2000  }
0x2b2: {  	[sflag:s28] =	ssyncset.done $0x0  }
0x2b3: {  	s14 =	sadd.s32 $0x15300, s16;
	[sflag:s28] =	ssyncadd.s32 $0xFFFFE000  }
0x2b4: {  	[spmem:s2] =	stream.indirect.scatter.add.f32 [tilespmem:s19], [sflag:$0x7], $0x80, s14, s15, $0xb8;
	v63 =	vld [tilespmem:$0x0]  }
0x2b5: {  	_ =	swait.ge [sflag:s12], $0x2000  }
0x2b6: {  	[sflag:s12] =	ssyncset.done $0x0  }
.Ltmp8:
0x2b7: {  	s14 =	sadd.s32 $0x17500, s16;
	[sflag:s12] =	ssyncadd.s32 $0xFFFFE000;
	(pc) =	sbr.rel @p1 .LBB2_6-.Ltmp8, $4  }
0x2b8: {  	[tilespmem:s19], [sflag:$0x3] =	stream.indirect.gather [hbm4b:s8+s15], $0x80, s14, s15, $0xb8;
	v63 =	vld [tilespmem:$0x0]  }
0x2b9: {  	_ =	swait.ge [sflag:s3], $0x2000  }
0x2ba: {  	[sflag:s3] =	ssyncset.done $0x0  }
0x2bb: {  	s16 =	sadd.s32 $0x15380, s16;
	[sflag:s3] =	ssyncadd.s32 $0xFFFFE000  }
0x2bc: {  	[spmem:s2] =	stream.indirect.scatter.add.f32 [tilespmem:s21], [sflag:$0x8], $0x80, s16, s15, $0xb8;
	v63 =	vld [tilespmem:$0x0]  }
0x2bd: {  	_ =	swait.ge [sflag:s18], $0x2000  }
0x2be: {  	[sflag:s18] =	ssyncset.done $0x0  }
0x2bf: {  	s11 =	simm.s32 $0x17F80;
	[sflag:s18] =	ssyncadd.s32 $0xFFFFE000  }
0x2c0: {  	[tilespmem:s21], [sflag:$0x4] =	stream.indirect.gather [hbm4b:s8+s15], $0x80, s11, s15, $0xb8;
	v63 =	vld [tilespmem:$0x0]  }
0x2c1: {  	_ =	swait.ge [sflag:s22], $0x2000  }
0x2c2: {  	[sflag:s22] =	ssyncset.done $0x0  }
0x2c3: {  	s20 =	simm.s32 $0x15E00;
	[sflag:s22] =	ssyncadd.s32 $0xFFFFE000  }
0x2c4: {  	[spmem:s2] =	stream.indirect.scatter.add.f32 [tilespmem:s10], [sflag:$0x5], $0x80, s20, s15, $0xb8;
	v63 =	vld [tilespmem:$0x0]  }
0x2c5: {  	_ =	swait.ge [sflag:s29], $0x2000  }
0x2c6: {  	[sflag:s29] =	ssyncset.done $0x0  }
0x2c7: {  	[sflag:s29] =	ssyncadd.s32 $0xFFFFE000  }
0x2c8: {  	_ =	swait.ge [sflag:s7], $0x2000  }
0x2c9: {  	[sflag:s7] =	ssyncset.done $0x0  }
0x2ca: {  	s14 =	simm.s32 $0x15E80;
	[sflag:s7] =	ssyncadd.s32 $0xFFFFE000  }
0x2cb: {  	[spmem:s2] =	stream.indirect.scatter.add.f32 [tilespmem:s17], [sflag:$0x6], $0x80, s14, s15, $0xb8;
	v63 =	vld [tilespmem:$0x0]  }
0x2cc: {  	_ =	swait.ge [sflag:s24], $0x2000  }
0x2cd: {  	[sflag:s24] =	ssyncset.done $0x0  }
0x2ce: {  	[sflag:s24] =	ssyncadd.s32 $0xFFFFE000  }
0x2cf: {  	_ =	swait.ge [sflag:s28], $0x2000  }
0x2d0: {  	[sflag:s28] =	ssyncset.done $0x0  }
0x2d1: {  	s16 =	simm.s32 $0x15F00;
	[sflag:s28] =	ssyncadd.s32 $0xFFFFE000  }
0x2d2: {  	[spmem:s2] =	stream.indirect.scatter.add.f32 [tilespmem:s19], [sflag:$0x7], $0x80, s16, s15, $0xb8;
	v63 =	vld [tilespmem:$0x0]  }
0x2d3: {  	_ =	swait.ge [sflag:s12], $0x2000  }
0x2d4: {  	[sflag:s12] =	ssyncset.done $0x0  }
0x2d5: {  	[sflag:s12] =	ssyncadd.s32 $0xFFFFE000  }
0x2d6: {  	s31 =	sadd.s32 $0x1, s31;
	_ =	swait.ge [sflag:s3], $0x2000  }
0x2d7: {  	p1 =	sne.s32 s31, $0x5;
	[sflag:s3] =	ssyncset.done $0x0  }
.Ltmp9:
0x2d8: {  	s20 =	simm.s32 $0x15F80;
	[sflag:s3] =	ssyncadd.s32 $0xFFFFE000;
	(pc) =	sbr.rel @p1 .LBB2_3-.Ltmp9, $4  }
0x2d9: {  	[spmem:s2] =	stream.indirect.scatter.add.f32 [tilespmem:s21], [sflag:$0x8], $0x80, s20, s15, $0xb8;
	v63 =	vld [tilespmem:$0x0]  }
0x2da: {  	_ =	swait.ge [sflag:s18], $0x2000  }
0x2db: {  	[sflag:s18] =	ssyncset.done $0x0  }
0x2dc: {  	[sflag:s18] =	ssyncadd.s32 $0xFFFFE000  }
.Ltmp10:
0x2dd: {  	(pc) =	sbr.rel .LBB2_16-.Ltmp10, $3  }
0x2de: {  	_ =	sdelay $0x1  }
0x2df: {  	s1 =	rddreg [dreg:$0x6]  }
0x2e0: {  	s14 =	rddreg [dreg:$0x3]  }
.LBB2_17:
0x2e1: {  	_ =	sfence.sel $0x180000  }
0x2e2: {  	[bflag:$0x0] =	sbarrier.arrive $0xFFFF  }
0x2e3: {  	_ =	strace $0x90000047  }
0x2e4: {  	s0 =	stileid.u32;
	[bflag:$0x2] =	sbarrier.arrive $0xFFFF  }
0x2e5: {  	p0 =	sne.s32 s0, $0x0;
	s0 =	rddreg [dreg:$0x2]  }
0x2e6: {  	s0 =	sadd.s32 @!p0 $0x100000, s0  }
0x2e7: {  	[sflag:s0] =	ssyncadd.tile.s32 @!p0 $0x1;
	_ =	shalt  }
.Lfunc_end2:
_tile_overlayer_lowered:
.L_overlay_start_2:
0x2e8: {  	(tag) =	ssettag $0x2  }
0x2e9: {  	s0 =	rddreg [dreg:$0x0];
	s2 =	stileid.u32  }
0x2ea: {  	s1 =	rddreg [dreg:$0x1];
	p0 =	sne.s32 s2, $0x0  }
0x2eb: {  	s3 =	rddreg [dreg:$0x2];
	[bflag:$0x3] =	sbarrier.arrive $0xFFFF;
	s2 =	simm.s32 @!p0 $0x1C0B  }
0x2ec: {  	[timem:s3], [sflag:s2] =	dma.local @!p0 [hbm:s0], s1  }
0x2ed: {  	s0 =	simm.s32 @!p0 $0xB  }
0x2ee: {  	_ =	swait.ge @!p0 [sflag:s0], s1  }
0x2ef: {  	s1 =	ssub.s32 @!p0 $0x0, s1;
	[sflag:s0] =	ssyncset.done @!p0 $0x0  }
0x2f0: {  	[sflag:s0] =	ssyncadd.s32 @!p0 s1  }
0x2f1: {  	[bflag:$0x3] =	sbarrier.arrive $0xFFFF  }
0x2f2: {  	_ =	shalt  }

</sc_bundles>
